<compile_context>
chip_gen: v7x
topology: tpu7x:2x2x1
jax: 0.10.2.dev20260603
libtpu: 0.0.44.dev20260713+nightly
codegen_flags: <defaults>
</compile_context>

<pallas_src>
import functools

import jax
import jax.numpy as jnp
from jax import lax
from jax.experimental import pallas as pl
from jax.experimental.pallas import tpu as pltpu
from jax.experimental.pallas import tpu_sc as plsc

N = 10000
E = 320000
D = 128
NEG = 0.05

CH = 32
NCHUNK = E // CH
NCH_PER = -(-NCHUNK // 16)
NGRP = N // 16
NDR = 1264
F32 = jnp.float32
I32 = jnp.int32

_FP = 2 * N
_T2 = _FP
_WA = _FP + 64
_WB = _FP + 128
TABSZ = _FP + 192


def _leaky(z):
    return jnp.where(z >= 0, z, NEG * z)


def _h_body(x_ref, wn_ref, a_ref, h_ref, s12_ref, t1_ref):
    hb = jnp.dot(x_ref[...], wn_ref[...], preferred_element_type=F32)
    h_ref[...] = hb
    sc = jnp.dot(hb, a_ref[...], preferred_element_type=F32)
    s12_ref[...] = sc[:, 0:2]
    t1_ref[...] = sc[:, 2:3]


def _tc_h(x, w_node, a_mat):
    bn = 1000
    return pl.pallas_call(
        _h_body,
        grid=(N // bn,),
        in_specs=[
            pl.BlockSpec((bn, D), lambda i: (i, 0)),
            pl.BlockSpec((D, D), lambda i: (0, 0)),
            pl.BlockSpec((D, 8), lambda i: (0, 0)),
        ],
        out_specs=[
            pl.BlockSpec((bn, D), lambda i: (i, 0)),
            pl.BlockSpec((bn, 2), lambda i: (i, 0)),
            pl.BlockSpec((bn, 1), lambda i: (i, 0)),
        ],
        out_shape=[
            jax.ShapeDtypeStruct((N, D), F32),
            jax.ShapeDtypeStruct((N, 2), F32),
            jax.ShapeDtypeStruct((N, 1), F32),
        ],
    )(x, w_node, a_mat)


def _g_body(ea_ref, we_ref, b2_ref, g_ref, t2_ref):
    gb = jnp.dot(ea_ref[...], we_ref[...], preferred_element_type=F32)
    g_ref[...] = gb
    t2_ref[...] = jnp.sum(gb * b2_ref[...], axis=1, keepdims=True)


def _tc_g(edge_attr, w_edge, b2row):
    be = 2000
    fe = edge_attr.shape[1]
    return pl.pallas_call(
        _g_body,
        grid=(E // be,),
        in_specs=[
            pl.BlockSpec((be, fe), lambda i: (i, 0)),
            pl.BlockSpec((fe, D), lambda i: (0, 0)),
            pl.BlockSpec((1, D), lambda i: (0, 0)),
        ],
        out_specs=[
            pl.BlockSpec((be, D), lambda i: (i, 0)),
            pl.BlockSpec((be, 1), lambda i: (i, 0)),
        ],
        out_shape=[
            jax.ShapeDtypeStruct((E, D), F32),
            jax.ShapeDtypeStruct((E, 1), F32),
        ],
    )(edge_attr, w_edge, b2row)


def _sc_body(h_hbm, g_hbm, s12_hbm, t1_hbm, t2_hbm, row_hbm, col_hbm,
             zn_hbm, zd_hbm,
             outn_hbm, oute_hbm,
             bufA, tab, bufD, ia, ib, iash, ig, finN,
             accum, dacc, sem):
    c = lax.axis_index("c")
    s = lax.axis_index("s")
    iota16 = lax.iota(I32, 16)
    zeros16i = jnp.zeros((16,), I32)
    ones16i = jnp.ones((16,), I32)
    zeros16f = jnp.zeros((16,), F32)
    onehot0 = iota16 == 0
    cnt_row = jnp.where(iota16 == 1, 1.0, 0.0).astype(F32)
    onehot0f = jnp.where(onehot0, 1.0, 0.0).astype(F32)
    onehot1f = cnt_row
    ones16f = jnp.ones((16,), F32)

    def _zb(r, carry):
        for q in range(8):
            bufA[r, pl.ds(q * 16, 16)] = zeros16f
            bufD[r, pl.ds(q * 16, 16)] = zeros16f
        return carry
    lax.fori_loop(0, CH, _zb, 0)

    def _zero_acc(k, carry):
        rg = s + 16 * k

        @pl.when(rg < NGRP)
        def _do():
            ig[...] = iota16 + rg * 16
            pltpu.sync_copy(bufA.at[pl.ds(0, 16), :], accum.at[ig])

        @pl.when(rg < NDR // 16)
        def _dod():
            ig[...] = iota16 + rg * 16
            pltpu.sync_copy(bufD.at[pl.ds(0, 16), :], dacc.at[ig])
        return carry
    lax.fori_loop(0, 40, _zero_acc, 0)

    plsc.subcore_barrier()

    @pl.when(c == 0)
    def _node_part():
        pltpu.sync_copy(s12_hbm, tab.at[pl.ds(0, 2 * N)])

        def _chunk(k, carry):
            idx = s + 16 * k

            @pl.when(idx < NCHUNK)
            def _body():
                _node_chunk(idx)
            return carry

        def _node_chunk(idx):
            base = idx * CH
            pltpu.sync_copy(row_hbm.at[pl.ds(base, CH)], ia)
            pltpu.sync_copy(col_hbm.at[pl.ds(base, CH)], ib)
            for gi in range(CH // 16):
                i16 = ia[pl.ds(gi * 16, 16)]
                j16 = ib[pl.ds(gi * 16, 16)]
                s1i = plsc.load_gather(tab, [i16 * 2])
                s2j = plsc.load_gather(tab, [j16 * 2 + 1])
                w = jnp.exp(_leaky(s1i + s2j))
                tab[pl.ds(_WA + gi * 16, 16)] = w
                rows16 = iota16 + gi * 16
                cols16 = (i16 & 7) * 16
                plsc.store_scatter(bufD, [rows16, cols16], w)
                plsc.store_scatter(bufD, [rows16, cols16 + 1], ones16f)
                iash[pl.ds(gi * 16, 16)] = lax.shift_right_logical(i16, 3)
            pltpu.async_copy(h_hbm.at[ib], bufA, sem).wait()

            def _scale(r, cc):
                ws = plsc.load_gather(tab, [jnp.full((16,), _WA, I32) + r])
                for q in range(8):
                    bufA[r, pl.ds(q * 16, 16)] = bufA[r, pl.ds(q * 16, 16)] * ws
                return cc
            lax.fori_loop(0, CH, _scale, 0)

            pltpu.sync_copy(bufA, accum.at[ia], add=True)
            pltpu.sync_copy(bufD, dacc.at[iash], add=True)
            for gi in range(CH // 16):
                i16 = ia[pl.ds(gi * 16, 16)]
                rows16 = iota16 + gi * 16
                cols16 = (i16 & 7) * 16
                plsc.store_scatter(bufD, [rows16, cols16], zeros16f)
                plsc.store_scatter(bufD, [rows16, cols16 + 1], zeros16f)
        lax.fori_loop(0, NCH_PER, _chunk, 0)

    @pl.when(c == 1)
    def _edge_part():
        pltpu.sync_copy(t1_hbm, tab.at[pl.ds(0, N)])

        def _chunk(k, carry):
            idx = s + 16 * k

            @pl.when(idx < NCHUNK)
            def _body():
                _edge_chunk(idx)
            return carry

        def _edge_chunk(idx):
            base = idx * CH
            pltpu.sync_copy(row_hbm.at[pl.ds(base, CH)], ia)
            pltpu.sync_copy(col_hbm.at[pl.ds(base, CH)], ib)
            pltpu.sync_copy(t2_hbm.at[pl.ds(base, CH)], tab.at[pl.ds(_T2, CH)])
            pltpu.sync_copy(g_hbm.at[pl.ds(base, CH), :], bufA)
            for gi in range(CH // 16):
                r16 = ia[pl.ds(gi * 16, 16)]
                c16 = ib[pl.ds(gi * 16, 16)]
                t1r = plsc.load_gather(tab, [r16])
                t1c = plsc.load_gather(tab, [c16])
                t2v = tab[pl.ds(_T2 + gi * 16, 16)]
                er = _leaky(t1r + t2v)
                ec = _leaky(t1c + t2v)
                wr = jnp.exp(er)
                ratio = jnp.exp(ec - er)
                tab[pl.ds(_WA + gi * 16, 16)] = wr
                tab[pl.ds(_WB + gi * 16, 16)] = ratio
                rows16 = iota16 + gi * 16
                cols16 = (r16 & 7) * 16
                plsc.store_scatter(bufD, [rows16, cols16], wr)
                plsc.store_scatter(bufD, [rows16, cols16 + 1], ones16f)
                iash[pl.ds(gi * 16, 16)] = lax.shift_right_logical(r16, 3)

            def _scale1(r, cc):
                wrs = plsc.load_gather(tab, [jnp.full((16,), _WA, I32) + r])
                for q in range(8):
                    bufA[r, pl.ds(q * 16, 16)] = bufA[r, pl.ds(q * 16, 16)] * wrs
                return cc
            lax.fori_loop(0, CH, _scale1, 0)

            pltpu.sync_copy(bufA, accum.at[ia], add=True)
            pltpu.sync_copy(bufD, dacc.at[iash], add=True)
            for gi in range(CH // 16):
                r16 = ia[pl.ds(gi * 16, 16)]
                c16 = ib[pl.ds(gi * 16, 16)]
                rows16 = iota16 + gi * 16
                colr = (r16 & 7) * 16
                plsc.store_scatter(bufD, [rows16, colr], zeros16f)
                plsc.store_scatter(bufD, [rows16, colr + 1], zeros16f)
                wc = (tab[pl.ds(_WA + gi * 16, 16)]
                      * tab[pl.ds(_WB + gi * 16, 16)])
                colc = (c16 & 7) * 16
                plsc.store_scatter(bufD, [rows16, colc], wc)
                plsc.store_scatter(bufD, [rows16, colc + 1], ones16f)
                iash[pl.ds(gi * 16, 16)] = lax.shift_right_logical(c16, 3)

            def _scale2(r, cc):
                rs = plsc.load_gather(tab, [jnp.full((16,), _WB, I32) + r])
                for q in range(8):
                    bufA[r, pl.ds(q * 16, 16)] = bufA[r, pl.ds(q * 16, 16)] * rs
                return cc
            lax.fori_loop(0, CH, _scale2, 0)

            pltpu.sync_copy(bufA, accum.at[ib], add=True)
            pltpu.sync_copy(bufD, dacc.at[iash], add=True)
            for gi in range(CH // 16):
                c16 = ib[pl.ds(gi * 16, 16)]
                rows16 = iota16 + gi * 16
                colc = (c16 & 7) * 16
                plsc.store_scatter(bufD, [rows16, colc], zeros16f)
                plsc.store_scatter(bufD, [rows16, colc + 1], zeros16f)
        lax.fori_loop(0, NCH_PER, _chunk, 0)

    plsc.subcore_barrier()

    def _finalize(out_ref, with_self):
        def _grp(k, carry):
            rg = s + 16 * k

            @pl.when(rg < NGRP)
            def _do():
                nb = rg * 16
                ig[...] = iota16 + nb
                pltpu.async_copy(accum.at[ig], finN, sem).wait()
                ig[...] = lax.shift_right_logical(iota16 + nb, 3)
                pltpu.async_copy(dacc.at[ig], bufD.at[pl.ds(0, 16), :], sem).wait()
                if with_self:
                    pltpu.sync_copy(h_hbm.at[pl.ds(nb, 16), :],
                                    bufA.at[pl.ds(16, 16), :])

                def _rows(r, cc):
                    rowd = bufD[r, pl.ds((r & 7) * 16, 16)]
                    den = jnp.full((16,), jnp.sum(rowd * onehot0f), F32)
                    cnt = jnp.full((16,), jnp.sum(rowd * onehot1f), F32)
                    if with_self:
                        wsr = (plsc.load_gather(tab, [jnp.full((16,), 2, I32)
                                                      * (nb + r)])
                               + plsc.load_gather(tab, [jnp.full((16,), 2, I32)
                                                        * (nb + r) + 1]))
                        wsr = jnp.exp(_leaky(wsr))
                        den = den + wsr
                        cnt = cnt + 1.0
                    inv = jnp.where(
                        den > 0, 1.0 / (den * jnp.maximum(cnt, 1.0)), 0.0)
                    for q in range(8):
                        v = finN[r, pl.ds(q * 16, 16)]
                        if with_self:
                            v = v + wsr * bufA[16 + r, pl.ds(q * 16, 16)]
                        finN[r, pl.ds(q * 16, 16)] = _leaky(v * inv)
                    return cc
                lax.fori_loop(0, 16, _rows, 0)

                pltpu.sync_copy(finN, out_ref.at[pl.ds(nb, 16), :])
            return carry
        lax.fori_loop(0, 40, _grp, 0)

    @pl.when(c == 0)
    def _fin_node():
        _finalize(outn_hbm, True)

    @pl.when(c == 1)
    def _fin_edge():
        _finalize(oute_hbm, False)


def kernel(x, edge_attr, edge_index, W_node, W_edge, a_node, a_edge):
    a_mat = jnp.zeros((D, 8), F32)
    a_mat = a_mat.at[:, 0].set(a_node[:D])
    a_mat = a_mat.at[:, 1].set(a_node[D:])
    a_mat = a_mat.at[:, 2].set(a_edge[:D])
    b2row = a_edge[D:].reshape(1, D)

    h, s12, t1 = _tc_h(x, W_node, a_mat)
    g, t2 = _tc_g(edge_attr, W_edge, b2row)
    s12 = s12.reshape(-1)
    t1 = t1.reshape(-1)
    t2 = t2.reshape(-1)

    row = edge_index[0]
    col = edge_index[1]

    mesh = plsc.VectorSubcoreMesh(core_axis_name="c", subcore_axis_name="s")
    sc = functools.partial(
        pl.kernel,
        out_type=[
            jax.ShapeDtypeStruct((N, D), F32),
            jax.ShapeDtypeStruct((N, D), F32),
        ],
        mesh=mesh,
        compiler_params=pltpu.CompilerParams(needs_layout_passes=False),
        scratch_types=[
            pltpu.VMEM((CH, D), F32),
            pltpu.VMEM((TABSZ,), F32),
            pltpu.VMEM((CH, D), F32),
            pltpu.VMEM((CH,), I32),
            pltpu.VMEM((CH,), I32),
            pltpu.VMEM((CH,), I32),
            pltpu.VMEM((16,), I32),
            pltpu.VMEM((16, D), F32),
            pltpu.VMEM_SHARED((N, D), F32),
            pltpu.VMEM_SHARED((NDR, D), F32),
            pltpu.SemaphoreType.DMA,
        ],
    )(_sc_body)
    zn = jnp.zeros((16, D), F32)
    zd = jnp.zeros((128, 16), F32)
    out_n, out_e = sc(h, g, s12, t1, t2, row, col, zn, zd)
    return jnp.concatenate([out_n, out_e], axis=-1)

# --- scband reference (transcript-rebuilt; emitter-appended) ---
"""Pipeline reference for scband-node-attention-layer-50938312131111 (READ-ONLY COPY).

The authoritative reference and input builder live on the scoring server;
editing this copy changes nothing except your own understanding.
"""

import jax, jax.numpy as jnp
import numpy as np

N = 10000
E = 320000
F_N = 128
F_E = 16
D = 128
NEG_SLOPE = 0.05


def _leaky(z):
    return jnp.where(z >= 0, z, NEG_SLOPE * z)


def _segment_softmax(e, idx, num_segments):
    m = jax.ops.segment_max(e, idx, num_segments=num_segments)
    m = jnp.where(jnp.isfinite(m), m, 0.0)
    ex = jnp.exp(e - m[idx])
    s = jax.ops.segment_sum(ex, idx, num_segments=num_segments)
    return ex / (s[idx] + 1e-16)


def _segment_mean(vals, idx, num_segments):
    s = jax.ops.segment_sum(vals, idx, num_segments=num_segments)
    cnt = jax.ops.segment_sum(jnp.ones((idx.shape[0],), jnp.float32), idx, num_segments=num_segments)
    return s / jnp.clip(cnt, 1.0)[:, None]


def setup_inputs(seed: int = 0) -> dict:
    key = jax.random.key(seed)
    k1, k2, k3, k4, k5, k6, k7 = jax.random.split(key, 7)
    x = jax.random.normal(k1, (N, F_N), dtype=jnp.float32)
    edge_attr = jax.random.normal(k2, (E, F_E), dtype=jnp.float32)
    edge_index = jax.random.randint(k3, (2, E), 0, N, dtype=jnp.int32)
    W_node = jax.random.normal(k4, (F_N, D), dtype=jnp.float32) * (1.0 / np.sqrt(F_N))
    W_edge = jax.random.normal(k5, (F_E, D), dtype=jnp.float32) * (1.0 / np.sqrt(F_E))
    a_node = jax.random.normal(k6, (2 * D,), dtype=jnp.float32) * (1.0 / np.sqrt(2 * D))
    a_edge = jax.random.normal(k7, (2 * D,), dtype=jnp.float32) * (1.0 / np.sqrt(2 * D))
    return {"x": x, "edge_attr": edge_attr, "edge_index": edge_index,
            "W_node": W_node, "W_edge": W_edge, "a_node": a_node, "a_edge": a_edge}


def reference(x, edge_attr, edge_index, W_node, W_edge, a_node, a_edge):
    n_nodes = x.shape[0]
    n_edges = edge_index.shape[1]
    h = x @ W_node              # [N, D]
    g = edge_attr @ W_edge      # [E, D]

    # node->node attention with self-loops
    loop = jnp.arange(n_nodes, dtype=edge_index.dtype)
    i_idx = jnp.concatenate([edge_index[0], loop])
    j_idx = jnp.concatenate([edge_index[1], loop])
    e_n = _leaky(jnp.concatenate([h[i_idx], h[j_idx]], axis=-1) @ a_node)
    alpha_n = _segment_softmax(e_n, i_idx, n_nodes)
    x_from_nodes = _segment_mean(alpha_n[:, None] * h[j_idx], i_idx, n_nodes)

    # edge->node attention (no self-loops)
    row, col = edge_index[0], edge_index[1]
    i_idx_e = jnp.concatenate([row, col])
    k_arange = jnp.arange(n_edges, dtype=edge_index.dtype)
    k_idx_e = jnp.concatenate([k_arange, k_arange])
    e_e = _leaky(jnp.concatenate([h[i_idx_e], g[k_idx_e]], axis=-1) @ a_edge)
    alpha_e = _segment_softmax(e_e, i_idx_e, n_nodes)
    x_from_edges = _segment_mean(alpha_e[:, None] * g[k_idx_e], i_idx_e, n_nodes)

    x_from_nodes = _leaky(x_from_nodes)
    x_from_edges = _leaky(x_from_edges)
    return jnp.concatenate([x_from_nodes, x_from_edges], axis=-1)

if __name__ == "__main__":
    import jax
    _d = setup_inputs()
    print(jax.jit(kernel)(*tuple(_d.values())))

</pallas_src>

<mosaic_0001>
#map = affine_map<(d0, d1) -> (0, 0)>
#map1 = affine_map<(d0, d1) -> (0)>
module attributes {stable_mosaic.version = 14 : i64} {
  func.func @_sc_body(%arg0: i32, %arg1: i32, %arg2: memref<10000x128xf32, #tpu.memory_space<hbm>>, %arg3: memref<320000x128xf32, #tpu.memory_space<hbm>>, %arg4: memref<20000xf32, #tpu.memory_space<hbm>>, %arg5: memref<10000xf32, #tpu.memory_space<hbm>>, %arg6: memref<320000xf32, #tpu.memory_space<hbm>>, %arg7: memref<320000xi32, #tpu.memory_space<hbm>>, %arg8: memref<320000xi32, #tpu.memory_space<hbm>>, %arg9: memref<16x128xf32, #tpu.memory_space<hbm>>, %arg10: memref<128x16xf32, #tpu.memory_space<hbm>>, %arg11: memref<10000x128xf32, #tpu.memory_space<hbm>>, %arg12: memref<10000x128xf32, #tpu.memory_space<hbm>>, %arg13: memref<32x128xf32, #tpu.memory_space<vmem>>, %arg14: memref<20192xf32, #tpu.memory_space<vmem>>, %arg15: memref<32x128xf32, #tpu.memory_space<vmem>>, %arg16: memref<32xi32, #tpu.memory_space<vmem>>, %arg17: memref<32xi32, #tpu.memory_space<vmem>>, %arg18: memref<32xi32, #tpu.memory_space<vmem>>, %arg19: memref<16xi32, #tpu.memory_space<vmem>>, %arg20: memref<16x128xf32, #tpu.memory_space<vmem>>, %arg21: memref<10000x128xf32, #tpu.memory_space<vmem_shared>>, %arg22: memref<1264x128xf32, #tpu.memory_space<vmem_shared>>, %arg23: memref<!tpu.dma_semaphore, #tpu.memory_space<semaphore_mem>>) attributes {dimension_semantics = [#tpu.dimension_semantics<core_parallel>, #tpu.dimension_semantics<subcore_parallel>], iteration_bounds = array<i64: 2, 16>, scalar_prefetch = 0 : i64, scratch_operands = 11 : i64, tpu.core_type = #tpu.core_type<sc_vector_subcore>, window_params = [{transform_indices = #map}, {transform_indices = #map}, {transform_indices = #map1}, {transform_indices = #map1}, {transform_indices = #map1}, {transform_indices = #map1}, {transform_indices = #map1}, {transform_indices = #map}, {transform_indices = #map}, {transform_indices = #map}, {transform_indices = #map}]} {
    %iota3A = tpu.iota {dimensions = array<i32: 0>} : vector<16xi32>
    %broadcast_in_dim3A = arith.constant 0 : i32
    %broadcast_in_dim3A_0 = vector.broadcast %broadcast_in_dim3A : i32 to vector<16xi32>
    %broadcast_in_dim3A_1 = arith.constant 1 : i32
    %broadcast_in_dim3A_2 = vector.broadcast %broadcast_in_dim3A_1 : i32 to vector<16xi32>
    %broadcast_in_dim3A_3 = arith.constant 0.000000e+00 : f32
    %broadcast_in_dim3A_4 = vector.broadcast %broadcast_in_dim3A_3 : f32 to vector<16xf32>
    %eq3A = arith.constant 0 : i32
    %eq3A_5 = vector.broadcast %eq3A : i32 to vector<16xi32>
    %eq3A_6 = arith.cmpi eq, %iota3A, %eq3A_5 : vector<16xi32>
    %eq3A_7 = arith.constant 1 : i32
    %eq3A_8 = vector.broadcast %eq3A_7 : i32 to vector<16xi32>
    %eq3A_9 = arith.cmpi eq, %iota3A, %eq3A_8 : vector<16xi32>
    %jit3A = arith.constant 1.000000e+00 : f32
    %jit3A_10 = arith.constant 0.000000e+00 : f32
    %broadcast_in_dim3A_11 = vector.broadcast %jit3A : f32 to vector<16xf32>
    %broadcast_in_dim3A_12 = vector.broadcast %jit3A_10 : f32 to vector<16xf32>
    %select_n3A = arith.select %eq3A_9, %broadcast_in_dim3A_11, %broadcast_in_dim3A_12 : vector<16xi1>, vector<16xf32>
    %jit3A_13 = arith.constant 1.000000e+00 : f32
    %jit3A_14 = arith.constant 0.000000e+00 : f32
    %broadcast_in_dim3A_15 = vector.broadcast %jit3A_13 : f32 to vector<16xf32>
    %broadcast_in_dim3A_16 = vector.broadcast %jit3A_14 : f32 to vector<16xf32>
    %select_n3A_17 = arith.select %eq3A_6, %broadcast_in_dim3A_15, %broadcast_in_dim3A_16 : vector<16xi1>, vector<16xf32>
    %broadcast_in_dim3A_18 = arith.constant 1.000000e+00 : f32
    %broadcast_in_dim3A_19 = vector.broadcast %broadcast_in_dim3A_18 : f32 to vector<16xf32>
    %scan3A = arith.constant 0 : i32
    %scan3A_20 = arith.constant 0 : i32
    %scan3A_21 = arith.constant 32 : i32
    %scan3A_22 = arith.addi %scan3A_20, %scan3A_21 : i32
    %scan3A_23 = arith.constant 1 : i32
    scf.for %scan3A_50 = %scan3A_20 to %scan3A_22 step %scan3A_23  : i32 {
      %swap3A = arith.index_cast %scan3A_50 : i32 to index
      %swap3A_51 = arith.constant 0 : index
      %swap3A_52 = tpu.vector_load %arg13[%swap3A, %swap3A_51] {strides = array<i32>} : memref<32x128xf32, #tpu.memory_space<vmem>>, vector<16xf32>,
      tpu.vector_store %arg13[%swap3A, %swap3A_51], %broadcast_in_dim3A_4 {strides = array<i32>} : memref<32x128xf32, #tpu.memory_space<vmem>>, vector<16xf32>,
      %swap3A_53 = arith.index_cast %scan3A_50 : i32 to index
      %swap3A_54 = arith.constant 0 : index
      %swap3A_55 = tpu.vector_load %arg15[%swap3A_53, %swap3A_54] {strides = array<i32>} : memref<32x128xf32, #tpu.memory_space<vmem>>, vector<16xf32>,
      tpu.vector_store %arg15[%swap3A_53, %swap3A_54], %broadcast_in_dim3A_4 {strides = array<i32>} : memref<32x128xf32, #tpu.memory_space<vmem>>, vector<16xf32>,
      %swap3A_56 = arith.index_cast %scan3A_50 : i32 to index
      %swap3A_57 = arith.constant 16 : index
      %swap3A_58 = tpu.vector_load %arg13[%swap3A_56, %swap3A_57] {strides = array<i32>} : memref<32x128xf32, #tpu.memory_space<vmem>>, vector<16xf32>,
      tpu.vector_store %arg13[%swap3A_56, %swap3A_57], %broadcast_in_dim3A_4 {strides = array<i32>} : memref<32x128xf32, #tpu.memory_space<vmem>>, vector<16xf32>,
      %swap3A_59 = arith.index_cast %scan3A_50 : i32 to index
      %swap3A_60 = arith.constant 16 : index
      %swap3A_61 = tpu.vector_load %arg15[%swap3A_59, %swap3A_60] {strides = array<i32>} : memref<32x128xf32, #tpu.memory_space<vmem>>, vector<16xf32>,
      tpu.vector_store %arg15[%swap3A_59, %swap3A_60], %broadcast_in_dim3A_4 {strides = array<i32>} : memref<32x128xf32, #tpu.memory_space<vmem>>, vector<16xf32>,
      %swap3A_62 = arith.index_cast %scan3A_50 : i32 to index
      %swap3A_63 = arith.constant 32 : index
      %swap3A_64 = tpu.vector_load %arg13[%swap3A_62, %swap3A_63] {strides = array<i32>} : memref<32x128xf32, #tpu.memory_space<vmem>>, vector<16xf32>,
      tpu.vector_store %arg13[%swap3A_62, %swap3A_63], %broadcast_in_dim3A_4 {strides = array<i32>} : memref<32x128xf32, #tpu.memory_space<vmem>>, vector<16xf32>,
      %swap3A_65 = arith.index_cast %scan3A_50 : i32 to index
      %swap3A_66 = arith.constant 32 : index
      %swap3A_67 = tpu.vector_load %arg15[%swap3A_65, %swap3A_66] {strides = array<i32>} : memref<32x128xf32, #tpu.memory_space<vmem>>, vector<16xf32>,
      tpu.vector_store %arg15[%swap3A_65, %swap3A_66], %broadcast_in_dim3A_4 {strides = array<i32>} : memref<32x128xf32, #tpu.memory_space<vmem>>, vector<16xf32>,
      %swap3A_68 = arith.index_cast %scan3A_50 : i32 to index
      %swap3A_69 = arith.constant 48 : index
      %swap3A_70 = tpu.vector_load %arg13[%swap3A_68, %swap3A_69] {strides = array<i32>} : memref<32x128xf32, #tpu.memory_space<vmem>>, vector<16xf32>,
      tpu.vector_store %arg13[%swap3A_68, %swap3A_69], %broadcast_in_dim3A_4 {strides = array<i32>} : memref<32x128xf32, #tpu.memory_space<vmem>>, vector<16xf32>,
      %swap3A_71 = arith.index_cast %scan3A_50 : i32 to index
      %swap3A_72 = arith.constant 48 : index
      %swap3A_73 = tpu.vector_load %arg15[%swap3A_71, %swap3A_72] {strides = array<i32>} : memref<32x128xf32, #tpu.memory_space<vmem>>, vector<16xf32>,
      tpu.vector_store %arg15[%swap3A_71, %swap3A_72], %broadcast_in_dim3A_4 {strides = array<i32>} : memref<32x128xf32, #tpu.memory_space<vmem>>, vector<16xf32>,
      %swap3A_74 = arith.index_cast %scan3A_50 : i32 to index
      %swap3A_75 = arith.constant 64 : index
      %swap3A_76 = tpu.vector_load %arg13[%swap3A_74, %swap3A_75] {strides = array<i32>} : memref<32x128xf32, #tpu.memory_space<vmem>>, vector<16xf32>,
      tpu.vector_store %arg13[%swap3A_74, %swap3A_75], %broadcast_in_dim3A_4 {strides = array<i32>} : memref<32x128xf32, #tpu.memory_space<vmem>>, vector<16xf32>,
      %swap3A_77 = arith.index_cast %scan3A_50 : i32 to index
      %swap3A_78 = arith.constant 64 : index
      %swap3A_79 = tpu.vector_load %arg15[%swap3A_77, %swap3A_78] {strides = array<i32>} : memref<32x128xf32, #tpu.memory_space<vmem>>, vector<16xf32>,
      tpu.vector_store %arg15[%swap3A_77, %swap3A_78], %broadcast_in_dim3A_4 {strides = array<i32>} : memref<32x128xf32, #tpu.memory_space<vmem>>, vector<16xf32>,
      %swap3A_80 = arith.index_cast %scan3A_50 : i32 to index
      %swap3A_81 = arith.constant 80 : index
      %swap3A_82 = tpu.vector_load %arg13[%swap3A_80, %swap3A_81] {strides = array<i32>} : memref<32x128xf32, #tpu.memory_space<vmem>>, vector<16xf32>,
      tpu.vector_store %arg13[%swap3A_80, %swap3A_81], %broadcast_in_dim3A_4 {strides = array<i32>} : memref<32x128xf32, #tpu.memory_space<vmem>>, vector<16xf32>,
      %swap3A_83 = arith.index_cast %scan3A_50 : i32 to index
      %swap3A_84 = arith.constant 80 : index
      %swap3A_85 = tpu.vector_load %arg15[%swap3A_83, %swap3A_84] {strides = array<i32>} : memref<32x128xf32, #tpu.memory_space<vmem>>, vector<16xf32>,
      tpu.vector_store %arg15[%swap3A_83, %swap3A_84], %broadcast_in_dim3A_4 {strides = array<i32>} : memref<32x128xf32, #tpu.memory_space<vmem>>, vector<16xf32>,
      %swap3A_86 = arith.index_cast %scan3A_50 : i32 to index
      %swap3A_87 = arith.constant 96 : index
      %swap3A_88 = tpu.vector_load %arg13[%swap3A_86, %swap3A_87] {strides = array<i32>} : memref<32x128xf32, #tpu.memory_space<vmem>>, vector<16xf32>,
      tpu.vector_store %arg13[%swap3A_86, %swap3A_87], %broadcast_in_dim3A_4 {strides = array<i32>} : memref<32x128xf32, #tpu.memory_space<vmem>>, vector<16xf32>,
      %swap3A_89 = arith.index_cast %scan3A_50 : i32 to index
      %swap3A_90 = arith.constant 96 : index
      %swap3A_91 = tpu.vector_load %arg15[%swap3A_89, %swap3A_90] {strides = array<i32>} : memref<32x128xf32, #tpu.memory_space<vmem>>, vector<16xf32>,
      tpu.vector_store %arg15[%swap3A_89, %swap3A_90], %broadcast_in_dim3A_4 {strides = array<i32>} : memref<32x128xf32, #tpu.memory_space<vmem>>, vector<16xf32>,
      %swap3A_92 = arith.index_cast %scan3A_50 : i32 to index
      %swap3A_93 = arith.constant 112 : index
      %swap3A_94 = tpu.vector_load %arg13[%swap3A_92, %swap3A_93] {strides = array<i32>} : memref<32x128xf32, #tpu.memory_space<vmem>>, vector<16xf32>,
      tpu.vector_store %arg13[%swap3A_92, %swap3A_93], %broadcast_in_dim3A_4 {strides = array<i32>} : memref<32x128xf32, #tpu.memory_space<vmem>>, vector<16xf32>,
      %swap3A_95 = arith.index_cast %scan3A_50 : i32 to index
      %swap3A_96 = arith.constant 112 : index
      %swap3A_97 = tpu.vector_load %arg15[%swap3A_95, %swap3A_96] {strides = array<i32>} : memref<32x128xf32, #tpu.memory_space<vmem>>, vector<16xf32>,
      tpu.vector_store %arg15[%swap3A_95, %swap3A_96], %broadcast_in_dim3A_4 {strides = array<i32>} : memref<32x128xf32, #tpu.memory_space<vmem>>, vector<16xf32>,
    }
    %scan3A_24 = arith.constant 32 : i32
    %scan3A_25 = arith.constant 0 : i32
    %scan3A_26 = arith.constant 0 : i32
    %scan3A_27 = arith.constant 40 : i32
    %scan3A_28 = arith.addi %scan3A_26, %scan3A_27 : i32
    %scan3A_29 = arith.constant 1 : i32
    scf.for %scan3A_50 = %scan3A_26 to %scan3A_28 step %scan3A_29  : i32 {
      %mul3A = arith.constant 16 : i32
      %mul3A_51 = arith.muli %mul3A, %scan3A_50 : i32
      %add3A = arith.addi %arg1, %mul3A_51 : i32
      %lt3A = arith.constant 625 : i32
      %lt3A_52 = arith.cmpi slt, %add3A, %lt3A : i32
      %convert_element_type3A_53 = arith.extui %lt3A_52 : i1 to i32
      %cond3A_54 = arith.constant 0 : i32
      %cond3A_55 = arith.cmpi ne, %convert_element_type3A_53, %cond3A_54 : i32
      scf.if %cond3A_55 {
        %mul3A_61 = arith.constant 16 : i32
        %mul3A_62 = arith.muli %add3A, %mul3A_61 : i32
        %add3A_63 = vector.broadcast %mul3A_62 : i32 to vector<16xi32>
        %add3A_64 = arith.addi %iota3A, %add3A_63 : vector<16xi32>
        %swap3A = arith.constant 0 : index
        %swap3A_65 = tpu.vector_load %arg19[%swap3A] {strides = array<i32>} : memref<16xi32, #tpu.memory_space<vmem>>, vector<16xi32>,
        tpu.vector_store %arg19[%swap3A], %add3A_64 {strides = array<i32>} : memref<16xi32, #tpu.memory_space<vmem>>, vector<16xi32>,
        "tpu.region"() ({
          %run_scoped3A = tpu.sem_alloc : memref<!tpu.dma_semaphore, #tpu.memory_space<semaphore_mem>>
          %dma_start3A = arith.constant 0 : i32
          %dma_start3A_66 = arith.constant 0 : i32
          %dma_start3A_67 = tpu.memref_slice %arg13[%dma_start3A, %dma_start3A_66] : memref<32x128xf32, #tpu.memory_space<vmem>> -> memref<16x128xf32, #tpu.memory_space<vmem>>
          %dma_start3A_68 = arith.constant 0 : i32
          %dma_start3A_69 = arith.constant 0 : i32
          %dma_start3A_70 = tpu.memref_slice %arg21[%dma_start3A_68, %dma_start3A_69] : memref<10000x128xf32, #tpu.memory_space<vmem_shared>> -> memref<10000x128xf32, #tpu.memory_space<vmem_shared>>
          tpu.enqueue_indirect_dma source(%dma_start3A_67 : memref<16x128xf32, #tpu.memory_space<vmem>>) target(%dma_start3A_70 : memref<10000x128xf32, #tpu.memory_space<vmem_shared>>) offsets(%arg19 : memref<16xi32, #tpu.memory_space<vmem>>) semaphore(%run_scoped3A : memref<!tpu.dma_semaphore, #tpu.memory_space<semaphore_mem>>)
          %dma_wait3A = arith.constant 0 : i32
          %dma_wait3A_71 = arith.constant 0 : i32
          %dma_wait3A_72 = tpu.memref_slice %arg13[%dma_wait3A, %dma_wait3A_71] : memref<32x128xf32, #tpu.memory_space<vmem>> -> memref<16x128xf32, #tpu.memory_space<vmem>>
          %dma_wait3A_73 = arith.constant 0 : i32
          %dma_wait3A_74 = arith.constant 0 : i32
          %dma_wait3A_75 = tpu.memref_slice %arg21[%dma_wait3A_73, %dma_wait3A_74] : memref<10000x128xf32, #tpu.memory_space<vmem_shared>> -> memref<10000x128xf32, #tpu.memory_space<vmem_shared>>
          tpu.wait_indirect_dma semaphore(%run_scoped3A : memref<!tpu.dma_semaphore, #tpu.memory_space<semaphore_mem>>) src(%dma_wait3A_72 : memref<16x128xf32, #tpu.memory_space<vmem>>) dst(%dma_wait3A_75 : memref<10000x128xf32, #tpu.memory_space<vmem_shared>>)
          tpu.yield
        }) : () -> ()
      } else {
      }
      %lt3A_56 = arith.constant 79 : i32
      %lt3A_57 = arith.cmpi slt, %add3A, %lt3A_56 : i32
      %convert_element_type3A_58 = arith.extui %lt3A_57 : i1 to i32
      %cond3A_59 = arith.constant 0 : i32
      %cond3A_60 = arith.cmpi ne, %convert_element_type3A_58, %cond3A_59 : i32
      scf.if %cond3A_60 {
        %mul3A_61 = arith.constant 16 : i32
        %mul3A_62 = arith.muli %add3A, %mul3A_61 : i32
        %add3A_63 = vector.broadcast %mul3A_62 : i32 to vector<16xi32>
        %add3A_64 = arith.addi %iota3A, %add3A_63 : vector<16xi32>
        %swap3A = arith.constant 0 : index
        %swap3A_65 = tpu.vector_load %arg19[%swap3A] {strides = array<i32>} : memref<16xi32, #tpu.memory_space<vmem>>, vector<16xi32>,
        tpu.vector_store %arg19[%swap3A], %add3A_64 {strides = array<i32>} : memref<16xi32, #tpu.memory_space<vmem>>, vector<16xi32>,
        "tpu.region"() ({
          %run_scoped3A = tpu.sem_alloc : memref<!tpu.dma_semaphore, #tpu.memory_space<semaphore_mem>>
          %dma_start3A = arith.constant 0 : i32
          %dma_start3A_66 = arith.constant 0 : i32
          %dma_start3A_67 = tpu.memref_slice %arg15[%dma_start3A, %dma_start3A_66] : memref<32x128xf32, #tpu.memory_space<vmem>> -> memref<16x128xf32, #tpu.memory_space<vmem>>
          %dma_start3A_68 = arith.constant 0 : i32
          %dma_start3A_69 = arith.constant 0 : i32
          %dma_start3A_70 = tpu.memref_slice %arg22[%dma_start3A_68, %dma_start3A_69] : memref<1264x128xf32, #tpu.memory_space<vmem_shared>> -> memref<1264x128xf32, #tpu.memory_space<vmem_shared>>
          tpu.enqueue_indirect_dma source(%dma_start3A_67 : memref<16x128xf32, #tpu.memory_space<vmem>>) target(%dma_start3A_70 : memref<1264x128xf32, #tpu.memory_space<vmem_shared>>) offsets(%arg19 : memref<16xi32, #tpu.memory_space<vmem>>) semaphore(%run_scoped3A : memref<!tpu.dma_semaphore, #tpu.memory_space<semaphore_mem>>)
          %dma_wait3A = arith.constant 0 : i32
          %dma_wait3A_71 = arith.constant 0 : i32
          %dma_wait3A_72 = tpu.memref_slice %arg15[%dma_wait3A, %dma_wait3A_71] : memref<32x128xf32, #tpu.memory_space<vmem>> -> memref<16x128xf32, #tpu.memory_space<vmem>>
          %dma_wait3A_73 = arith.constant 0 : i32
          %dma_wait3A_74 = arith.constant 0 : i32
          %dma_wait3A_75 = tpu.memref_slice %arg22[%dma_wait3A_73, %dma_wait3A_74] : memref<1264x128xf32, #tpu.memory_space<vmem_shared>> -> memref<1264x128xf32, #tpu.memory_space<vmem_shared>>
          tpu.wait_indirect_dma semaphore(%run_scoped3A : memref<!tpu.dma_semaphore, #tpu.memory_space<semaphore_mem>>) src(%dma_wait3A_72 : memref<16x128xf32, #tpu.memory_space<vmem>>) dst(%dma_wait3A_75 : memref<1264x128xf32, #tpu.memory_space<vmem_shared>>)
          tpu.yield
        }) : () -> ()
      } else {
      }
    }
    %scan3A_30 = arith.constant 40 : i32
    %barrier3A = arith.constant 0 : index
    tpu.barrier barrier_id(%barrier3A)
    %eq3A_31 = arith.constant 0 : i32
    %eq3A_32 = arith.cmpi eq, %arg0, %eq3A_31 : i32
    %convert_element_type3A = arith.extui %eq3A_32 : i1 to i32
    %cond3A = arith.constant 0 : i32
    %cond3A_33 = arith.cmpi ne, %convert_element_type3A, %cond3A : i32
    scf.if %cond3A_33 {
      "tpu.region"() ({
        %run_scoped3A = tpu.sem_alloc : memref<!tpu.dma_semaphore, #tpu.memory_space<semaphore_mem>>
        %dma_start3A = arith.constant 0 : i32
        %dma_start3A_56 = tpu.memref_slice %arg14[%dma_start3A] : memref<20192xf32, #tpu.memory_space<vmem>> -> memref<20000xf32, #tpu.memory_space<vmem>>
        %dma_start3A_57 = arith.constant 0 : i32
        %dma_start3A_58 = tpu.memref_slice %arg14[%dma_start3A_57] : memref<20192xf32, #tpu.memory_space<vmem>> -> memref<20000xf32, #tpu.memory_space<vmem>>
        tpu.enqueue_dma source(%arg4 : memref<20000xf32, #tpu.memory_space<hbm>>) target(%dma_start3A_58 : memref<20000xf32, #tpu.memory_space<vmem>>) target_semaphore(%run_scoped3A : memref<!tpu.dma_semaphore, #tpu.memory_space<semaphore_mem>>)
        %dma_wait3A = arith.constant 0 : i32
        %dma_wait3A_59 = tpu.memref_slice %arg14[%dma_wait3A] : memref<20192xf32, #tpu.memory_space<vmem>> -> memref<20000xf32, #tpu.memory_space<vmem>>
        %dma_wait3A_60 = arith.constant 0 : i32
        %dma_wait3A_61 = tpu.memref_slice %arg14[%dma_wait3A_60] : memref<20192xf32, #tpu.memory_space<vmem>> -> memref<20000xf32, #tpu.memory_space<vmem>>
        tpu.wait_dma2 semaphore(%run_scoped3A : memref<!tpu.dma_semaphore, #tpu.memory_space<semaphore_mem>>) src(%arg4 : memref<20000xf32, #tpu.memory_space<hbm>>) dst(%dma_wait3A_61 : memref<20000xf32, #tpu.memory_space<vmem>>)
        tpu.yield
      }) : () -> ()
      %scan3A_50 = arith.constant 0 : i32
      %scan3A_51 = arith.constant 0 : i32
      %scan3A_52 = arith.constant 625 : i32
      %scan3A_53 = arith.addi %scan3A_51, %scan3A_52 : i32
      %scan3A_54 = arith.constant 1 : i32
      scf.for %scan3A_56 = %scan3A_51 to %scan3A_53 step %scan3A_54  : i32 {
        %mul3A = arith.constant 16 : i32
        %mul3A_57 = arith.muli %mul3A, %scan3A_56 : i32
        %add3A = arith.addi %arg1, %mul3A_57 : i32
        %lt3A = arith.constant 10000 : i32
        %lt3A_58 = arith.cmpi slt, %add3A, %lt3A : i32
        %convert_element_type3A_59 = arith.extui %lt3A_58 : i1 to i32
        %cond3A_60 = arith.constant 0 : i32
        %cond3A_61 = arith.cmpi ne, %convert_element_type3A_59, %cond3A_60 : i32
        scf.if %cond3A_61 {
          %mul3A_62 = arith.constant 32 : i32
          %mul3A_63 = arith.muli %add3A, %mul3A_62 : i32
          "tpu.region"() ({
            %run_scoped3A = tpu.sem_alloc : memref<!tpu.dma_semaphore, #tpu.memory_space<semaphore_mem>>
            %dma_start3A_181 = tpu.memref_slice %arg7[%mul3A_63] : memref<320000xi32, #tpu.memory_space<hbm>> -> memref<32xi32, #tpu.memory_space<hbm>>
            %dma_start3A_182 = tpu.memref_slice %arg7[%mul3A_63] : memref<320000xi32, #tpu.memory_space<hbm>> -> memref<32xi32, #tpu.memory_space<hbm>>
            tpu.enqueue_dma source(%dma_start3A_182 : memref<32xi32, #tpu.memory_space<hbm>>) target(%arg16 : memref<32xi32, #tpu.memory_space<vmem>>) target_semaphore(%run_scoped3A : memref<!tpu.dma_semaphore, #tpu.memory_space<semaphore_mem>>)
            %dma_wait3A_183 = tpu.memref_slice %arg7[%mul3A_63] : memref<320000xi32, #tpu.memory_space<hbm>> -> memref<32xi32, #tpu.memory_space<hbm>>
            %dma_wait3A_184 = tpu.memref_slice %arg7[%mul3A_63] : memref<320000xi32, #tpu.memory_space<hbm>> -> memref<32xi32, #tpu.memory_space<hbm>>
            tpu.wait_dma2 semaphore(%run_scoped3A : memref<!tpu.dma_semaphore, #tpu.memory_space<semaphore_mem>>) src(%dma_wait3A_184 : memref<32xi32, #tpu.memory_space<hbm>>) dst(%arg16 : memref<32xi32, #tpu.memory_space<vmem>>)
            tpu.yield
          }) : () -> ()
          "tpu.region"() ({
            %run_scoped3A = tpu.sem_alloc : memref<!tpu.dma_semaphore, #tpu.memory_space<semaphore_mem>>
            %dma_start3A_181 = tpu.memref_slice %arg8[%mul3A_63] : memref<320000xi32, #tpu.memory_space<hbm>> -> memref<32xi32, #tpu.memory_space<hbm>>
            %dma_start3A_182 = tpu.memref_slice %arg8[%mul3A_63] : memref<320000xi32, #tpu.memory_space<hbm>> -> memref<32xi32, #tpu.memory_space<hbm>>
            tpu.enqueue_dma source(%dma_start3A_182 : memref<32xi32, #tpu.memory_space<hbm>>) target(%arg17 : memref<32xi32, #tpu.memory_space<vmem>>) target_semaphore(%run_scoped3A : memref<!tpu.dma_semaphore, #tpu.memory_space<semaphore_mem>>)
            %dma_wait3A_183 = tpu.memref_slice %arg8[%mul3A_63] : memref<320000xi32, #tpu.memory_space<hbm>> -> memref<32xi32, #tpu.memory_space<hbm>>
            %dma_wait3A_184 = tpu.memref_slice %arg8[%mul3A_63] : memref<320000xi32, #tpu.memory_space<hbm>> -> memref<32xi32, #tpu.memory_space<hbm>>
            tpu.wait_dma2 semaphore(%run_scoped3A : memref<!tpu.dma_semaphore, #tpu.memory_space<semaphore_mem>>) src(%dma_wait3A_184 : memref<32xi32, #tpu.memory_space<hbm>>) dst(%arg17 : memref<32xi32, #tpu.memory_space<vmem>>)
            tpu.yield
          }) : () -> ()
          %get3A = arith.constant 0 : index
          %get3A_64 = tpu.vector_load %arg16[%get3A] {strides = array<i32>} : memref<32xi32, #tpu.memory_space<vmem>>, vector<16xi32>,
          %get3A_65 = arith.constant 0 : index
          %get3A_66 = tpu.vector_load %arg17[%get3A_65] {strides = array<i32>} : memref<32xi32, #tpu.memory_space<vmem>>, vector<16xi32>,
          %mul3A_67 = arith.constant 2 : i32
          %mul3A_68 = vector.broadcast %mul3A_67 : i32 to vector<16xi32>
          %mul3A_69 = arith.muli %get3A_64, %mul3A_68 : vector<16xi32>
          %gather3A = tpu.vector_load_idx %arg14[%mul3A_69] : memref<20192xf32, #tpu.memory_space<vmem>>[vector<16xi32>], vector<16xf32>,
          %mul3A_70 = arith.constant 2 : i32
          %mul3A_71 = vector.broadcast %mul3A_70 : i32 to vector<16xi32>
          %mul3A_72 = arith.muli %get3A_66, %mul3A_71 : vector<16xi32>
          %add3A_73 = arith.constant 1 : i32
          %add3A_74 = vector.broadcast %add3A_73 : i32 to vector<16xi32>
          %add3A_75 = arith.addi %mul3A_72, %add3A_74 : vector<16xi32>
          %gather3A_76 = tpu.vector_load_idx %arg14[%add3A_75] : memref<20192xf32, #tpu.memory_space<vmem>>[vector<16xi32>], vector<16xf32>,
          %add3A_77 = arith.addf %gather3A, %gather3A_76 : vector<16xf32>
          %ge3A = arith.constant 0.000000e+00 : f32
          %ge3A_78 = vector.broadcast %ge3A : f32 to vector<16xf32>
          %ge3A_79 = arith.cmpf oge, %add3A_77, %ge3A_78 : vector<16xf32>
          %mul3A_80 = arith.constant 5.000000e-02 : f32
          %mul3A_81 = vector.broadcast %mul3A_80 : f32 to vector<16xf32>
          %mul3A_82 = arith.mulf %mul3A_81, %add3A_77 : vector<16xf32>
          %select_n3A_83 = arith.select %ge3A_79, %add3A_77, %mul3A_82 : vector<16xi1>, vector<16xf32>
          %exp3A = math.exp %select_n3A_83 : vector<16xf32>
          %swap3A = arith.constant 20064 : index
          %swap3A_84 = tpu.vector_load %arg14[%swap3A] {strides = array<i32>} : memref<20192xf32, #tpu.memory_space<vmem>>, vector<16xf32>,
          tpu.vector_store %arg14[%swap3A], %exp3A {strides = array<i32>} : memref<20192xf32, #tpu.memory_space<vmem>>, vector<16xf32>,
          %add3A_85 = arith.constant 0 : i32
          %add3A_86 = vector.broadcast %add3A_85 : i32 to vector<16xi32>
          %add3A_87 = arith.addi %iota3A, %add3A_86 : vector<16xi32>
          %and3A = arith.constant 7 : i32
          %and3A_88 = vector.broadcast %and3A : i32 to vector<16xi32>
          %and3A_89 = arith.andi %get3A_64, %and3A_88 : vector<16xi32>
          %mul3A_90 = arith.constant 16 : i32
          %mul3A_91 = vector.broadcast %mul3A_90 : i32 to vector<16xi32>
          %mul3A_92 = arith.muli %and3A_89, %mul3A_91 : vector<16xi32>
          tpu.vector_store_idx %arg15[%add3A_87, %mul3A_92], %exp3A : memref<32x128xf32, #tpu.memory_space<vmem>>[vector<16xi32>, vector<16xi32>], vector<16xf32>,
          %add3A_93 = arith.constant 1 : i32
          %add3A_94 = vector.broadcast %add3A_93 : i32 to vector<16xi32>
          %add3A_95 = arith.addi %mul3A_92, %add3A_94 : vector<16xi32>
          tpu.vector_store_idx %arg15[%add3A_87, %add3A_95], %broadcast_in_dim3A_19 : memref<32x128xf32, #tpu.memory_space<vmem>>[vector<16xi32>, vector<16xi32>], vector<16xf32>,
          %shift_right_logical3A = arith.constant 3 : i32
          %shift_right_logical3A_96 = vector.broadcast %shift_right_logical3A : i32 to vector<16xi32>
          %shift_right_logical3A_97 = arith.shrui %get3A_64, %shift_right_logical3A_96 : vector<16xi32>
          %swap3A_98 = arith.constant 0 : index
          %swap3A_99 = tpu.vector_load %arg18[%swap3A_98] {strides = array<i32>} : memref<32xi32, #tpu.memory_space<vmem>>, vector<16xi32>,
          tpu.vector_store %arg18[%swap3A_98], %shift_right_logical3A_97 {strides = array<i32>} : memref<32xi32, #tpu.memory_space<vmem>>, vector<16xi32>,
          %get3A_100 = arith.constant 16 : index
          %get3A_101 = tpu.vector_load %arg16[%get3A_100] {strides = array<i32>} : memref<32xi32, #tpu.memory_space<vmem>>, vector<16xi32>,
          %get3A_102 = arith.constant 16 : index
          %get3A_103 = tpu.vector_load %arg17[%get3A_102] {strides = array<i32>} : memref<32xi32, #tpu.memory_space<vmem>>, vector<16xi32>,
          %mul3A_104 = arith.constant 2 : i32
          %mul3A_105 = vector.broadcast %mul3A_104 : i32 to vector<16xi32>
          %mul3A_106 = arith.muli %get3A_101, %mul3A_105 : vector<16xi32>
          %gather3A_107 = tpu.vector_load_idx %arg14[%mul3A_106] : memref<20192xf32, #tpu.memory_space<vmem>>[vector<16xi32>], vector<16xf32>,
          %mul3A_108 = arith.constant 2 : i32
          %mul3A_109 = vector.broadcast %mul3A_108 : i32 to vector<16xi32>
          %mul3A_110 = arith.muli %get3A_103, %mul3A_109 : vector<16xi32>
          %add3A_111 = arith.constant 1 : i32
          %add3A_112 = vector.broadcast %add3A_111 : i32 to vector<16xi32>
          %add3A_113 = arith.addi %mul3A_110, %add3A_112 : vector<16xi32>
          %gather3A_114 = tpu.vector_load_idx %arg14[%add3A_113] : memref<20192xf32, #tpu.memory_space<vmem>>[vector<16xi32>], vector<16xf32>,
          %add3A_115 = arith.addf %gather3A_107, %gather3A_114 : vector<16xf32>
          %ge3A_116 = arith.constant 0.000000e+00 : f32
          %ge3A_117 = vector.broadcast %ge3A_116 : f32 to vector<16xf32>
          %ge3A_118 = arith.cmpf oge, %add3A_115, %ge3A_117 : vector<16xf32>
          %mul3A_119 = arith.constant 5.000000e-02 : f32
          %mul3A_120 = vector.broadcast %mul3A_119 : f32 to vector<16xf32>
          %mul3A_121 = arith.mulf %mul3A_120, %add3A_115 : vector<16xf32>
          %select_n3A_122 = arith.select %ge3A_118, %add3A_115, %mul3A_121 : vector<16xi1>, vector<16xf32>
          %exp3A_123 = math.exp %select_n3A_122 : vector<16xf32>
          %swap3A_124 = arith.constant 20080 : index
          %swap3A_125 = tpu.vector_load %arg14[%swap3A_124] {strides = array<i32>} : memref<20192xf32, #tpu.memory_space<vmem>>, vector<16xf32>,
          tpu.vector_store %arg14[%swap3A_124], %exp3A_123 {strides = array<i32>} : memref<20192xf32, #tpu.memory_space<vmem>>, vector<16xf32>,
          %add3A_126 = arith.constant 16 : i32
          %add3A_127 = vector.broadcast %add3A_126 : i32 to vector<16xi32>
          %add3A_128 = arith.addi %iota3A, %add3A_127 : vector<16xi32>
          %and3A_129 = arith.constant 7 : i32
          %and3A_130 = vector.broadcast %and3A_129 : i32 to vector<16xi32>
          %and3A_131 = arith.andi %get3A_101, %and3A_130 : vector<16xi32>
          %mul3A_132 = arith.constant 16 : i32
          %mul3A_133 = vector.broadcast %mul3A_132 : i32 to vector<16xi32>
          %mul3A_134 = arith.muli %and3A_131, %mul3A_133 : vector<16xi32>
          tpu.vector_store_idx %arg15[%add3A_128, %mul3A_134], %exp3A_123 : memref<32x128xf32, #tpu.memory_space<vmem>>[vector<16xi32>, vector<16xi32>], vector<16xf32>,
          %add3A_135 = arith.constant 1 : i32
          %add3A_136 = vector.broadcast %add3A_135 : i32 to vector<16xi32>
          %add3A_137 = arith.addi %mul3A_134, %add3A_136 : vector<16xi32>
          tpu.vector_store_idx %arg15[%add3A_128, %add3A_137], %broadcast_in_dim3A_19 : memref<32x128xf32, #tpu.memory_space<vmem>>[vector<16xi32>, vector<16xi32>], vector<16xf32>,
          %shift_right_logical3A_138 = arith.constant 3 : i32
          %shift_right_logical3A_139 = vector.broadcast %shift_right_logical3A_138 : i32 to vector<16xi32>
          %shift_right_logical3A_140 = arith.shrui %get3A_101, %shift_right_logical3A_139 : vector<16xi32>
          %swap3A_141 = arith.constant 16 : index
          %swap3A_142 = tpu.vector_load %arg18[%swap3A_141] {strides = array<i32>} : memref<32xi32, #tpu.memory_space<vmem>>, vector<16xi32>,
          tpu.vector_store %arg18[%swap3A_141], %shift_right_logical3A_140 {strides = array<i32>} : memref<32xi32, #tpu.memory_space<vmem>>, vector<16xi32>,
          %dma_start3A = arith.constant 0 : i32
          %dma_start3A_143 = arith.constant 0 : i32
          %dma_start3A_144 = tpu.memref_slice %arg2[%dma_start3A, %dma_start3A_143] : memref<10000x128xf32, #tpu.memory_space<hbm>> -> memref<10000x128xf32, #tpu.memory_space<hbm>>
          tpu.enqueue_indirect_dma source(%dma_start3A_144 : memref<10000x128xf32, #tpu.memory_space<hbm>>) target(%arg13 : memref<32x128xf32, #tpu.memory_space<vmem>>) offsets(%arg17 : memref<32xi32, #tpu.memory_space<vmem>>) semaphore(%arg23 : memref<!tpu.dma_semaphore, #tpu.memory_space<semaphore_mem>>)
          %dma_wait3A = arith.constant 0 : i32
          %dma_wait3A_145 = arith.constant 0 : i32
          %dma_wait3A_146 = tpu.memref_slice %arg2[%dma_wait3A, %dma_wait3A_145] : memref<10000x128xf32, #tpu.memory_space<hbm>> -> memref<10000x128xf32, #tpu.memory_space<hbm>>
          tpu.wait_indirect_dma semaphore(%arg23 : memref<!tpu.dma_semaphore, #tpu.memory_space<semaphore_mem>>) src(%dma_wait3A_146 : memref<10000x128xf32, #tpu.memory_space<hbm>>) dst(%arg13 : memref<32x128xf32, #tpu.memory_space<vmem>>)
          %scan3A_147 = arith.constant 0 : i32
          %scan3A_148 = arith.constant 0 : i32
          %scan3A_149 = arith.constant 32 : i32
          %scan3A_150 = arith.addi %scan3A_148, %scan3A_149 : i32
          %scan3A_151 = arith.constant 1 : i32
          scf.for %scan3A_181 = %scan3A_148 to %scan3A_150 step %scan3A_151  : i32 {
            %broadcast_in_dim3A_182 = arith.constant 20064 : i32
            %broadcast_in_dim3A_183 = vector.broadcast %broadcast_in_dim3A_182 : i32 to vector<16xi32>
            %add3A_184 = vector.broadcast %scan3A_181 : i32 to vector<16xi32>
            %add3A_185 = arith.addi %broadcast_in_dim3A_183, %add3A_184 : vector<16xi32>
            %gather3A_186 = tpu.vector_load_idx %arg14[%add3A_185] : memref<20192xf32, #tpu.memory_space<vmem>>[vector<16xi32>], vector<16xf32>,
            %get3A_187 = arith.index_cast %scan3A_181 : i32 to index
            %get3A_188 = arith.constant 0 : index
            %get3A_189 = tpu.vector_load %arg13[%get3A_187, %get3A_188] {strides = array<i32>} : memref<32x128xf32, #tpu.memory_space<vmem>>, vector<16xf32>,
            %mul3A_190 = arith.mulf %get3A_189, %gather3A_186 : vector<16xf32>
            %swap3A_191 = arith.index_cast %scan3A_181 : i32 to index
            %swap3A_192 = arith.constant 0 : index
            %swap3A_193 = tpu.vector_load %arg13[%swap3A_191, %swap3A_192] {strides = array<i32>} : memref<32x128xf32, #tpu.memory_space<vmem>>, vector<16xf32>,
            tpu.vector_store %arg13[%swap3A_191, %swap3A_192], %mul3A_190 {strides = array<i32>} : memref<32x128xf32, #tpu.memory_space<vmem>>, vector<16xf32>,
            %get3A_194 = arith.index_cast %scan3A_181 : i32 to index
            %get3A_195 = arith.constant 16 : index
            %get3A_196 = tpu.vector_load %arg13[%get3A_194, %get3A_195] {strides = array<i32>} : memref<32x128xf32, #tpu.memory_space<vmem>>, vector<16xf32>,
            %mul3A_197 = arith.mulf %get3A_196, %gather3A_186 : vector<16xf32>
            %swap3A_198 = arith.index_cast %scan3A_181 : i32 to index
            %swap3A_199 = arith.constant 16 : index
            %swap3A_200 = tpu.vector_load %arg13[%swap3A_198, %swap3A_199] {strides = array<i32>} : memref<32x128xf32, #tpu.memory_space<vmem>>, vector<16xf32>,
            tpu.vector_store %arg13[%swap3A_198, %swap3A_199], %mul3A_197 {strides = array<i32>} : memref<32x128xf32, #tpu.memory_space<vmem>>, vector<16xf32>,
            %get3A_201 = arith.index_cast %scan3A_181 : i32 to index
            %get3A_202 = arith.constant 32 : index
            %get3A_203 = tpu.vector_load %arg13[%get3A_201, %get3A_202] {strides = array<i32>} : memref<32x128xf32, #tpu.memory_space<vmem>>, vector<16xf32>,
            %mul3A_204 = arith.mulf %get3A_203, %gather3A_186 : vector<16xf32>
            %swap3A_205 = arith.index_cast %scan3A_181 : i32 to index
            %swap3A_206 = arith.constant 32 : index
            %swap3A_207 = tpu.vector_load %arg13[%swap3A_205, %swap3A_206] {strides = array<i32>} : memref<32x128xf32, #tpu.memory_space<vmem>>, vector<16xf32>,
            tpu.vector_store %arg13[%swap3A_205, %swap3A_206], %mul3A_204 {strides = array<i32>} : memref<32x128xf32, #tpu.memory_space<vmem>>, vector<16xf32>,
            %get3A_208 = arith.index_cast %scan3A_181 : i32 to index
            %get3A_209 = arith.constant 48 : index
            %get3A_210 = tpu.vector_load %arg13[%get3A_208, %get3A_209] {strides = array<i32>} : memref<32x128xf32, #tpu.memory_space<vmem>>, vector<16xf32>,
            %mul3A_211 = arith.mulf %get3A_210, %gather3A_186 : vector<16xf32>
            %swap3A_212 = arith.index_cast %scan3A_181 : i32 to index
            %swap3A_213 = arith.constant 48 : index
            %swap3A_214 = tpu.vector_load %arg13[%swap3A_212, %swap3A_213] {strides = array<i32>} : memref<32x128xf32, #tpu.memory_space<vmem>>, vector<16xf32>,
            tpu.vector_store %arg13[%swap3A_212, %swap3A_213], %mul3A_211 {strides = array<i32>} : memref<32x128xf32, #tpu.memory_space<vmem>>, vector<16xf32>,
            %get3A_215 = arith.index_cast %scan3A_181 : i32 to index
            %get3A_216 = arith.constant 64 : index
            %get3A_217 = tpu.vector_load %arg13[%get3A_215, %get3A_216] {strides = array<i32>} : memref<32x128xf32, #tpu.memory_space<vmem>>, vector<16xf32>,
            %mul3A_218 = arith.mulf %get3A_217, %gather3A_186 : vector<16xf32>
            %swap3A_219 = arith.index_cast %scan3A_181 : i32 to index
            %swap3A_220 = arith.constant 64 : index
            %swap3A_221 = tpu.vector_load %arg13[%swap3A_219, %swap3A_220] {strides = array<i32>} : memref<32x128xf32, #tpu.memory_space<vmem>>, vector<16xf32>,
            tpu.vector_store %arg13[%swap3A_219, %swap3A_220], %mul3A_218 {strides = array<i32>} : memref<32x128xf32, #tpu.memory_space<vmem>>, vector<16xf32>,
            %get3A_222 = arith.index_cast %scan3A_181 : i32 to index
            %get3A_223 = arith.constant 80 : index
            %get3A_224 = tpu.vector_load %arg13[%get3A_222, %get3A_223] {strides = array<i32>} : memref<32x128xf32, #tpu.memory_space<vmem>>, vector<16xf32>,
            %mul3A_225 = arith.mulf %get3A_224, %gather3A_186 : vector<16xf32>
            %swap3A_226 = arith.index_cast %scan3A_181 : i32 to index
            %swap3A_227 = arith.constant 80 : index
            %swap3A_228 = tpu.vector_load %arg13[%swap3A_226, %swap3A_227] {strides = array<i32>} : memref<32x128xf32, #tpu.memory_space<vmem>>, vector<16xf32>,
            tpu.vector_store %arg13[%swap3A_226, %swap3A_227], %mul3A_225 {strides = array<i32>} : memref<32x128xf32, #tpu.memory_space<vmem>>, vector<16xf32>,
            %get3A_229 = arith.index_cast %scan3A_181 : i32 to index
            %get3A_230 = arith.constant 96 : index
            %get3A_231 = tpu.vector_load %arg13[%get3A_229, %get3A_230] {strides = array<i32>} : memref<32x128xf32, #tpu.memory_space<vmem>>, vector<16xf32>,
            %mul3A_232 = arith.mulf %get3A_231, %gather3A_186 : vector<16xf32>
            %swap3A_233 = arith.index_cast %scan3A_181 : i32 to index
            %swap3A_234 = arith.constant 96 : index
            %swap3A_235 = tpu.vector_load %arg13[%swap3A_233, %swap3A_234] {strides = array<i32>} : memref<32x128xf32, #tpu.memory_space<vmem>>, vector<16xf32>,
            tpu.vector_store %arg13[%swap3A_233, %swap3A_234], %mul3A_232 {strides = array<i32>} : memref<32x128xf32, #tpu.memory_space<vmem>>, vector<16xf32>,
            %get3A_236 = arith.index_cast %scan3A_181 : i32 to index
            %get3A_237 = arith.constant 112 : index
            %get3A_238 = tpu.vector_load %arg13[%get3A_236, %get3A_237] {strides = array<i32>} : memref<32x128xf32, #tpu.memory_space<vmem>>, vector<16xf32>,
            %mul3A_239 = arith.mulf %get3A_238, %gather3A_186 : vector<16xf32>
            %swap3A_240 = arith.index_cast %scan3A_181 : i32 to index
            %swap3A_241 = arith.constant 112 : index
            %swap3A_242 = tpu.vector_load %arg13[%swap3A_240, %swap3A_241] {strides = array<i32>} : memref<32x128xf32, #tpu.memory_space<vmem>>, vector<16xf32>,
            tpu.vector_store %arg13[%swap3A_240, %swap3A_241], %mul3A_239 {strides = array<i32>} : memref<32x128xf32, #tpu.memory_space<vmem>>, vector<16xf32>,
          }
          %scan3A_152 = arith.constant 32 : i32
          "tpu.region"() ({
            %run_scoped3A = tpu.sem_alloc : memref<!tpu.dma_semaphore, #tpu.memory_space<semaphore_mem>>
            %dma_start3A_181 = arith.constant 0 : i32
            %dma_start3A_182 = arith.constant 0 : i32
            %dma_start3A_183 = tpu.memref_slice %arg21[%dma_start3A_181, %dma_start3A_182] : memref<10000x128xf32, #tpu.memory_space<vmem_shared>> -> memref<10000x128xf32, #tpu.memory_space<vmem_shared>>
            tpu.enqueue_indirect_dma source(%arg13 : memref<32x128xf32, #tpu.memory_space<vmem>>) target(%dma_start3A_183 : memref<10000x128xf32, #tpu.memory_space<vmem_shared>>) offsets(%arg16 : memref<32xi32, #tpu.memory_space<vmem>>) semaphore(%run_scoped3A : memref<!tpu.dma_semaphore, #tpu.memory_space<semaphore_mem>>) {add = true}
            %dma_wait3A_184 = arith.constant 0 : i32
            %dma_wait3A_185 = arith.constant 0 : i32
            %dma_wait3A_186 = tpu.memref_slice %arg21[%dma_wait3A_184, %dma_wait3A_185] : memref<10000x128xf32, #tpu.memory_space<vmem_shared>> -> memref<10000x128xf32, #tpu.memory_space<vmem_shared>>
            tpu.wait_indirect_dma semaphore(%run_scoped3A : memref<!tpu.dma_semaphore, #tpu.memory_space<semaphore_mem>>) src(%arg13 : memref<32x128xf32, #tpu.memory_space<vmem>>) dst(%dma_wait3A_186 : memref<10000x128xf32, #tpu.memory_space<vmem_shared>>)
            tpu.yield
          }) : () -> ()
          "tpu.region"() ({
            %run_scoped3A = tpu.sem_alloc : memref<!tpu.dma_semaphore, #tpu.memory_space<semaphore_mem>>
            %dma_start3A_181 = arith.constant 0 : i32
            %dma_start3A_182 = arith.constant 0 : i32
            %dma_start3A_183 = tpu.memref_slice %arg22[%dma_start3A_181, %dma_start3A_182] : memref<1264x128xf32, #tpu.memory_space<vmem_shared>> -> memref<1264x128xf32, #tpu.memory_space<vmem_shared>>
            tpu.enqueue_indirect_dma source(%arg15 : memref<32x128xf32, #tpu.memory_space<vmem>>) target(%dma_start3A_183 : memref<1264x128xf32, #tpu.memory_space<vmem_shared>>) offsets(%arg18 : memref<32xi32, #tpu.memory_space<vmem>>) semaphore(%run_scoped3A : memref<!tpu.dma_semaphore, #tpu.memory_space<semaphore_mem>>) {add = true}
            %dma_wait3A_184 = arith.constant 0 : i32
            %dma_wait3A_185 = arith.constant 0 : i32
            %dma_wait3A_186 = tpu.memref_slice %arg22[%dma_wait3A_184, %dma_wait3A_185] : memref<1264x128xf32, #tpu.memory_space<vmem_shared>> -> memref<1264x128xf32, #tpu.memory_space<vmem_shared>>
            tpu.wait_indirect_dma semaphore(%run_scoped3A : memref<!tpu.dma_semaphore, #tpu.memory_space<semaphore_mem>>) src(%arg15 : memref<32x128xf32, #tpu.memory_space<vmem>>) dst(%dma_wait3A_186 : memref<1264x128xf32, #tpu.memory_space<vmem_shared>>)
            tpu.yield
          }) : () -> ()
          %get3A_153 = arith.constant 0 : index
          %get3A_154 = tpu.vector_load %arg16[%get3A_153] {strides = array<i32>} : memref<32xi32, #tpu.memory_space<vmem>>, vector<16xi32>,
          %add3A_155 = arith.constant 0 : i32
          %add3A_156 = vector.broadcast %add3A_155 : i32 to vector<16xi32>
          %add3A_157 = arith.addi %iota3A, %add3A_156 : vector<16xi32>
          %and3A_158 = arith.constant 7 : i32
          %and3A_159 = vector.broadcast %and3A_158 : i32 to vector<16xi32>
          %and3A_160 = arith.andi %get3A_154, %and3A_159 : vector<16xi32>
          %mul3A_161 = arith.constant 16 : i32
          %mul3A_162 = vector.broadcast %mul3A_161 : i32 to vector<16xi32>
          %mul3A_163 = arith.muli %and3A_160, %mul3A_162 : vector<16xi32>
          tpu.vector_store_idx %arg15[%add3A_157, %mul3A_163], %broadcast_in_dim3A_4 : memref<32x128xf32, #tpu.memory_space<vmem>>[vector<16xi32>, vector<16xi32>], vector<16xf32>,
          %add3A_164 = arith.constant 1 : i32
          %add3A_165 = vector.broadcast %add3A_164 : i32 to vector<16xi32>
          %add3A_166 = arith.addi %mul3A_163, %add3A_165 : vector<16xi32>
          tpu.vector_store_idx %arg15[%add3A_157, %add3A_166], %broadcast_in_dim3A_4 : memref<32x128xf32, #tpu.memory_space<vmem>>[vector<16xi32>, vector<16xi32>], vector<16xf32>,
          %get3A_167 = arith.constant 16 : index
          %get3A_168 = tpu.vector_load %arg16[%get3A_167] {strides = array<i32>} : memref<32xi32, #tpu.memory_space<vmem>>, vector<16xi32>,
          %add3A_169 = arith.constant 16 : i32
          %add3A_170 = vector.broadcast %add3A_169 : i32 to vector<16xi32>
          %add3A_171 = arith.addi %iota3A, %add3A_170 : vector<16xi32>
          %and3A_172 = arith.constant 7 : i32
          %and3A_173 = vector.broadcast %and3A_172 : i32 to vector<16xi32>
          %and3A_174 = arith.andi %get3A_168, %and3A_173 : vector<16xi32>
          %mul3A_175 = arith.constant 16 : i32
          %mul3A_176 = vector.broadcast %mul3A_175 : i32 to vector<16xi32>
          %mul3A_177 = arith.muli %and3A_174, %mul3A_176 : vector<16xi32>
          tpu.vector_store_idx %arg15[%add3A_171, %mul3A_177], %broadcast_in_dim3A_4 : memref<32x128xf32, #tpu.memory_space<vmem>>[vector<16xi32>, vector<16xi32>], vector<16xf32>,
          %add3A_178 = arith.constant 1 : i32
          %add3A_179 = vector.broadcast %add3A_178 : i32 to vector<16xi32>
          %add3A_180 = arith.addi %mul3A_177, %add3A_179 : vector<16xi32>
          tpu.vector_store_idx %arg15[%add3A_171, %add3A_180], %broadcast_in_dim3A_4 : memref<32x128xf32, #tpu.memory_space<vmem>>[vector<16xi32>, vector<16xi32>], vector<16xf32>,
        } else {
        }
      }
      %scan3A_55 = arith.constant 625 : i32
    } else {
    }
    %eq3A_34 = arith.constant 1 : i32
    %eq3A_35 = arith.cmpi eq, %arg0, %eq3A_34 : i32
    %convert_element_type3A_36 = arith.extui %eq3A_35 : i1 to i32
    %cond3A_37 = arith.constant 0 : i32
    %cond3A_38 = arith.cmpi ne, %convert_element_type3A_36, %cond3A_37 : i32
    scf.if %cond3A_38 {
      "tpu.region"() ({
        %run_scoped3A = tpu.sem_alloc : memref<!tpu.dma_semaphore, #tpu.memory_space<semaphore_mem>>
        %dma_start3A = arith.constant 0 : i32
        %dma_start3A_56 = tpu.memref_slice %arg14[%dma_start3A] : memref<20192xf32, #tpu.memory_space<vmem>> -> memref<10000xf32, #tpu.memory_space<vmem>>
        %dma_start3A_57 = arith.constant 0 : i32
        %dma_start3A_58 = tpu.memref_slice %arg14[%dma_start3A_57] : memref<20192xf32, #tpu.memory_space<vmem>> -> memref<10000xf32, #tpu.memory_space<vmem>>
        tpu.enqueue_dma source(%arg5 : memref<10000xf32, #tpu.memory_space<hbm>>) target(%dma_start3A_58 : memref<10000xf32, #tpu.memory_space<vmem>>) target_semaphore(%run_scoped3A : memref<!tpu.dma_semaphore, #tpu.memory_space<semaphore_mem>>)
        %dma_wait3A = arith.constant 0 : i32
        %dma_wait3A_59 = tpu.memref_slice %arg14[%dma_wait3A] : memref<20192xf32, #tpu.memory_space<vmem>> -> memref<10000xf32, #tpu.memory_space<vmem>>
        %dma_wait3A_60 = arith.constant 0 : i32
        %dma_wait3A_61 = tpu.memref_slice %arg14[%dma_wait3A_60] : memref<20192xf32, #tpu.memory_space<vmem>> -> memref<10000xf32, #tpu.memory_space<vmem>>
        tpu.wait_dma2 semaphore(%run_scoped3A : memref<!tpu.dma_semaphore, #tpu.memory_space<semaphore_mem>>) src(%arg5 : memref<10000xf32, #tpu.memory_space<hbm>>) dst(%dma_wait3A_61 : memref<10000xf32, #tpu.memory_space<vmem>>)
        tpu.yield
      }) : () -> ()
      %scan3A_50 = arith.constant 0 : i32
      %scan3A_51 = arith.constant 0 : i32
      %scan3A_52 = arith.constant 625 : i32
      %scan3A_53 = arith.addi %scan3A_51, %scan3A_52 : i32
      %scan3A_54 = arith.constant 1 : i32
      scf.for %scan3A_56 = %scan3A_51 to %scan3A_53 step %scan3A_54  : i32 {
        %mul3A = arith.constant 16 : i32
        %mul3A_57 = arith.muli %mul3A, %scan3A_56 : i32
        %add3A = arith.addi %arg1, %mul3A_57 : i32
        %lt3A = arith.constant 10000 : i32
        %lt3A_58 = arith.cmpi slt, %add3A, %lt3A : i32
        %convert_element_type3A_59 = arith.extui %lt3A_58 : i1 to i32
        %cond3A_60 = arith.constant 0 : i32
        %cond3A_61 = arith.cmpi ne, %convert_element_type3A_59, %cond3A_60 : i32
        scf.if %cond3A_61 {
          %mul3A_62 = arith.constant 32 : i32
          %mul3A_63 = arith.muli %add3A, %mul3A_62 : i32
          "tpu.region"() ({
            %run_scoped3A = tpu.sem_alloc : memref<!tpu.dma_semaphore, #tpu.memory_space<semaphore_mem>>
            %dma_start3A = tpu.memref_slice %arg7[%mul3A_63] : memref<320000xi32, #tpu.memory_space<hbm>> -> memref<32xi32, #tpu.memory_space<hbm>>
            %dma_start3A_262 = tpu.memref_slice %arg7[%mul3A_63] : memref<320000xi32, #tpu.memory_space<hbm>> -> memref<32xi32, #tpu.memory_space<hbm>>
            tpu.enqueue_dma source(%dma_start3A_262 : memref<32xi32, #tpu.memory_space<hbm>>) target(%arg16 : memref<32xi32, #tpu.memory_space<vmem>>) target_semaphore(%run_scoped3A : memref<!tpu.dma_semaphore, #tpu.memory_space<semaphore_mem>>)
            %dma_wait3A = tpu.memref_slice %arg7[%mul3A_63] : memref<320000xi32, #tpu.memory_space<hbm>> -> memref<32xi32, #tpu.memory_space<hbm>>
            %dma_wait3A_263 = tpu.memref_slice %arg7[%mul3A_63] : memref<320000xi32, #tpu.memory_space<hbm>> -> memref<32xi32, #tpu.memory_space<hbm>>
            tpu.wait_dma2 semaphore(%run_scoped3A : memref<!tpu.dma_semaphore, #tpu.memory_space<semaphore_mem>>) src(%dma_wait3A_263 : memref<32xi32, #tpu.memory_space<hbm>>) dst(%arg16 : memref<32xi32, #tpu.memory_space<vmem>>)
            tpu.yield
          }) : () -> ()
          "tpu.region"() ({
            %run_scoped3A = tpu.sem_alloc : memref<!tpu.dma_semaphore, #tpu.memory_space<semaphore_mem>>
            %dma_start3A = tpu.memref_slice %arg8[%mul3A_63] : memref<320000xi32, #tpu.memory_space<hbm>> -> memref<32xi32, #tpu.memory_space<hbm>>
            %dma_start3A_262 = tpu.memref_slice %arg8[%mul3A_63] : memref<320000xi32, #tpu.memory_space<hbm>> -> memref<32xi32, #tpu.memory_space<hbm>>
            tpu.enqueue_dma source(%dma_start3A_262 : memref<32xi32, #tpu.memory_space<hbm>>) target(%arg17 : memref<32xi32, #tpu.memory_space<vmem>>) target_semaphore(%run_scoped3A : memref<!tpu.dma_semaphore, #tpu.memory_space<semaphore_mem>>)
            %dma_wait3A = tpu.memref_slice %arg8[%mul3A_63] : memref<320000xi32, #tpu.memory_space<hbm>> -> memref<32xi32, #tpu.memory_space<hbm>>
            %dma_wait3A_263 = tpu.memref_slice %arg8[%mul3A_63] : memref<320000xi32, #tpu.memory_space<hbm>> -> memref<32xi32, #tpu.memory_space<hbm>>
            tpu.wait_dma2 semaphore(%run_scoped3A : memref<!tpu.dma_semaphore, #tpu.memory_space<semaphore_mem>>) src(%dma_wait3A_263 : memref<32xi32, #tpu.memory_space<hbm>>) dst(%arg17 : memref<32xi32, #tpu.memory_space<vmem>>)
            tpu.yield
          }) : () -> ()
          "tpu.region"() ({
            %run_scoped3A = tpu.sem_alloc : memref<!tpu.dma_semaphore, #tpu.memory_space<semaphore_mem>>
            %dma_start3A = arith.constant 20000 : i32
            %dma_start3A_262 = tpu.memref_slice %arg14[%dma_start3A] : memref<20192xf32, #tpu.memory_space<vmem>> -> memref<32xf32, #tpu.memory_space<vmem>>
            %dma_start3A_263 = tpu.memref_slice %arg6[%mul3A_63] : memref<320000xf32, #tpu.memory_space<hbm>> -> memref<32xf32, #tpu.memory_space<hbm>>
            %dma_start3A_264 = arith.constant 20000 : i32
            %dma_start3A_265 = tpu.memref_slice %arg14[%dma_start3A_264] : memref<20192xf32, #tpu.memory_space<vmem>> -> memref<32xf32, #tpu.memory_space<vmem>>
            %dma_start3A_266 = tpu.memref_slice %arg6[%mul3A_63] : memref<320000xf32, #tpu.memory_space<hbm>> -> memref<32xf32, #tpu.memory_space<hbm>>
            tpu.enqueue_dma source(%dma_start3A_266 : memref<32xf32, #tpu.memory_space<hbm>>) target(%dma_start3A_265 : memref<32xf32, #tpu.memory_space<vmem>>) target_semaphore(%run_scoped3A : memref<!tpu.dma_semaphore, #tpu.memory_space<semaphore_mem>>)
            %dma_wait3A = arith.constant 20000 : i32
            %dma_wait3A_267 = tpu.memref_slice %arg14[%dma_wait3A] : memref<20192xf32, #tpu.memory_space<vmem>> -> memref<32xf32, #tpu.memory_space<vmem>>
            %dma_wait3A_268 = tpu.memref_slice %arg6[%mul3A_63] : memref<320000xf32, #tpu.memory_space<hbm>> -> memref<32xf32, #tpu.memory_space<hbm>>
            %dma_wait3A_269 = arith.constant 20000 : i32
            %dma_wait3A_270 = tpu.memref_slice %arg14[%dma_wait3A_269] : memref<20192xf32, #tpu.memory_space<vmem>> -> memref<32xf32, #tpu.memory_space<vmem>>
            %dma_wait3A_271 = tpu.memref_slice %arg6[%mul3A_63] : memref<320000xf32, #tpu.memory_space<hbm>> -> memref<32xf32, #tpu.memory_space<hbm>>
            tpu.wait_dma2 semaphore(%run_scoped3A : memref<!tpu.dma_semaphore, #tpu.memory_space<semaphore_mem>>) src(%dma_wait3A_271 : memref<32xf32, #tpu.memory_space<hbm>>) dst(%dma_wait3A_270 : memref<32xf32, #tpu.memory_space<vmem>>)
            tpu.yield
          }) : () -> ()
          "tpu.region"() ({
            %run_scoped3A = tpu.sem_alloc : memref<!tpu.dma_semaphore, #tpu.memory_space<semaphore_mem>>
            %dma_start3A = arith.constant 0 : i32
            %dma_start3A_262 = tpu.memref_slice %arg3[%mul3A_63, %dma_start3A] : memref<320000x128xf32, #tpu.memory_space<hbm>> -> memref<32x128xf32, #tpu.memory_space<hbm>>
            %dma_start3A_263 = arith.constant 0 : i32
            %dma_start3A_264 = tpu.memref_slice %arg3[%mul3A_63, %dma_start3A_263] : memref<320000x128xf32, #tpu.memory_space<hbm>> -> memref<32x128xf32, #tpu.memory_space<hbm>>
            tpu.enqueue_dma source(%dma_start3A_264 : memref<32x128xf32, #tpu.memory_space<hbm>>) target(%arg13 : memref<32x128xf32, #tpu.memory_space<vmem>>) target_semaphore(%run_scoped3A : memref<!tpu.dma_semaphore, #tpu.memory_space<semaphore_mem>>)
            %dma_wait3A = arith.constant 0 : i32
            %dma_wait3A_265 = tpu.memref_slice %arg3[%mul3A_63, %dma_wait3A] : memref<320000x128xf32, #tpu.memory_space<hbm>> -> memref<32x128xf32, #tpu.memory_space<hbm>>
            %dma_wait3A_266 = arith.constant 0 : i32
            %dma_wait3A_267 = tpu.memref_slice %arg3[%mul3A_63, %dma_wait3A_266] : memref<320000x128xf32, #tpu.memory_space<hbm>> -> memref<32x128xf32, #tpu.memory_space<hbm>>
            tpu.wait_dma2 semaphore(%run_scoped3A : memref<!tpu.dma_semaphore, #tpu.memory_space<semaphore_mem>>) src(%dma_wait3A_267 : memref<32x128xf32, #tpu.memory_space<hbm>>) dst(%arg13 : memref<32x128xf32, #tpu.memory_space<vmem>>)
            tpu.yield
          }) : () -> ()
          %get3A = arith.constant 0 : index
          %get3A_64 = tpu.vector_load %arg16[%get3A] {strides = array<i32>} : memref<32xi32, #tpu.memory_space<vmem>>, vector<16xi32>,
          %get3A_65 = arith.constant 0 : index
          %get3A_66 = tpu.vector_load %arg17[%get3A_65] {strides = array<i32>} : memref<32xi32, #tpu.memory_space<vmem>>, vector<16xi32>,
          %gather3A = tpu.vector_load_idx %arg14[%get3A_64] : memref<20192xf32, #tpu.memory_space<vmem>>[vector<16xi32>], vector<16xf32>,
          %gather3A_67 = tpu.vector_load_idx %arg14[%get3A_66] : memref<20192xf32, #tpu.memory_space<vmem>>[vector<16xi32>], vector<16xf32>,
          %get3A_68 = arith.constant 20000 : index
          %get3A_69 = tpu.vector_load %arg14[%get3A_68] {strides = array<i32>} : memref<20192xf32, #tpu.memory_space<vmem>>, vector<16xf32>,
          %add3A_70 = arith.addf %gather3A, %get3A_69 : vector<16xf32>
          %ge3A = arith.constant 0.000000e+00 : f32
          %ge3A_71 = vector.broadcast %ge3A : f32 to vector<16xf32>
          %ge3A_72 = arith.cmpf oge, %add3A_70, %ge3A_71 : vector<16xf32>
          %mul3A_73 = arith.constant 5.000000e-02 : f32
          %mul3A_74 = vector.broadcast %mul3A_73 : f32 to vector<16xf32>
          %mul3A_75 = arith.mulf %mul3A_74, %add3A_70 : vector<16xf32>
          %select_n3A_76 = arith.select %ge3A_72, %add3A_70, %mul3A_75 : vector<16xi1>, vector<16xf32>
          %add3A_77 = arith.addf %gather3A_67, %get3A_69 : vector<16xf32>
          %ge3A_78 = arith.constant 0.000000e+00 : f32
          %ge3A_79 = vector.broadcast %ge3A_78 : f32 to vector<16xf32>
          %ge3A_80 = arith.cmpf oge, %add3A_77, %ge3A_79 : vector<16xf32>
          %mul3A_81 = arith.constant 5.000000e-02 : f32
          %mul3A_82 = vector.broadcast %mul3A_81 : f32 to vector<16xf32>
          %mul3A_83 = arith.mulf %mul3A_82, %add3A_77 : vector<16xf32>
          %select_n3A_84 = arith.select %ge3A_80, %add3A_77, %mul3A_83 : vector<16xi1>, vector<16xf32>
          %exp3A = math.exp %select_n3A_76 : vector<16xf32>
          %sub3A = arith.subf %select_n3A_84, %select_n3A_76 : vector<16xf32>
          %exp3A_85 = math.exp %sub3A : vector<16xf32>
          %swap3A = arith.constant 20064 : index
          %swap3A_86 = tpu.vector_load %arg14[%swap3A] {strides = array<i32>} : memref<20192xf32, #tpu.memory_space<vmem>>, vector<16xf32>,
          tpu.vector_store %arg14[%swap3A], %exp3A {strides = array<i32>} : memref<20192xf32, #tpu.memory_space<vmem>>, vector<16xf32>,
          %swap3A_87 = arith.constant 20128 : index
          %swap3A_88 = tpu.vector_load %arg14[%swap3A_87] {strides = array<i32>} : memref<20192xf32, #tpu.memory_space<vmem>>, vector<16xf32>,
          tpu.vector_store %arg14[%swap3A_87], %exp3A_85 {strides = array<i32>} : memref<20192xf32, #tpu.memory_space<vmem>>, vector<16xf32>,
          %add3A_89 = arith.constant 0 : i32
          %add3A_90 = vector.broadcast %add3A_89 : i32 to vector<16xi32>
          %add3A_91 = arith.addi %iota3A, %add3A_90 : vector<16xi32>
          %and3A = arith.constant 7 : i32
          %and3A_92 = vector.broadcast %and3A : i32 to vector<16xi32>
          %and3A_93 = arith.andi %get3A_64, %and3A_92 : vector<16xi32>
          %mul3A_94 = arith.constant 16 : i32
          %mul3A_95 = vector.broadcast %mul3A_94 : i32 to vector<16xi32>
          %mul3A_96 = arith.muli %and3A_93, %mul3A_95 : vector<16xi32>
          tpu.vector_store_idx %arg15[%add3A_91, %mul3A_96], %exp3A : memref<32x128xf32, #tpu.memory_space<vmem>>[vector<16xi32>, vector<16xi32>], vector<16xf32>,
          %add3A_97 = arith.constant 1 : i32
          %add3A_98 = vector.broadcast %add3A_97 : i32 to vector<16xi32>
          %add3A_99 = arith.addi %mul3A_96, %add3A_98 : vector<16xi32>
          tpu.vector_store_idx %arg15[%add3A_91, %add3A_99], %broadcast_in_dim3A_19 : memref<32x128xf32, #tpu.memory_space<vmem>>[vector<16xi32>, vector<16xi32>], vector<16xf32>,
          %shift_right_logical3A = arith.constant 3 : i32
          %shift_right_logical3A_100 = vector.broadcast %shift_right_logical3A : i32 to vector<16xi32>
          %shift_right_logical3A_101 = arith.shrui %get3A_64, %shift_right_logical3A_100 : vector<16xi32>
          %swap3A_102 = arith.constant 0 : index
          %swap3A_103 = tpu.vector_load %arg18[%swap3A_102] {strides = array<i32>} : memref<32xi32, #tpu.memory_space<vmem>>, vector<16xi32>,
          tpu.vector_store %arg18[%swap3A_102], %shift_right_logical3A_101 {strides = array<i32>} : memref<32xi32, #tpu.memory_space<vmem>>, vector<16xi32>,
          %get3A_104 = arith.constant 16 : index
          %get3A_105 = tpu.vector_load %arg16[%get3A_104] {strides = array<i32>} : memref<32xi32, #tpu.memory_space<vmem>>, vector<16xi32>,
          %get3A_106 = arith.constant 16 : index
          %get3A_107 = tpu.vector_load %arg17[%get3A_106] {strides = array<i32>} : memref<32xi32, #tpu.memory_space<vmem>>, vector<16xi32>,
          %gather3A_108 = tpu.vector_load_idx %arg14[%get3A_105] : memref<20192xf32, #tpu.memory_space<vmem>>[vector<16xi32>], vector<16xf32>,
          %gather3A_109 = tpu.vector_load_idx %arg14[%get3A_107] : memref<20192xf32, #tpu.memory_space<vmem>>[vector<16xi32>], vector<16xf32>,
          %get3A_110 = arith.constant 20016 : index
          %get3A_111 = tpu.vector_load %arg14[%get3A_110] {strides = array<i32>} : memref<20192xf32, #tpu.memory_space<vmem>>, vector<16xf32>,
          %add3A_112 = arith.addf %gather3A_108, %get3A_111 : vector<16xf32>
          %ge3A_113 = arith.constant 0.000000e+00 : f32
          %ge3A_114 = vector.broadcast %ge3A_113 : f32 to vector<16xf32>
          %ge3A_115 = arith.cmpf oge, %add3A_112, %ge3A_114 : vector<16xf32>
          %mul3A_116 = arith.constant 5.000000e-02 : f32
          %mul3A_117 = vector.broadcast %mul3A_116 : f32 to vector<16xf32>
          %mul3A_118 = arith.mulf %mul3A_117, %add3A_112 : vector<16xf32>
          %select_n3A_119 = arith.select %ge3A_115, %add3A_112, %mul3A_118 : vector<16xi1>, vector<16xf32>
          %add3A_120 = arith.addf %gather3A_109, %get3A_111 : vector<16xf32>
          %ge3A_121 = arith.constant 0.000000e+00 : f32
          %ge3A_122 = vector.broadcast %ge3A_121 : f32 to vector<16xf32>
          %ge3A_123 = arith.cmpf oge, %add3A_120, %ge3A_122 : vector<16xf32>
          %mul3A_124 = arith.constant 5.000000e-02 : f32
          %mul3A_125 = vector.broadcast %mul3A_124 : f32 to vector<16xf32>
          %mul3A_126 = arith.mulf %mul3A_125, %add3A_120 : vector<16xf32>
          %select_n3A_127 = arith.select %ge3A_123, %add3A_120, %mul3A_126 : vector<16xi1>, vector<16xf32>
          %exp3A_128 = math.exp %select_n3A_119 : vector<16xf32>
          %sub3A_129 = arith.subf %select_n3A_127, %select_n3A_119 : vector<16xf32>
          %exp3A_130 = math.exp %sub3A_129 : vector<16xf32>
          %swap3A_131 = arith.constant 20080 : index
          %swap3A_132 = tpu.vector_load %arg14[%swap3A_131] {strides = array<i32>} : memref<20192xf32, #tpu.memory_space<vmem>>, vector<16xf32>,
          tpu.vector_store %arg14[%swap3A_131], %exp3A_128 {strides = array<i32>} : memref<20192xf32, #tpu.memory_space<vmem>>, vector<16xf32>,
          %swap3A_133 = arith.constant 20144 : index
          %swap3A_134 = tpu.vector_load %arg14[%swap3A_133] {strides = array<i32>} : memref<20192xf32, #tpu.memory_space<vmem>>, vector<16xf32>,
          tpu.vector_store %arg14[%swap3A_133], %exp3A_130 {strides = array<i32>} : memref<20192xf32, #tpu.memory_space<vmem>>, vector<16xf32>,
          %add3A_135 = arith.constant 16 : i32
          %add3A_136 = vector.broadcast %add3A_135 : i32 to vector<16xi32>
          %add3A_137 = arith.addi %iota3A, %add3A_136 : vector<16xi32>
          %and3A_138 = arith.constant 7 : i32
          %and3A_139 = vector.broadcast %and3A_138 : i32 to vector<16xi32>
          %and3A_140 = arith.andi %get3A_105, %and3A_139 : vector<16xi32>
          %mul3A_141 = arith.constant 16 : i32
          %mul3A_142 = vector.broadcast %mul3A_141 : i32 to vector<16xi32>
          %mul3A_143 = arith.muli %and3A_140, %mul3A_142 : vector<16xi32>
          tpu.vector_store_idx %arg15[%add3A_137, %mul3A_143], %exp3A_128 : memref<32x128xf32, #tpu.memory_space<vmem>>[vector<16xi32>, vector<16xi32>], vector<16xf32>,
          %add3A_144 = arith.constant 1 : i32
          %add3A_145 = vector.broadcast %add3A_144 : i32 to vector<16xi32>
          %add3A_146 = arith.addi %mul3A_143, %add3A_145 : vector<16xi32>
          tpu.vector_store_idx %arg15[%add3A_137, %add3A_146], %broadcast_in_dim3A_19 : memref<32x128xf32, #tpu.memory_space<vmem>>[vector<16xi32>, vector<16xi32>], vector<16xf32>,
          %shift_right_logical3A_147 = arith.constant 3 : i32
          %shift_right_logical3A_148 = vector.broadcast %shift_right_logical3A_147 : i32 to vector<16xi32>
          %shift_right_logical3A_149 = arith.shrui %get3A_105, %shift_right_logical3A_148 : vector<16xi32>
          %swap3A_150 = arith.constant 16 : index
          %swap3A_151 = tpu.vector_load %arg18[%swap3A_150] {strides = array<i32>} : memref<32xi32, #tpu.memory_space<vmem>>, vector<16xi32>,
          tpu.vector_store %arg18[%swap3A_150], %shift_right_logical3A_149 {strides = array<i32>} : memref<32xi32, #tpu.memory_space<vmem>>, vector<16xi32>,
          %scan3A_152 = arith.constant 0 : i32
          %scan3A_153 = arith.constant 0 : i32
          %scan3A_154 = arith.constant 32 : i32
          %scan3A_155 = arith.addi %scan3A_153, %scan3A_154 : i32
          %scan3A_156 = arith.constant 1 : i32
          scf.for %scan3A_262 = %scan3A_153 to %scan3A_155 step %scan3A_156  : i32 {
            %broadcast_in_dim3A_263 = arith.constant 20064 : i32
            %broadcast_in_dim3A_264 = vector.broadcast %broadcast_in_dim3A_263 : i32 to vector<16xi32>
            %add3A_265 = vector.broadcast %scan3A_262 : i32 to vector<16xi32>
            %add3A_266 = arith.addi %broadcast_in_dim3A_264, %add3A_265 : vector<16xi32>
            %gather3A_267 = tpu.vector_load_idx %arg14[%add3A_266] : memref<20192xf32, #tpu.memory_space<vmem>>[vector<16xi32>], vector<16xf32>,
            %get3A_268 = arith.index_cast %scan3A_262 : i32 to index
            %get3A_269 = arith.constant 0 : index
            %get3A_270 = tpu.vector_load %arg13[%get3A_268, %get3A_269] {strides = array<i32>} : memref<32x128xf32, #tpu.memory_space<vmem>>, vector<16xf32>,
            %mul3A_271 = arith.mulf %get3A_270, %gather3A_267 : vector<16xf32>
            %swap3A_272 = arith.index_cast %scan3A_262 : i32 to index
            %swap3A_273 = arith.constant 0 : index
            %swap3A_274 = tpu.vector_load %arg13[%swap3A_272, %swap3A_273] {strides = array<i32>} : memref<32x128xf32, #tpu.memory_space<vmem>>, vector<16xf32>,
            tpu.vector_store %arg13[%swap3A_272, %swap3A_273], %mul3A_271 {strides = array<i32>} : memref<32x128xf32, #tpu.memory_space<vmem>>, vector<16xf32>,
            %get3A_275 = arith.index_cast %scan3A_262 : i32 to index
            %get3A_276 = arith.constant 16 : index
            %get3A_277 = tpu.vector_load %arg13[%get3A_275, %get3A_276] {strides = array<i32>} : memref<32x128xf32, #tpu.memory_space<vmem>>, vector<16xf32>,
            %mul3A_278 = arith.mulf %get3A_277, %gather3A_267 : vector<16xf32>
            %swap3A_279 = arith.index_cast %scan3A_262 : i32 to index
            %swap3A_280 = arith.constant 16 : index
            %swap3A_281 = tpu.vector_load %arg13[%swap3A_279, %swap3A_280] {strides = array<i32>} : memref<32x128xf32, #tpu.memory_space<vmem>>, vector<16xf32>,
            tpu.vector_store %arg13[%swap3A_279, %swap3A_280], %mul3A_278 {strides = array<i32>} : memref<32x128xf32, #tpu.memory_space<vmem>>, vector<16xf32>,
            %get3A_282 = arith.index_cast %scan3A_262 : i32 to index
            %get3A_283 = arith.constant 32 : index
            %get3A_284 = tpu.vector_load %arg13[%get3A_282, %get3A_283] {strides = array<i32>} : memref<32x128xf32, #tpu.memory_space<vmem>>, vector<16xf32>,
            %mul3A_285 = arith.mulf %get3A_284, %gather3A_267 : vector<16xf32>
            %swap3A_286 = arith.index_cast %scan3A_262 : i32 to index
            %swap3A_287 = arith.constant 32 : index
            %swap3A_288 = tpu.vector_load %arg13[%swap3A_286, %swap3A_287] {strides = array<i32>} : memref<32x128xf32, #tpu.memory_space<vmem>>, vector<16xf32>,
            tpu.vector_store %arg13[%swap3A_286, %swap3A_287], %mul3A_285 {strides = array<i32>} : memref<32x128xf32, #tpu.memory_space<vmem>>, vector<16xf32>,
            %get3A_289 = arith.index_cast %scan3A_262 : i32 to index
            %get3A_290 = arith.constant 48 : index
            %get3A_291 = tpu.vector_load %arg13[%get3A_289, %get3A_290] {strides = array<i32>} : memref<32x128xf32, #tpu.memory_space<vmem>>, vector<16xf32>,
            %mul3A_292 = arith.mulf %get3A_291, %gather3A_267 : vector<16xf32>
            %swap3A_293 = arith.index_cast %scan3A_262 : i32 to index
            %swap3A_294 = arith.constant 48 : index
            %swap3A_295 = tpu.vector_load %arg13[%swap3A_293, %swap3A_294] {strides = array<i32>} : memref<32x128xf32, #tpu.memory_space<vmem>>, vector<16xf32>,
            tpu.vector_store %arg13[%swap3A_293, %swap3A_294], %mul3A_292 {strides = array<i32>} : memref<32x128xf32, #tpu.memory_space<vmem>>, vector<16xf32>,
            %get3A_296 = arith.index_cast %scan3A_262 : i32 to index
            %get3A_297 = arith.constant 64 : index
            %get3A_298 = tpu.vector_load %arg13[%get3A_296, %get3A_297] {strides = array<i32>} : memref<32x128xf32, #tpu.memory_space<vmem>>, vector<16xf32>,
            %mul3A_299 = arith.mulf %get3A_298, %gather3A_267 : vector<16xf32>
            %swap3A_300 = arith.index_cast %scan3A_262 : i32 to index
            %swap3A_301 = arith.constant 64 : index
            %swap3A_302 = tpu.vector_load %arg13[%swap3A_300, %swap3A_301] {strides = array<i32>} : memref<32x128xf32, #tpu.memory_space<vmem>>, vector<16xf32>,
            tpu.vector_store %arg13[%swap3A_300, %swap3A_301], %mul3A_299 {strides = array<i32>} : memref<32x128xf32, #tpu.memory_space<vmem>>, vector<16xf32>,
            %get3A_303 = arith.index_cast %scan3A_262 : i32 to index
            %get3A_304 = arith.constant 80 : index
            %get3A_305 = tpu.vector_load %arg13[%get3A_303, %get3A_304] {strides = array<i32>} : memref<32x128xf32, #tpu.memory_space<vmem>>, vector<16xf32>,
            %mul3A_306 = arith.mulf %get3A_305, %gather3A_267 : vector<16xf32>
            %swap3A_307 = arith.index_cast %scan3A_262 : i32 to index
            %swap3A_308 = arith.constant 80 : index
            %swap3A_309 = tpu.vector_load %arg13[%swap3A_307, %swap3A_308] {strides = array<i32>} : memref<32x128xf32, #tpu.memory_space<vmem>>, vector<16xf32>,
            tpu.vector_store %arg13[%swap3A_307, %swap3A_308], %mul3A_306 {strides = array<i32>} : memref<32x128xf32, #tpu.memory_space<vmem>>, vector<16xf32>,
            %get3A_310 = arith.index_cast %scan3A_262 : i32 to index
            %get3A_311 = arith.constant 96 : index
            %get3A_312 = tpu.vector_load %arg13[%get3A_310, %get3A_311] {strides = array<i32>} : memref<32x128xf32, #tpu.memory_space<vmem>>, vector<16xf32>,
            %mul3A_313 = arith.mulf %get3A_312, %gather3A_267 : vector<16xf32>
            %swap3A_314 = arith.index_cast %scan3A_262 : i32 to index
            %swap3A_315 = arith.constant 96 : index
            %swap3A_316 = tpu.vector_load %arg13[%swap3A_314, %swap3A_315] {strides = array<i32>} : memref<32x128xf32, #tpu.memory_space<vmem>>, vector<16xf32>,
            tpu.vector_store %arg13[%swap3A_314, %swap3A_315], %mul3A_313 {strides = array<i32>} : memref<32x128xf32, #tpu.memory_space<vmem>>, vector<16xf32>,
            %get3A_317 = arith.index_cast %scan3A_262 : i32 to index
            %get3A_318 = arith.constant 112 : index
            %get3A_319 = tpu.vector_load %arg13[%get3A_317, %get3A_318] {strides = array<i32>} : memref<32x128xf32, #tpu.memory_space<vmem>>, vector<16xf32>,
            %mul3A_320 = arith.mulf %get3A_319, %gather3A_267 : vector<16xf32>
            %swap3A_321 = arith.index_cast %scan3A_262 : i32 to index
            %swap3A_322 = arith.constant 112 : index
            %swap3A_323 = tpu.vector_load %arg13[%swap3A_321, %swap3A_322] {strides = array<i32>} : memref<32x128xf32, #tpu.memory_space<vmem>>, vector<16xf32>,
            tpu.vector_store %arg13[%swap3A_321, %swap3A_322], %mul3A_320 {strides = array<i32>} : memref<32x128xf32, #tpu.memory_space<vmem>>, vector<16xf32>,
          }
          %scan3A_157 = arith.constant 32 : i32
          "tpu.region"() ({
            %run_scoped3A = tpu.sem_alloc : memref<!tpu.dma_semaphore, #tpu.memory_space<semaphore_mem>>
            %dma_start3A = arith.constant 0 : i32
            %dma_start3A_262 = arith.constant 0 : i32
            %dma_start3A_263 = tpu.memref_slice %arg21[%dma_start3A, %dma_start3A_262] : memref<10000x128xf32, #tpu.memory_space<vmem_shared>> -> memref<10000x128xf32, #tpu.memory_space<vmem_shared>>
            tpu.enqueue_indirect_dma source(%arg13 : memref<32x128xf32, #tpu.memory_space<vmem>>) target(%dma_start3A_263 : memref<10000x128xf32, #tpu.memory_space<vmem_shared>>) offsets(%arg16 : memref<32xi32, #tpu.memory_space<vmem>>) semaphore(%run_scoped3A : memref<!tpu.dma_semaphore, #tpu.memory_space<semaphore_mem>>) {add = true}
            %dma_wait3A = arith.constant 0 : i32
            %dma_wait3A_264 = arith.constant 0 : i32
            %dma_wait3A_265 = tpu.memref_slice %arg21[%dma_wait3A, %dma_wait3A_264] : memref<10000x128xf32, #tpu.memory_space<vmem_shared>> -> memref<10000x128xf32, #tpu.memory_space<vmem_shared>>
            tpu.wait_indirect_dma semaphore(%run_scoped3A : memref<!tpu.dma_semaphore, #tpu.memory_space<semaphore_mem>>) src(%arg13 : memref<32x128xf32, #tpu.memory_space<vmem>>) dst(%dma_wait3A_265 : memref<10000x128xf32, #tpu.memory_space<vmem_shared>>)
            tpu.yield
          }) : () -> ()
          "tpu.region"() ({
            %run_scoped3A = tpu.sem_alloc : memref<!tpu.dma_semaphore, #tpu.memory_space<semaphore_mem>>
            %dma_start3A = arith.constant 0 : i32
            %dma_start3A_262 = arith.constant 0 : i32
            %dma_start3A_263 = tpu.memref_slice %arg22[%dma_start3A, %dma_start3A_262] : memref<1264x128xf32, #tpu.memory_space<vmem_shared>> -> memref<1264x128xf32, #tpu.memory_space<vmem_shared>>
            tpu.enqueue_indirect_dma source(%arg15 : memref<32x128xf32, #tpu.memory_space<vmem>>) target(%dma_start3A_263 : memref<1264x128xf32, #tpu.memory_space<vmem_shared>>) offsets(%arg18 : memref<32xi32, #tpu.memory_space<vmem>>) semaphore(%run_scoped3A : memref<!tpu.dma_semaphore, #tpu.memory_space<semaphore_mem>>) {add = true}
            %dma_wait3A = arith.constant 0 : i32
            %dma_wait3A_264 = arith.constant 0 : i32
            %dma_wait3A_265 = tpu.memref_slice %arg22[%dma_wait3A, %dma_wait3A_264] : memref<1264x128xf32, #tpu.memory_space<vmem_shared>> -> memref<1264x128xf32, #tpu.memory_space<vmem_shared>>
            tpu.wait_indirect_dma semaphore(%run_scoped3A : memref<!tpu.dma_semaphore, #tpu.memory_space<semaphore_mem>>) src(%arg15 : memref<32x128xf32, #tpu.memory_space<vmem>>) dst(%dma_wait3A_265 : memref<1264x128xf32, #tpu.memory_space<vmem_shared>>)
            tpu.yield
          }) : () -> ()
          %get3A_158 = arith.constant 0 : index
          %get3A_159 = tpu.vector_load %arg16[%get3A_158] {strides = array<i32>} : memref<32xi32, #tpu.memory_space<vmem>>, vector<16xi32>,
          %get3A_160 = arith.constant 0 : index
          %get3A_161 = tpu.vector_load %arg17[%get3A_160] {strides = array<i32>} : memref<32xi32, #tpu.memory_space<vmem>>, vector<16xi32>,
          %add3A_162 = arith.constant 0 : i32
          %add3A_163 = vector.broadcast %add3A_162 : i32 to vector<16xi32>
          %add3A_164 = arith.addi %iota3A, %add3A_163 : vector<16xi32>
          %and3A_165 = arith.constant 7 : i32
          %and3A_166 = vector.broadcast %and3A_165 : i32 to vector<16xi32>
          %and3A_167 = arith.andi %get3A_159, %and3A_166 : vector<16xi32>
          %mul3A_168 = arith.constant 16 : i32
          %mul3A_169 = vector.broadcast %mul3A_168 : i32 to vector<16xi32>
          %mul3A_170 = arith.muli %and3A_167, %mul3A_169 : vector<16xi32>
          tpu.vector_store_idx %arg15[%add3A_164, %mul3A_170], %broadcast_in_dim3A_4 : memref<32x128xf32, #tpu.memory_space<vmem>>[vector<16xi32>, vector<16xi32>], vector<16xf32>,
          %add3A_171 = arith.constant 1 : i32
          %add3A_172 = vector.broadcast %add3A_171 : i32 to vector<16xi32>
          %add3A_173 = arith.addi %mul3A_170, %add3A_172 : vector<16xi32>
          tpu.vector_store_idx %arg15[%add3A_164, %add3A_173], %broadcast_in_dim3A_4 : memref<32x128xf32, #tpu.memory_space<vmem>>[vector<16xi32>, vector<16xi32>], vector<16xf32>,
          %get3A_174 = arith.constant 20064 : index
          %get3A_175 = tpu.vector_load %arg14[%get3A_174] {strides = array<i32>} : memref<20192xf32, #tpu.memory_space<vmem>>, vector<16xf32>,
          %get3A_176 = arith.constant 20128 : index
          %get3A_177 = tpu.vector_load %arg14[%get3A_176] {strides = array<i32>} : memref<20192xf32, #tpu.memory_space<vmem>>, vector<16xf32>,
          %mul3A_178 = arith.mulf %get3A_175, %get3A_177 : vector<16xf32>
          %and3A_179 = arith.constant 7 : i32
          %and3A_180 = vector.broadcast %and3A_179 : i32 to vector<16xi32>
          %and3A_181 = arith.andi %get3A_161, %and3A_180 : vector<16xi32>
          %mul3A_182 = arith.constant 16 : i32
          %mul3A_183 = vector.broadcast %mul3A_182 : i32 to vector<16xi32>
          %mul3A_184 = arith.muli %and3A_181, %mul3A_183 : vector<16xi32>
          tpu.vector_store_idx %arg15[%add3A_164, %mul3A_184], %mul3A_178 : memref<32x128xf32, #tpu.memory_space<vmem>>[vector<16xi32>, vector<16xi32>], vector<16xf32>,
          %add3A_185 = arith.constant 1 : i32
          %add3A_186 = vector.broadcast %add3A_185 : i32 to vector<16xi32>
          %add3A_187 = arith.addi %mul3A_184, %add3A_186 : vector<16xi32>
          tpu.vector_store_idx %arg15[%add3A_164, %add3A_187], %broadcast_in_dim3A_19 : memref<32x128xf32, #tpu.memory_space<vmem>>[vector<16xi32>, vector<16xi32>], vector<16xf32>,
          %shift_right_logical3A_188 = arith.constant 3 : i32
          %shift_right_logical3A_189 = vector.broadcast %shift_right_logical3A_188 : i32 to vector<16xi32>
          %shift_right_logical3A_190 = arith.shrui %get3A_161, %shift_right_logical3A_189 : vector<16xi32>
          %swap3A_191 = arith.constant 0 : index
          %swap3A_192 = tpu.vector_load %arg18[%swap3A_191] {strides = array<i32>} : memref<32xi32, #tpu.memory_space<vmem>>, vector<16xi32>,
          tpu.vector_store %arg18[%swap3A_191], %shift_right_logical3A_190 {strides = array<i32>} : memref<32xi32, #tpu.memory_space<vmem>>, vector<16xi32>,
          %get3A_193 = arith.constant 16 : index
          %get3A_194 = tpu.vector_load %arg16[%get3A_193] {strides = array<i32>} : memref<32xi32, #tpu.memory_space<vmem>>, vector<16xi32>,
          %get3A_195 = arith.constant 16 : index
          %get3A_196 = tpu.vector_load %arg17[%get3A_195] {strides = array<i32>} : memref<32xi32, #tpu.memory_space<vmem>>, vector<16xi32>,
          %add3A_197 = arith.constant 16 : i32
          %add3A_198 = vector.broadcast %add3A_197 : i32 to vector<16xi32>
          %add3A_199 = arith.addi %iota3A, %add3A_198 : vector<16xi32>
          %and3A_200 = arith.constant 7 : i32
          %and3A_201 = vector.broadcast %and3A_200 : i32 to vector<16xi32>
          %and3A_202 = arith.andi %get3A_194, %and3A_201 : vector<16xi32>
          %mul3A_203 = arith.constant 16 : i32
          %mul3A_204 = vector.broadcast %mul3A_203 : i32 to vector<16xi32>
          %mul3A_205 = arith.muli %and3A_202, %mul3A_204 : vector<16xi32>
          tpu.vector_store_idx %arg15[%add3A_199, %mul3A_205], %broadcast_in_dim3A_4 : memref<32x128xf32, #tpu.memory_space<vmem>>[vector<16xi32>, vector<16xi32>], vector<16xf32>,
          %add3A_206 = arith.constant 1 : i32
          %add3A_207 = vector.broadcast %add3A_206 : i32 to vector<16xi32>
          %add3A_208 = arith.addi %mul3A_205, %add3A_207 : vector<16xi32>
          tpu.vector_store_idx %arg15[%add3A_199, %add3A_208], %broadcast_in_dim3A_4 : memref<32x128xf32, #tpu.memory_space<vmem>>[vector<16xi32>, vector<16xi32>], vector<16xf32>,
          %get3A_209 = arith.constant 20080 : index
          %get3A_210 = tpu.vector_load %arg14[%get3A_209] {strides = array<i32>} : memref<20192xf32, #tpu.memory_space<vmem>>, vector<16xf32>,
          %get3A_211 = arith.constant 20144 : index
          %get3A_212 = tpu.vector_load %arg14[%get3A_211] {strides = array<i32>} : memref<20192xf32, #tpu.memory_space<vmem>>, vector<16xf32>,
          %mul3A_213 = arith.mulf %get3A_210, %get3A_212 : vector<16xf32>
          %and3A_214 = arith.constant 7 : i32
          %and3A_215 = vector.broadcast %and3A_214 : i32 to vector<16xi32>
          %and3A_216 = arith.andi %get3A_196, %and3A_215 : vector<16xi32>
          %mul3A_217 = arith.constant 16 : i32
          %mul3A_218 = vector.broadcast %mul3A_217 : i32 to vector<16xi32>
          %mul3A_219 = arith.muli %and3A_216, %mul3A_218 : vector<16xi32>
          tpu.vector_store_idx %arg15[%add3A_199, %mul3A_219], %mul3A_213 : memref<32x128xf32, #tpu.memory_space<vmem>>[vector<16xi32>, vector<16xi32>], vector<16xf32>,
          %add3A_220 = arith.constant 1 : i32
          %add3A_221 = vector.broadcast %add3A_220 : i32 to vector<16xi32>
          %add3A_222 = arith.addi %mul3A_219, %add3A_221 : vector<16xi32>
          tpu.vector_store_idx %arg15[%add3A_199, %add3A_222], %broadcast_in_dim3A_19 : memref<32x128xf32, #tpu.memory_space<vmem>>[vector<16xi32>, vector<16xi32>], vector<16xf32>,
          %shift_right_logical3A_223 = arith.constant 3 : i32
          %shift_right_logical3A_224 = vector.broadcast %shift_right_logical3A_223 : i32 to vector<16xi32>
          %shift_right_logical3A_225 = arith.shrui %get3A_196, %shift_right_logical3A_224 : vector<16xi32>
          %swap3A_226 = arith.constant 16 : index
          %swap3A_227 = tpu.vector_load %arg18[%swap3A_226] {strides = array<i32>} : memref<32xi32, #tpu.memory_space<vmem>>, vector<16xi32>,
          tpu.vector_store %arg18[%swap3A_226], %shift_right_logical3A_225 {strides = array<i32>} : memref<32xi32, #tpu.memory_space<vmem>>, vector<16xi32>,
          %scan3A_228 = arith.constant 0 : i32
          %scan3A_229 = arith.constant 0 : i32
          %scan3A_230 = arith.constant 32 : i32
          %scan3A_231 = arith.addi %scan3A_229, %scan3A_230 : i32
          %scan3A_232 = arith.constant 1 : i32
          scf.for %scan3A_262 = %scan3A_229 to %scan3A_231 step %scan3A_232  : i32 {
            %broadcast_in_dim3A_263 = arith.constant 20128 : i32
            %broadcast_in_dim3A_264 = vector.broadcast %broadcast_in_dim3A_263 : i32 to vector<16xi32>
            %add3A_265 = vector.broadcast %scan3A_262 : i32 to vector<16xi32>
            %add3A_266 = arith.addi %broadcast_in_dim3A_264, %add3A_265 : vector<16xi32>
            %gather3A_267 = tpu.vector_load_idx %arg14[%add3A_266] : memref<20192xf32, #tpu.memory_space<vmem>>[vector<16xi32>], vector<16xf32>,
            %get3A_268 = arith.index_cast %scan3A_262 : i32 to index
            %get3A_269 = arith.constant 0 : index
            %get3A_270 = tpu.vector_load %arg13[%get3A_268, %get3A_269] {strides = array<i32>} : memref<32x128xf32, #tpu.memory_space<vmem>>, vector<16xf32>,
            %mul3A_271 = arith.mulf %get3A_270, %gather3A_267 : vector<16xf32>
            %swap3A_272 = arith.index_cast %scan3A_262 : i32 to index
            %swap3A_273 = arith.constant 0 : index
            %swap3A_274 = tpu.vector_load %arg13[%swap3A_272, %swap3A_273] {strides = array<i32>} : memref<32x128xf32, #tpu.memory_space<vmem>>, vector<16xf32>,
            tpu.vector_store %arg13[%swap3A_272, %swap3A_273], %mul3A_271 {strides = array<i32>} : memref<32x128xf32, #tpu.memory_space<vmem>>, vector<16xf32>,
            %get3A_275 = arith.index_cast %scan3A_262 : i32 to index
            %get3A_276 = arith.constant 16 : index
            %get3A_277 = tpu.vector_load %arg13[%get3A_275, %get3A_276] {strides = array<i32>} : memref<32x128xf32, #tpu.memory_space<vmem>>, vector<16xf32>,
            %mul3A_278 = arith.mulf %get3A_277, %gather3A_267 : vector<16xf32>
            %swap3A_279 = arith.index_cast %scan3A_262 : i32 to index
            %swap3A_280 = arith.constant 16 : index
            %swap3A_281 = tpu.vector_load %arg13[%swap3A_279, %swap3A_280] {strides = array<i32>} : memref<32x128xf32, #tpu.memory_space<vmem>>, vector<16xf32>,
            tpu.vector_store %arg13[%swap3A_279, %swap3A_280], %mul3A_278 {strides = array<i32>} : memref<32x128xf32, #tpu.memory_space<vmem>>, vector<16xf32>,
            %get3A_282 = arith.index_cast %scan3A_262 : i32 to index
            %get3A_283 = arith.constant 32 : index
            %get3A_284 = tpu.vector_load %arg13[%get3A_282, %get3A_283] {strides = array<i32>} : memref<32x128xf32, #tpu.memory_space<vmem>>, vector<16xf32>,
            %mul3A_285 = arith.mulf %get3A_284, %gather3A_267 : vector<16xf32>
            %swap3A_286 = arith.index_cast %scan3A_262 : i32 to index
            %swap3A_287 = arith.constant 32 : index
            %swap3A_288 = tpu.vector_load %arg13[%swap3A_286, %swap3A_287] {strides = array<i32>} : memref<32x128xf32, #tpu.memory_space<vmem>>, vector<16xf32>,
            tpu.vector_store %arg13[%swap3A_286, %swap3A_287], %mul3A_285 {strides = array<i32>} : memref<32x128xf32, #tpu.memory_space<vmem>>, vector<16xf32>,
            %get3A_289 = arith.index_cast %scan3A_262 : i32 to index
            %get3A_290 = arith.constant 48 : index
            %get3A_291 = tpu.vector_load %arg13[%get3A_289, %get3A_290] {strides = array<i32>} : memref<32x128xf32, #tpu.memory_space<vmem>>, vector<16xf32>,
            %mul3A_292 = arith.mulf %get3A_291, %gather3A_267 : vector<16xf32>
            %swap3A_293 = arith.index_cast %scan3A_262 : i32 to index
            %swap3A_294 = arith.constant 48 : index
            %swap3A_295 = tpu.vector_load %arg13[%swap3A_293, %swap3A_294] {strides = array<i32>} : memref<32x128xf32, #tpu.memory_space<vmem>>, vector<16xf32>,
            tpu.vector_store %arg13[%swap3A_293, %swap3A_294], %mul3A_292 {strides = array<i32>} : memref<32x128xf32, #tpu.memory_space<vmem>>, vector<16xf32>,
            %get3A_296 = arith.index_cast %scan3A_262 : i32 to index
            %get3A_297 = arith.constant 64 : index
            %get3A_298 = tpu.vector_load %arg13[%get3A_296, %get3A_297] {strides = array<i32>} : memref<32x128xf32, #tpu.memory_space<vmem>>, vector<16xf32>,
            %mul3A_299 = arith.mulf %get3A_298, %gather3A_267 : vector<16xf32>
            %swap3A_300 = arith.index_cast %scan3A_262 : i32 to index
            %swap3A_301 = arith.constant 64 : index
            %swap3A_302 = tpu.vector_load %arg13[%swap3A_300, %swap3A_301] {strides = array<i32>} : memref<32x128xf32, #tpu.memory_space<vmem>>, vector<16xf32>,
            tpu.vector_store %arg13[%swap3A_300, %swap3A_301], %mul3A_299 {strides = array<i32>} : memref<32x128xf32, #tpu.memory_space<vmem>>, vector<16xf32>,
            %get3A_303 = arith.index_cast %scan3A_262 : i32 to index
            %get3A_304 = arith.constant 80 : index
            %get3A_305 = tpu.vector_load %arg13[%get3A_303, %get3A_304] {strides = array<i32>} : memref<32x128xf32, #tpu.memory_space<vmem>>, vector<16xf32>,
            %mul3A_306 = arith.mulf %get3A_305, %gather3A_267 : vector<16xf32>
            %swap3A_307 = arith.index_cast %scan3A_262 : i32 to index
            %swap3A_308 = arith.constant 80 : index
            %swap3A_309 = tpu.vector_load %arg13[%swap3A_307, %swap3A_308] {strides = array<i32>} : memref<32x128xf32, #tpu.memory_space<vmem>>, vector<16xf32>,
            tpu.vector_store %arg13[%swap3A_307, %swap3A_308], %mul3A_306 {strides = array<i32>} : memref<32x128xf32, #tpu.memory_space<vmem>>, vector<16xf32>,
            %get3A_310 = arith.index_cast %scan3A_262 : i32 to index
            %get3A_311 = arith.constant 96 : index
            %get3A_312 = tpu.vector_load %arg13[%get3A_310, %get3A_311] {strides = array<i32>} : memref<32x128xf32, #tpu.memory_space<vmem>>, vector<16xf32>,
            %mul3A_313 = arith.mulf %get3A_312, %gather3A_267 : vector<16xf32>
            %swap3A_314 = arith.index_cast %scan3A_262 : i32 to index
            %swap3A_315 = arith.constant 96 : index
            %swap3A_316 = tpu.vector_load %arg13[%swap3A_314, %swap3A_315] {strides = array<i32>} : memref<32x128xf32, #tpu.memory_space<vmem>>, vector<16xf32>,
            tpu.vector_store %arg13[%swap3A_314, %swap3A_315], %mul3A_313 {strides = array<i32>} : memref<32x128xf32, #tpu.memory_space<vmem>>, vector<16xf32>,
            %get3A_317 = arith.index_cast %scan3A_262 : i32 to index
            %get3A_318 = arith.constant 112 : index
            %get3A_319 = tpu.vector_load %arg13[%get3A_317, %get3A_318] {strides = array<i32>} : memref<32x128xf32, #tpu.memory_space<vmem>>, vector<16xf32>,
            %mul3A_320 = arith.mulf %get3A_319, %gather3A_267 : vector<16xf32>
            %swap3A_321 = arith.index_cast %scan3A_262 : i32 to index
            %swap3A_322 = arith.constant 112 : index
            %swap3A_323 = tpu.vector_load %arg13[%swap3A_321, %swap3A_322] {strides = array<i32>} : memref<32x128xf32, #tpu.memory_space<vmem>>, vector<16xf32>,
            tpu.vector_store %arg13[%swap3A_321, %swap3A_322], %mul3A_320 {strides = array<i32>} : memref<32x128xf32, #tpu.memory_space<vmem>>, vector<16xf32>,
          }
          %scan3A_233 = arith.constant 32 : i32
          "tpu.region"() ({
            %run_scoped3A = tpu.sem_alloc : memref<!tpu.dma_semaphore, #tpu.memory_space<semaphore_mem>>
            %dma_start3A = arith.constant 0 : i32
            %dma_start3A_262 = arith.constant 0 : i32
            %dma_start3A_263 = tpu.memref_slice %arg21[%dma_start3A, %dma_start3A_262] : memref<10000x128xf32, #tpu.memory_space<vmem_shared>> -> memref<10000x128xf32, #tpu.memory_space<vmem_shared>>
            tpu.enqueue_indirect_dma source(%arg13 : memref<32x128xf32, #tpu.memory_space<vmem>>) target(%dma_start3A_263 : memref<10000x128xf32, #tpu.memory_space<vmem_shared>>) offsets(%arg17 : memref<32xi32, #tpu.memory_space<vmem>>) semaphore(%run_scoped3A : memref<!tpu.dma_semaphore, #tpu.memory_space<semaphore_mem>>) {add = true}
            %dma_wait3A = arith.constant 0 : i32
            %dma_wait3A_264 = arith.constant 0 : i32
            %dma_wait3A_265 = tpu.memref_slice %arg21[%dma_wait3A, %dma_wait3A_264] : memref<10000x128xf32, #tpu.memory_space<vmem_shared>> -> memref<10000x128xf32, #tpu.memory_space<vmem_shared>>
            tpu.wait_indirect_dma semaphore(%run_scoped3A : memref<!tpu.dma_semaphore, #tpu.memory_space<semaphore_mem>>) src(%arg13 : memref<32x128xf32, #tpu.memory_space<vmem>>) dst(%dma_wait3A_265 : memref<10000x128xf32, #tpu.memory_space<vmem_shared>>)
            tpu.yield
          }) : () -> ()
          "tpu.region"() ({
            %run_scoped3A = tpu.sem_alloc : memref<!tpu.dma_semaphore, #tpu.memory_space<semaphore_mem>>
            %dma_start3A = arith.constant 0 : i32
            %dma_start3A_262 = arith.constant 0 : i32
            %dma_start3A_263 = tpu.memref_slice %arg22[%dma_start3A, %dma_start3A_262] : memref<1264x128xf32, #tpu.memory_space<vmem_shared>> -> memref<1264x128xf32, #tpu.memory_space<vmem_shared>>
            tpu.enqueue_indirect_dma source(%arg15 : memref<32x128xf32, #tpu.memory_space<vmem>>) target(%dma_start3A_263 : memref<1264x128xf32, #tpu.memory_space<vmem_shared>>) offsets(%arg18 : memref<32xi32, #tpu.memory_space<vmem>>) semaphore(%run_scoped3A : memref<!tpu.dma_semaphore, #tpu.memory_space<semaphore_mem>>) {add = true}
            %dma_wait3A = arith.constant 0 : i32
            %dma_wait3A_264 = arith.constant 0 : i32
            %dma_wait3A_265 = tpu.memref_slice %arg22[%dma_wait3A, %dma_wait3A_264] : memref<1264x128xf32, #tpu.memory_space<vmem_shared>> -> memref<1264x128xf32, #tpu.memory_space<vmem_shared>>
            tpu.wait_indirect_dma semaphore(%run_scoped3A : memref<!tpu.dma_semaphore, #tpu.memory_space<semaphore_mem>>) src(%arg15 : memref<32x128xf32, #tpu.memory_space<vmem>>) dst(%dma_wait3A_265 : memref<1264x128xf32, #tpu.memory_space<vmem_shared>>)
            tpu.yield
          }) : () -> ()
          %get3A_234 = arith.constant 0 : index
          %get3A_235 = tpu.vector_load %arg17[%get3A_234] {strides = array<i32>} : memref<32xi32, #tpu.memory_space<vmem>>, vector<16xi32>,
          %add3A_236 = arith.constant 0 : i32
          %add3A_237 = vector.broadcast %add3A_236 : i32 to vector<16xi32>
          %add3A_238 = arith.addi %iota3A, %add3A_237 : vector<16xi32>
          %and3A_239 = arith.constant 7 : i32
          %and3A_240 = vector.broadcast %and3A_239 : i32 to vector<16xi32>
          %and3A_241 = arith.andi %get3A_235, %and3A_240 : vector<16xi32>
          %mul3A_242 = arith.constant 16 : i32
          %mul3A_243 = vector.broadcast %mul3A_242 : i32 to vector<16xi32>
          %mul3A_244 = arith.muli %and3A_241, %mul3A_243 : vector<16xi32>
          tpu.vector_store_idx %arg15[%add3A_238, %mul3A_244], %broadcast_in_dim3A_4 : memref<32x128xf32, #tpu.memory_space<vmem>>[vector<16xi32>, vector<16xi32>], vector<16xf32>,
          %add3A_245 = arith.constant 1 : i32
          %add3A_246 = vector.broadcast %add3A_245 : i32 to vector<16xi32>
          %add3A_247 = arith.addi %mul3A_244, %add3A_246 : vector<16xi32>
          tpu.vector_store_idx %arg15[%add3A_238, %add3A_247], %broadcast_in_dim3A_4 : memref<32x128xf32, #tpu.memory_space<vmem>>[vector<16xi32>, vector<16xi32>], vector<16xf32>,
          %get3A_248 = arith.constant 16 : index
          %get3A_249 = tpu.vector_load %arg17[%get3A_248] {strides = array<i32>} : memref<32xi32, #tpu.memory_space<vmem>>, vector<16xi32>,
          %add3A_250 = arith.constant 16 : i32
          %add3A_251 = vector.broadcast %add3A_250 : i32 to vector<16xi32>
          %add3A_252 = arith.addi %iota3A, %add3A_251 : vector<16xi32>
          %and3A_253 = arith.constant 7 : i32
          %and3A_254 = vector.broadcast %and3A_253 : i32 to vector<16xi32>
          %and3A_255 = arith.andi %get3A_249, %and3A_254 : vector<16xi32>
          %mul3A_256 = arith.constant 16 : i32
          %mul3A_257 = vector.broadcast %mul3A_256 : i32 to vector<16xi32>
          %mul3A_258 = arith.muli %and3A_255, %mul3A_257 : vector<16xi32>
          tpu.vector_store_idx %arg15[%add3A_252, %mul3A_258], %broadcast_in_dim3A_4 : memref<32x128xf32, #tpu.memory_space<vmem>>[vector<16xi32>, vector<16xi32>], vector<16xf32>,
          %add3A_259 = arith.constant 1 : i32
          %add3A_260 = vector.broadcast %add3A_259 : i32 to vector<16xi32>
          %add3A_261 = arith.addi %mul3A_258, %add3A_260 : vector<16xi32>
          tpu.vector_store_idx %arg15[%add3A_252, %add3A_261], %broadcast_in_dim3A_4 : memref<32x128xf32, #tpu.memory_space<vmem>>[vector<16xi32>, vector<16xi32>], vector<16xf32>,
        } else {
        }
      }
      %scan3A_55 = arith.constant 625 : i32
    } else {
    }
    %barrier3A_39 = arith.constant 0 : index
    tpu.barrier barrier_id(%barrier3A_39)
    %eq3A_40 = arith.constant 0 : i32
    %eq3A_41 = arith.cmpi eq, %arg0, %eq3A_40 : i32
    %convert_element_type3A_42 = arith.extui %eq3A_41 : i1 to i32
    %cond3A_43 = arith.constant 0 : i32
    %cond3A_44 = arith.cmpi ne, %convert_element_type3A_42, %cond3A_43 : i32
    scf.if %cond3A_44 {
      %scan3A_50 = arith.constant 0 : i32
      %scan3A_51 = arith.constant 0 : i32
      %scan3A_52 = arith.constant 40 : i32
      %scan3A_53 = arith.addi %scan3A_51, %scan3A_52 : i32
      %scan3A_54 = arith.constant 1 : i32
      scf.for %scan3A_56 = %scan3A_51 to %scan3A_53 step %scan3A_54  : i32 {
        %mul3A = arith.constant 16 : i32
        %mul3A_57 = arith.muli %mul3A, %scan3A_56 : i32
        %add3A = arith.addi %arg1, %mul3A_57 : i32
        %lt3A = arith.constant 625 : i32
        %lt3A_58 = arith.cmpi slt, %add3A, %lt3A : i32
        %convert_element_type3A_59 = arith.extui %lt3A_58 : i1 to i32
        %cond3A_60 = arith.constant 0 : i32
        %cond3A_61 = arith.cmpi ne, %convert_element_type3A_59, %cond3A_60 : i32
        scf.if %cond3A_61 {
          %mul3A_62 = arith.constant 16 : i32
          %mul3A_63 = arith.muli %add3A, %mul3A_62 : i32
          %add3A_64 = vector.broadcast %mul3A_63 : i32 to vector<16xi32>
          %add3A_65 = arith.addi %iota3A, %add3A_64 : vector<16xi32>
          %swap3A = arith.constant 0 : index
          %swap3A_66 = tpu.vector_load %arg19[%swap3A] {strides = array<i32>} : memref<16xi32, #tpu.memory_space<vmem>>, vector<16xi32>,
          tpu.vector_store %arg19[%swap3A], %add3A_65 {strides = array<i32>} : memref<16xi32, #tpu.memory_space<vmem>>, vector<16xi32>,
          %dma_start3A = arith.constant 0 : i32
          %dma_start3A_67 = arith.constant 0 : i32
          %dma_start3A_68 = tpu.memref_slice %arg21[%dma_start3A, %dma_start3A_67] : memref<10000x128xf32, #tpu.memory_space<vmem_shared>> -> memref<10000x128xf32, #tpu.memory_space<vmem_shared>>
          tpu.enqueue_indirect_dma source(%dma_start3A_68 : memref<10000x128xf32, #tpu.memory_space<vmem_shared>>) target(%arg20 : memref<16x128xf32, #tpu.memory_space<vmem>>) offsets(%arg19 : memref<16xi32, #tpu.memory_space<vmem>>) semaphore(%arg23 : memref<!tpu.dma_semaphore, #tpu.memory_space<semaphore_mem>>)
          %dma_wait3A = arith.constant 0 : i32
          %dma_wait3A_69 = arith.constant 0 : i32
          %dma_wait3A_70 = tpu.memref_slice %arg21[%dma_wait3A, %dma_wait3A_69] : memref<10000x128xf32, #tpu.memory_space<vmem_shared>> -> memref<10000x128xf32, #tpu.memory_space<vmem_shared>>
          tpu.wait_indirect_dma semaphore(%arg23 : memref<!tpu.dma_semaphore, #tpu.memory_space<semaphore_mem>>) src(%dma_wait3A_70 : memref<10000x128xf32, #tpu.memory_space<vmem_shared>>) dst(%arg20 : memref<16x128xf32, #tpu.memory_space<vmem>>)
          %add3A_71 = vector.broadcast %mul3A_63 : i32 to vector<16xi32>
          %add3A_72 = arith.addi %iota3A, %add3A_71 : vector<16xi32>
          %shift_right_logical3A = arith.constant 3 : i32
          %shift_right_logical3A_73 = vector.broadcast %shift_right_logical3A : i32 to vector<16xi32>
          %shift_right_logical3A_74 = arith.shrui %add3A_72, %shift_right_logical3A_73 : vector<16xi32>
          %swap3A_75 = arith.constant 0 : index
          %swap3A_76 = tpu.vector_load %arg19[%swap3A_75] {strides = array<i32>} : memref<16xi32, #tpu.memory_space<vmem>>, vector<16xi32>,
          tpu.vector_store %arg19[%swap3A_75], %shift_right_logical3A_74 {strides = array<i32>} : memref<16xi32, #tpu.memory_space<vmem>>, vector<16xi32>,
          %dma_start3A_77 = arith.constant 0 : i32
          %dma_start3A_78 = arith.constant 0 : i32
          %dma_start3A_79 = tpu.memref_slice %arg15[%dma_start3A_77, %dma_start3A_78] : memref<32x128xf32, #tpu.memory_space<vmem>> -> memref<16x128xf32, #tpu.memory_space<vmem>>
          %dma_start3A_80 = arith.constant 0 : i32
          %dma_start3A_81 = arith.constant 0 : i32
          %dma_start3A_82 = tpu.memref_slice %arg22[%dma_start3A_80, %dma_start3A_81] : memref<1264x128xf32, #tpu.memory_space<vmem_shared>> -> memref<1264x128xf32, #tpu.memory_space<vmem_shared>>
          tpu.enqueue_indirect_dma source(%dma_start3A_82 : memref<1264x128xf32, #tpu.memory_space<vmem_shared>>) target(%dma_start3A_79 : memref<16x128xf32, #tpu.memory_space<vmem>>) offsets(%arg19 : memref<16xi32, #tpu.memory_space<vmem>>) semaphore(%arg23 : memref<!tpu.dma_semaphore, #tpu.memory_space<semaphore_mem>>)
          %dma_wait3A_83 = arith.constant 0 : i32
          %dma_wait3A_84 = arith.constant 0 : i32
          %dma_wait3A_85 = tpu.memref_slice %arg15[%dma_wait3A_83, %dma_wait3A_84] : memref<32x128xf32, #tpu.memory_space<vmem>> -> memref<16x128xf32, #tpu.memory_space<vmem>>
          %dma_wait3A_86 = arith.constant 0 : i32
          %dma_wait3A_87 = arith.constant 0 : i32
          %dma_wait3A_88 = tpu.memref_slice %arg22[%dma_wait3A_86, %dma_wait3A_87] : memref<1264x128xf32, #tpu.memory_space<vmem_shared>> -> memref<1264x128xf32, #tpu.memory_space<vmem_shared>>
          tpu.wait_indirect_dma semaphore(%arg23 : memref<!tpu.dma_semaphore, #tpu.memory_space<semaphore_mem>>) src(%dma_wait3A_88 : memref<1264x128xf32, #tpu.memory_space<vmem_shared>>) dst(%dma_wait3A_85 : memref<16x128xf32, #tpu.memory_space<vmem>>)
          "tpu.region"() ({
            %run_scoped3A = tpu.sem_alloc : memref<!tpu.dma_semaphore, #tpu.memory_space<semaphore_mem>>
            %dma_start3A_95 = arith.constant 16 : i32
            %dma_start3A_96 = arith.constant 0 : i32
            %dma_start3A_97 = tpu.memref_slice %arg13[%dma_start3A_95, %dma_start3A_96] : memref<32x128xf32, #tpu.memory_space<vmem>> -> memref<16x128xf32, #tpu.memory_space<vmem>>
            %dma_start3A_98 = arith.constant 0 : i32
            %dma_start3A_99 = tpu.memref_slice %arg2[%mul3A_63, %dma_start3A_98] : memref<10000x128xf32, #tpu.memory_space<hbm>> -> memref<16x128xf32, #tpu.memory_space<hbm>>
            %dma_start3A_100 = arith.constant 16 : i32
            %dma_start3A_101 = arith.constant 0 : i32
            %dma_start3A_102 = tpu.memref_slice %arg13[%dma_start3A_100, %dma_start3A_101] : memref<32x128xf32, #tpu.memory_space<vmem>> -> memref<16x128xf32, #tpu.memory_space<vmem>>
            %dma_start3A_103 = arith.constant 0 : i32
            %dma_start3A_104 = tpu.memref_slice %arg2[%mul3A_63, %dma_start3A_103] : memref<10000x128xf32, #tpu.memory_space<hbm>> -> memref<16x128xf32, #tpu.memory_space<hbm>>
            tpu.enqueue_dma source(%dma_start3A_104 : memref<16x128xf32, #tpu.memory_space<hbm>>) target(%dma_start3A_102 : memref<16x128xf32, #tpu.memory_space<vmem>>) target_semaphore(%run_scoped3A : memref<!tpu.dma_semaphore, #tpu.memory_space<semaphore_mem>>)
            %dma_wait3A_105 = arith.constant 16 : i32
            %dma_wait3A_106 = arith.constant 0 : i32
            %dma_wait3A_107 = tpu.memref_slice %arg13[%dma_wait3A_105, %dma_wait3A_106] : memref<32x128xf32, #tpu.memory_space<vmem>> -> memref<16x128xf32, #tpu.memory_space<vmem>>
            %dma_wait3A_108 = arith.constant 0 : i32
            %dma_wait3A_109 = tpu.memref_slice %arg2[%mul3A_63, %dma_wait3A_108] : memref<10000x128xf32, #tpu.memory_space<hbm>> -> memref<16x128xf32, #tpu.memory_space<hbm>>
            %dma_wait3A_110 = arith.constant 16 : i32
            %dma_wait3A_111 = arith.constant 0 : i32
            %dma_wait3A_112 = tpu.memref_slice %arg13[%dma_wait3A_110, %dma_wait3A_111] : memref<32x128xf32, #tpu.memory_space<vmem>> -> memref<16x128xf32, #tpu.memory_space<vmem>>
            %dma_wait3A_113 = arith.constant 0 : i32
            %dma_wait3A_114 = tpu.memref_slice %arg2[%mul3A_63, %dma_wait3A_113] : memref<10000x128xf32, #tpu.memory_space<hbm>> -> memref<16x128xf32, #tpu.memory_space<hbm>>
            tpu.wait_dma2 semaphore(%run_scoped3A : memref<!tpu.dma_semaphore, #tpu.memory_space<semaphore_mem>>) src(%dma_wait3A_114 : memref<16x128xf32, #tpu.memory_space<hbm>>) dst(%dma_wait3A_112 : memref<16x128xf32, #tpu.memory_space<vmem>>)
            tpu.yield
          }) : () -> ()
          %scan3A_89 = arith.constant 0 : i32
          %scan3A_90 = arith.constant 0 : i32
          %scan3A_91 = arith.constant 16 : i32
          %scan3A_92 = arith.addi %scan3A_90, %scan3A_91 : i32
          %scan3A_93 = arith.constant 1 : i32
          scf.for %scan3A_95 = %scan3A_90 to %scan3A_92 step %scan3A_93  : i32 {
            %and3A = arith.constant 7 : i32
            %and3A_96 = arith.andi %scan3A_95, %and3A : i32
            %mul3A_97 = arith.constant 16 : i32
            %mul3A_98 = arith.muli %and3A_96, %mul3A_97 : i32
            %get3A = arith.index_cast %scan3A_95 : i32 to index
            %get3A_99 = arith.index_cast %mul3A_98 : i32 to index
            %get3A_100 = tpu.vector_load %arg15[%get3A, %get3A_99] {strides = array<i32>} : memref<32x128xf32, #tpu.memory_space<vmem>>, vector<16xf32>,
            %mul3A_101 = arith.mulf %get3A_100, %select_n3A_17 : vector<16xf32>
            %reduce_sum3A = arith.constant true
            %reduce_sum3A_102 = vector.broadcast %reduce_sum3A : i1 to vector<16xi1>
            %reduce_sum3A_103 = tpu.scan <sum>, %mul3A_101 masked %reduce_sum3A_102 : vector<16xf32>, vector<16xi1> -> vector<16xf32>
            %reduce_sum3A_104 = vector.extract %reduce_sum3A_103[15] : f32 from vector<16xf32>
            %broadcast_in_dim3A_105 = vector.broadcast %reduce_sum3A_104 : f32 to vector<16xf32>
            %mul3A_106 = arith.mulf %get3A_100, %select_n3A : vector<16xf32>
            %reduce_sum3A_107 = arith.constant true
            %reduce_sum3A_108 = vector.broadcast %reduce_sum3A_107 : i1 to vector<16xi1>
            %reduce_sum3A_109 = tpu.scan <sum>, %mul3A_106 masked %reduce_sum3A_108 : vector<16xf32>, vector<16xi1> -> vector<16xf32>
            %reduce_sum3A_110 = vector.extract %reduce_sum3A_109[15] : f32 from vector<16xf32>
            %broadcast_in_dim3A_111 = vector.broadcast %reduce_sum3A_110 : f32 to vector<16xf32>
            %broadcast_in_dim3A_112 = arith.constant 2 : i32
            %broadcast_in_dim3A_113 = vector.broadcast %broadcast_in_dim3A_112 : i32 to vector<16xi32>
            %add3A_114 = arith.addi %mul3A_63, %scan3A_95 : i32
            %mul3A_115 = vector.broadcast %add3A_114 : i32 to vector<16xi32>
            %mul3A_116 = arith.muli %broadcast_in_dim3A_113, %mul3A_115 : vector<16xi32>
            %gather3A = tpu.vector_load_idx %arg14[%mul3A_116] : memref<20192xf32, #tpu.memory_space<vmem>>[vector<16xi32>], vector<16xf32>,
            %broadcast_in_dim3A_117 = arith.constant 2 : i32
            %broadcast_in_dim3A_118 = vector.broadcast %broadcast_in_dim3A_117 : i32 to vector<16xi32>
            %add3A_119 = arith.addi %mul3A_63, %scan3A_95 : i32
            %mul3A_120 = vector.broadcast %add3A_119 : i32 to vector<16xi32>
            %mul3A_121 = arith.muli %broadcast_in_dim3A_118, %mul3A_120 : vector<16xi32>
            %add3A_122 = arith.constant 1 : i32
            %add3A_123 = vector.broadcast %add3A_122 : i32 to vector<16xi32>
            %add3A_124 = arith.addi %mul3A_121, %add3A_123 : vector<16xi32>
            %gather3A_125 = tpu.vector_load_idx %arg14[%add3A_124] : memref<20192xf32, #tpu.memory_space<vmem>>[vector<16xi32>], vector<16xf32>,
            %add3A_126 = arith.addf %gather3A, %gather3A_125 : vector<16xf32>
            %ge3A = arith.constant 0.000000e+00 : f32
            %ge3A_127 = vector.broadcast %ge3A : f32 to vector<16xf32>
            %ge3A_128 = arith.cmpf oge, %add3A_126, %ge3A_127 : vector<16xf32>
            %mul3A_129 = arith.constant 5.000000e-02 : f32
            %mul3A_130 = vector.broadcast %mul3A_129 : f32 to vector<16xf32>
            %mul3A_131 = arith.mulf %mul3A_130, %add3A_126 : vector<16xf32>
            %select_n3A_132 = arith.select %ge3A_128, %add3A_126, %mul3A_131 : vector<16xi1>, vector<16xf32>
            %exp3A = math.exp %select_n3A_132 : vector<16xf32>
            %add3A_133 = arith.addf %broadcast_in_dim3A_105, %exp3A : vector<16xf32>
            %add3A_134 = arith.constant 1.000000e+00 : f32
            %add3A_135 = vector.broadcast %add3A_134 : f32 to vector<16xf32>
            %add3A_136 = arith.addf %broadcast_in_dim3A_111, %add3A_135 : vector<16xf32>
            %gt3A = arith.constant 0.000000e+00 : f32
            %gt3A_137 = vector.broadcast %gt3A : f32 to vector<16xf32>
            %gt3A_138 = arith.cmpf ogt, %add3A_133, %gt3A_137 : vector<16xf32>
            %max3A = arith.constant 1.000000e+00 : f32
            %max3A_139 = vector.broadcast %max3A : f32 to vector<16xf32>
            %max3A_140 = arith.maximumf %add3A_136, %max3A_139 : vector<16xf32>
            %mul3A_141 = arith.mulf %add3A_133, %max3A_140 : vector<16xf32>
            %div3A = arith.constant 1.000000e+00 : f32
            %div3A_142 = vector.broadcast %div3A : f32 to vector<16xf32>
            %div3A_143 = arith.divf %div3A_142, %mul3A_141 : vector<16xf32>
            %jit3A_144 = arith.constant 0.000000e+00 : f32
            %broadcast_in_dim3A_145 = vector.broadcast %jit3A_144 : f32 to vector<16xf32>
            %select_n3A_146 = arith.select %gt3A_138, %div3A_143, %broadcast_in_dim3A_145 : vector<16xi1>, vector<16xf32>
            %get3A_147 = arith.index_cast %scan3A_95 : i32 to index
            %get3A_148 = arith.constant 0 : index
            %get3A_149 = tpu.vector_load %arg20[%get3A_147, %get3A_148] {strides = array<i32>} : memref<16x128xf32, #tpu.memory_space<vmem>>, vector<16xf32>,
            %add3A_150 = arith.constant 16 : i32
            %add3A_151 = arith.addi %add3A_150, %scan3A_95 : i32
            %get3A_152 = arith.index_cast %add3A_151 : i32 to index
            %get3A_153 = arith.constant 0 : index
            %get3A_154 = tpu.vector_load %arg13[%get3A_152, %get3A_153] {strides = array<i32>} : memref<32x128xf32, #tpu.memory_space<vmem>>, vector<16xf32>,
            %mul3A_155 = arith.mulf %exp3A, %get3A_154 : vector<16xf32>
            %add3A_156 = arith.addf %get3A_149, %mul3A_155 : vector<16xf32>
            %mul3A_157 = arith.mulf %add3A_156, %select_n3A_146 : vector<16xf32>
            %ge3A_158 = arith.constant 0.000000e+00 : f32
            %ge3A_159 = vector.broadcast %ge3A_158 : f32 to vector<16xf32>
            %ge3A_160 = arith.cmpf oge, %mul3A_157, %ge3A_159 : vector<16xf32>
            %mul3A_161 = arith.constant 5.000000e-02 : f32
            %mul3A_162 = vector.broadcast %mul3A_161 : f32 to vector<16xf32>
            %mul3A_163 = arith.mulf %mul3A_162, %mul3A_157 : vector<16xf32>
            %select_n3A_164 = arith.select %ge3A_160, %mul3A_157, %mul3A_163 : vector<16xi1>, vector<16xf32>
            %swap3A_165 = arith.index_cast %scan3A_95 : i32 to index
            %swap3A_166 = arith.constant 0 : index
            %swap3A_167 = tpu.vector_load %arg20[%swap3A_165, %swap3A_166] {strides = array<i32>} : memref<16x128xf32, #tpu.memory_space<vmem>>, vector<16xf32>,
            tpu.vector_store %arg20[%swap3A_165, %swap3A_166], %select_n3A_164 {strides = array<i32>} : memref<16x128xf32, #tpu.memory_space<vmem>>, vector<16xf32>,
            %get3A_168 = arith.index_cast %scan3A_95 : i32 to index
            %get3A_169 = arith.constant 16 : index
            %get3A_170 = tpu.vector_load %arg20[%get3A_168, %get3A_169] {strides = array<i32>} : memref<16x128xf32, #tpu.memory_space<vmem>>, vector<16xf32>,
            %add3A_171 = arith.constant 16 : i32
            %add3A_172 = arith.addi %add3A_171, %scan3A_95 : i32
            %get3A_173 = arith.index_cast %add3A_172 : i32 to index
            %get3A_174 = arith.constant 16 : index
            %get3A_175 = tpu.vector_load %arg13[%get3A_173, %get3A_174] {strides = array<i32>} : memref<32x128xf32, #tpu.memory_space<vmem>>, vector<16xf32>,
            %mul3A_176 = arith.mulf %exp3A, %get3A_175 : vector<16xf32>
            %add3A_177 = arith.addf %get3A_170, %mul3A_176 : vector<16xf32>
            %mul3A_178 = arith.mulf %add3A_177, %select_n3A_146 : vector<16xf32>
            %ge3A_179 = arith.constant 0.000000e+00 : f32
            %ge3A_180 = vector.broadcast %ge3A_179 : f32 to vector<16xf32>
            %ge3A_181 = arith.cmpf oge, %mul3A_178, %ge3A_180 : vector<16xf32>
            %mul3A_182 = arith.constant 5.000000e-02 : f32
            %mul3A_183 = vector.broadcast %mul3A_182 : f32 to vector<16xf32>
            %mul3A_184 = arith.mulf %mul3A_183, %mul3A_178 : vector<16xf32>
            %select_n3A_185 = arith.select %ge3A_181, %mul3A_178, %mul3A_184 : vector<16xi1>, vector<16xf32>
            %swap3A_186 = arith.index_cast %scan3A_95 : i32 to index
            %swap3A_187 = arith.constant 16 : index
            %swap3A_188 = tpu.vector_load %arg20[%swap3A_186, %swap3A_187] {strides = array<i32>} : memref<16x128xf32, #tpu.memory_space<vmem>>, vector<16xf32>,
            tpu.vector_store %arg20[%swap3A_186, %swap3A_187], %select_n3A_185 {strides = array<i32>} : memref<16x128xf32, #tpu.memory_space<vmem>>, vector<16xf32>,
            %get3A_189 = arith.index_cast %scan3A_95 : i32 to index
            %get3A_190 = arith.constant 32 : index
            %get3A_191 = tpu.vector_load %arg20[%get3A_189, %get3A_190] {strides = array<i32>} : memref<16x128xf32, #tpu.memory_space<vmem>>, vector<16xf32>,
            %add3A_192 = arith.constant 16 : i32
            %add3A_193 = arith.addi %add3A_192, %scan3A_95 : i32
            %get3A_194 = arith.index_cast %add3A_193 : i32 to index
            %get3A_195 = arith.constant 32 : index
            %get3A_196 = tpu.vector_load %arg13[%get3A_194, %get3A_195] {strides = array<i32>} : memref<32x128xf32, #tpu.memory_space<vmem>>, vector<16xf32>,
            %mul3A_197 = arith.mulf %exp3A, %get3A_196 : vector<16xf32>
            %add3A_198 = arith.addf %get3A_191, %mul3A_197 : vector<16xf32>
            %mul3A_199 = arith.mulf %add3A_198, %select_n3A_146 : vector<16xf32>
            %ge3A_200 = arith.constant 0.000000e+00 : f32
            %ge3A_201 = vector.broadcast %ge3A_200 : f32 to vector<16xf32>
            %ge3A_202 = arith.cmpf oge, %mul3A_199, %ge3A_201 : vector<16xf32>
            %mul3A_203 = arith.constant 5.000000e-02 : f32
            %mul3A_204 = vector.broadcast %mul3A_203 : f32 to vector<16xf32>
            %mul3A_205 = arith.mulf %mul3A_204, %mul3A_199 : vector<16xf32>
            %select_n3A_206 = arith.select %ge3A_202, %mul3A_199, %mul3A_205 : vector<16xi1>, vector<16xf32>
            %swap3A_207 = arith.index_cast %scan3A_95 : i32 to index
            %swap3A_208 = arith.constant 32 : index
            %swap3A_209 = tpu.vector_load %arg20[%swap3A_207, %swap3A_208] {strides = array<i32>} : memref<16x128xf32, #tpu.memory_space<vmem>>, vector<16xf32>,
            tpu.vector_store %arg20[%swap3A_207, %swap3A_208], %select_n3A_206 {strides = array<i32>} : memref<16x128xf32, #tpu.memory_space<vmem>>, vector<16xf32>,
            %get3A_210 = arith.index_cast %scan3A_95 : i32 to index
            %get3A_211 = arith.constant 48 : index
            %get3A_212 = tpu.vector_load %arg20[%get3A_210, %get3A_211] {strides = array<i32>} : memref<16x128xf32, #tpu.memory_space<vmem>>, vector<16xf32>,
            %add3A_213 = arith.constant 16 : i32
            %add3A_214 = arith.addi %add3A_213, %scan3A_95 : i32
            %get3A_215 = arith.index_cast %add3A_214 : i32 to index
            %get3A_216 = arith.constant 48 : index
            %get3A_217 = tpu.vector_load %arg13[%get3A_215, %get3A_216] {strides = array<i32>} : memref<32x128xf32, #tpu.memory_space<vmem>>, vector<16xf32>,
            %mul3A_218 = arith.mulf %exp3A, %get3A_217 : vector<16xf32>
            %add3A_219 = arith.addf %get3A_212, %mul3A_218 : vector<16xf32>
            %mul3A_220 = arith.mulf %add3A_219, %select_n3A_146 : vector<16xf32>
            %ge3A_221 = arith.constant 0.000000e+00 : f32
            %ge3A_222 = vector.broadcast %ge3A_221 : f32 to vector<16xf32>
            %ge3A_223 = arith.cmpf oge, %mul3A_220, %ge3A_222 : vector<16xf32>
            %mul3A_224 = arith.constant 5.000000e-02 : f32
            %mul3A_225 = vector.broadcast %mul3A_224 : f32 to vector<16xf32>
            %mul3A_226 = arith.mulf %mul3A_225, %mul3A_220 : vector<16xf32>
            %select_n3A_227 = arith.select %ge3A_223, %mul3A_220, %mul3A_226 : vector<16xi1>, vector<16xf32>
            %swap3A_228 = arith.index_cast %scan3A_95 : i32 to index
            %swap3A_229 = arith.constant 48 : index
            %swap3A_230 = tpu.vector_load %arg20[%swap3A_228, %swap3A_229] {strides = array<i32>} : memref<16x128xf32, #tpu.memory_space<vmem>>, vector<16xf32>,
            tpu.vector_store %arg20[%swap3A_228, %swap3A_229], %select_n3A_227 {strides = array<i32>} : memref<16x128xf32, #tpu.memory_space<vmem>>, vector<16xf32>,
            %get3A_231 = arith.index_cast %scan3A_95 : i32 to index
            %get3A_232 = arith.constant 64 : index
            %get3A_233 = tpu.vector_load %arg20[%get3A_231, %get3A_232] {strides = array<i32>} : memref<16x128xf32, #tpu.memory_space<vmem>>, vector<16xf32>,
            %add3A_234 = arith.constant 16 : i32
            %add3A_235 = arith.addi %add3A_234, %scan3A_95 : i32
            %get3A_236 = arith.index_cast %add3A_235 : i32 to index
            %get3A_237 = arith.constant 64 : index
            %get3A_238 = tpu.vector_load %arg13[%get3A_236, %get3A_237] {strides = array<i32>} : memref<32x128xf32, #tpu.memory_space<vmem>>, vector<16xf32>,
            %mul3A_239 = arith.mulf %exp3A, %get3A_238 : vector<16xf32>
            %add3A_240 = arith.addf %get3A_233, %mul3A_239 : vector<16xf32>
            %mul3A_241 = arith.mulf %add3A_240, %select_n3A_146 : vector<16xf32>
            %ge3A_242 = arith.constant 0.000000e+00 : f32
            %ge3A_243 = vector.broadcast %ge3A_242 : f32 to vector<16xf32>
            %ge3A_244 = arith.cmpf oge, %mul3A_241, %ge3A_243 : vector<16xf32>
            %mul3A_245 = arith.constant 5.000000e-02 : f32
            %mul3A_246 = vector.broadcast %mul3A_245 : f32 to vector<16xf32>
            %mul3A_247 = arith.mulf %mul3A_246, %mul3A_241 : vector<16xf32>
            %select_n3A_248 = arith.select %ge3A_244, %mul3A_241, %mul3A_247 : vector<16xi1>, vector<16xf32>
            %swap3A_249 = arith.index_cast %scan3A_95 : i32 to index
            %swap3A_250 = arith.constant 64 : index
            %swap3A_251 = tpu.vector_load %arg20[%swap3A_249, %swap3A_250] {strides = array<i32>} : memref<16x128xf32, #tpu.memory_space<vmem>>, vector<16xf32>,
            tpu.vector_store %arg20[%swap3A_249, %swap3A_250], %select_n3A_248 {strides = array<i32>} : memref<16x128xf32, #tpu.memory_space<vmem>>, vector<16xf32>,
            %get3A_252 = arith.index_cast %scan3A_95 : i32 to index
            %get3A_253 = arith.constant 80 : index
            %get3A_254 = tpu.vector_load %arg20[%get3A_252, %get3A_253] {strides = array<i32>} : memref<16x128xf32, #tpu.memory_space<vmem>>, vector<16xf32>,
            %add3A_255 = arith.constant 16 : i32
            %add3A_256 = arith.addi %add3A_255, %scan3A_95 : i32
            %get3A_257 = arith.index_cast %add3A_256 : i32 to index
            %get3A_258 = arith.constant 80 : index
            %get3A_259 = tpu.vector_load %arg13[%get3A_257, %get3A_258] {strides = array<i32>} : memref<32x128xf32, #tpu.memory_space<vmem>>, vector<16xf32>,
            %mul3A_260 = arith.mulf %exp3A, %get3A_259 : vector<16xf32>
            %add3A_261 = arith.addf %get3A_254, %mul3A_260 : vector<16xf32>
            %mul3A_262 = arith.mulf %add3A_261, %select_n3A_146 : vector<16xf32>
            %ge3A_263 = arith.constant 0.000000e+00 : f32
            %ge3A_264 = vector.broadcast %ge3A_263 : f32 to vector<16xf32>
            %ge3A_265 = arith.cmpf oge, %mul3A_262, %ge3A_264 : vector<16xf32>
            %mul3A_266 = arith.constant 5.000000e-02 : f32
            %mul3A_267 = vector.broadcast %mul3A_266 : f32 to vector<16xf32>
            %mul3A_268 = arith.mulf %mul3A_267, %mul3A_262 : vector<16xf32>
            %select_n3A_269 = arith.select %ge3A_265, %mul3A_262, %mul3A_268 : vector<16xi1>, vector<16xf32>
            %swap3A_270 = arith.index_cast %scan3A_95 : i32 to index
            %swap3A_271 = arith.constant 80 : index
            %swap3A_272 = tpu.vector_load %arg20[%swap3A_270, %swap3A_271] {strides = array<i32>} : memref<16x128xf32, #tpu.memory_space<vmem>>, vector<16xf32>,
            tpu.vector_store %arg20[%swap3A_270, %swap3A_271], %select_n3A_269 {strides = array<i32>} : memref<16x128xf32, #tpu.memory_space<vmem>>, vector<16xf32>,
            %get3A_273 = arith.index_cast %scan3A_95 : i32 to index
            %get3A_274 = arith.constant 96 : index
            %get3A_275 = tpu.vector_load %arg20[%get3A_273, %get3A_274] {strides = array<i32>} : memref<16x128xf32, #tpu.memory_space<vmem>>, vector<16xf32>,
            %add3A_276 = arith.constant 16 : i32
            %add3A_277 = arith.addi %add3A_276, %scan3A_95 : i32
            %get3A_278 = arith.index_cast %add3A_277 : i32 to index
            %get3A_279 = arith.constant 96 : index
            %get3A_280 = tpu.vector_load %arg13[%get3A_278, %get3A_279] {strides = array<i32>} : memref<32x128xf32, #tpu.memory_space<vmem>>, vector<16xf32>,
            %mul3A_281 = arith.mulf %exp3A, %get3A_280 : vector<16xf32>
            %add3A_282 = arith.addf %get3A_275, %mul3A_281 : vector<16xf32>
            %mul3A_283 = arith.mulf %add3A_282, %select_n3A_146 : vector<16xf32>
            %ge3A_284 = arith.constant 0.000000e+00 : f32
            %ge3A_285 = vector.broadcast %ge3A_284 : f32 to vector<16xf32>
            %ge3A_286 = arith.cmpf oge, %mul3A_283, %ge3A_285 : vector<16xf32>
            %mul3A_287 = arith.constant 5.000000e-02 : f32
            %mul3A_288 = vector.broadcast %mul3A_287 : f32 to vector<16xf32>
            %mul3A_289 = arith.mulf %mul3A_288, %mul3A_283 : vector<16xf32>
            %select_n3A_290 = arith.select %ge3A_286, %mul3A_283, %mul3A_289 : vector<16xi1>, vector<16xf32>
            %swap3A_291 = arith.index_cast %scan3A_95 : i32 to index
            %swap3A_292 = arith.constant 96 : index
            %swap3A_293 = tpu.vector_load %arg20[%swap3A_291, %swap3A_292] {strides = array<i32>} : memref<16x128xf32, #tpu.memory_space<vmem>>, vector<16xf32>,
            tpu.vector_store %arg20[%swap3A_291, %swap3A_292], %select_n3A_290 {strides = array<i32>} : memref<16x128xf32, #tpu.memory_space<vmem>>, vector<16xf32>,
            %get3A_294 = arith.index_cast %scan3A_95 : i32 to index
            %get3A_295 = arith.constant 112 : index
            %get3A_296 = tpu.vector_load %arg20[%get3A_294, %get3A_295] {strides = array<i32>} : memref<16x128xf32, #tpu.memory_space<vmem>>, vector<16xf32>,
            %add3A_297 = arith.constant 16 : i32
            %add3A_298 = arith.addi %add3A_297, %scan3A_95 : i32
            %get3A_299 = arith.index_cast %add3A_298 : i32 to index
            %get3A_300 = arith.constant 112 : index
            %get3A_301 = tpu.vector_load %arg13[%get3A_299, %get3A_300] {strides = array<i32>} : memref<32x128xf32, #tpu.memory_space<vmem>>, vector<16xf32>,
            %mul3A_302 = arith.mulf %exp3A, %get3A_301 : vector<16xf32>
            %add3A_303 = arith.addf %get3A_296, %mul3A_302 : vector<16xf32>
            %mul3A_304 = arith.mulf %add3A_303, %select_n3A_146 : vector<16xf32>
            %ge3A_305 = arith.constant 0.000000e+00 : f32
            %ge3A_306 = vector.broadcast %ge3A_305 : f32 to vector<16xf32>
            %ge3A_307 = arith.cmpf oge, %mul3A_304, %ge3A_306 : vector<16xf32>
            %mul3A_308 = arith.constant 5.000000e-02 : f32
            %mul3A_309 = vector.broadcast %mul3A_308 : f32 to vector<16xf32>
            %mul3A_310 = arith.mulf %mul3A_309, %mul3A_304 : vector<16xf32>
            %select_n3A_311 = arith.select %ge3A_307, %mul3A_304, %mul3A_310 : vector<16xi1>, vector<16xf32>
            %swap3A_312 = arith.index_cast %scan3A_95 : i32 to index
            %swap3A_313 = arith.constant 112 : index
            %swap3A_314 = tpu.vector_load %arg20[%swap3A_312, %swap3A_313] {strides = array<i32>} : memref<16x128xf32, #tpu.memory_space<vmem>>, vector<16xf32>,
            tpu.vector_store %arg20[%swap3A_312, %swap3A_313], %select_n3A_311 {strides = array<i32>} : memref<16x128xf32, #tpu.memory_space<vmem>>, vector<16xf32>,
          }
          %scan3A_94 = arith.constant 16 : i32
          "tpu.region"() ({
            %run_scoped3A = tpu.sem_alloc : memref<!tpu.dma_semaphore, #tpu.memory_space<semaphore_mem>>
            %dma_start3A_95 = arith.constant 0 : i32
            %dma_start3A_96 = tpu.memref_slice %arg11[%mul3A_63, %dma_start3A_95] : memref<10000x128xf32, #tpu.memory_space<hbm>> -> memref<16x128xf32, #tpu.memory_space<hbm>>
            %dma_start3A_97 = arith.constant 0 : i32
            %dma_start3A_98 = tpu.memref_slice %arg11[%mul3A_63, %dma_start3A_97] : memref<10000x128xf32, #tpu.memory_space<hbm>> -> memref<16x128xf32, #tpu.memory_space<hbm>>
            tpu.enqueue_dma source(%arg20 : memref<16x128xf32, #tpu.memory_space<vmem>>) target(%dma_start3A_98 : memref<16x128xf32, #tpu.memory_space<hbm>>) target_semaphore(%run_scoped3A : memref<!tpu.dma_semaphore, #tpu.memory_space<semaphore_mem>>)
            %dma_wait3A_99 = arith.constant 0 : i32
            %dma_wait3A_100 = tpu.memref_slice %arg11[%mul3A_63, %dma_wait3A_99] : memref<10000x128xf32, #tpu.memory_space<hbm>> -> memref<16x128xf32, #tpu.memory_space<hbm>>
            %dma_wait3A_101 = arith.constant 0 : i32
            %dma_wait3A_102 = tpu.memref_slice %arg11[%mul3A_63, %dma_wait3A_101] : memref<10000x128xf32, #tpu.memory_space<hbm>> -> memref<16x128xf32, #tpu.memory_space<hbm>>
            tpu.wait_dma2 semaphore(%run_scoped3A : memref<!tpu.dma_semaphore, #tpu.memory_space<semaphore_mem>>) src(%arg20 : memref<16x128xf32, #tpu.memory_space<vmem>>) dst(%dma_wait3A_102 : memref<16x128xf32, #tpu.memory_space<hbm>>)
            tpu.yield
          }) : () -> ()
        } else {
        }
      }
      %scan3A_55 = arith.constant 40 : i32
    } else {
    }
    %eq3A_45 = arith.constant 1 : i32
    %eq3A_46 = arith.cmpi eq, %arg0, %eq3A_45 : i32
    %convert_element_type3A_47 = arith.extui %eq3A_46 : i1 to i32
    %cond3A_48 = arith.constant 0 : i32
    %cond3A_49 = arith.cmpi ne, %convert_element_type3A_47, %cond3A_48 : i32
    scf.if %cond3A_49 {
      %scan3A_50 = arith.constant 0 : i32
      %scan3A_51 = arith.constant 0 : i32
      %scan3A_52 = arith.constant 40 : i32
      %scan3A_53 = arith.addi %scan3A_51, %scan3A_52 : i32
      %scan3A_54 = arith.constant 1 : i32
      scf.for %scan3A_56 = %scan3A_51 to %scan3A_53 step %scan3A_54  : i32 {
        %mul3A = arith.constant 16 : i32
        %mul3A_57 = arith.muli %mul3A, %scan3A_56 : i32
        %add3A = arith.addi %arg1, %mul3A_57 : i32
        %lt3A = arith.constant 625 : i32
        %lt3A_58 = arith.cmpi slt, %add3A, %lt3A : i32
        %convert_element_type3A_59 = arith.extui %lt3A_58 : i1 to i32
        %cond3A_60 = arith.constant 0 : i32
        %cond3A_61 = arith.cmpi ne, %convert_element_type3A_59, %cond3A_60 : i32
        scf.if %cond3A_61 {
          %mul3A_62 = arith.constant 16 : i32
          %mul3A_63 = arith.muli %add3A, %mul3A_62 : i32
          %add3A_64 = vector.broadcast %mul3A_63 : i32 to vector<16xi32>
          %add3A_65 = arith.addi %iota3A, %add3A_64 : vector<16xi32>
          %swap3A = arith.constant 0 : index
          %swap3A_66 = tpu.vector_load %arg19[%swap3A] {strides = array<i32>} : memref<16xi32, #tpu.memory_space<vmem>>, vector<16xi32>,
          tpu.vector_store %arg19[%swap3A], %add3A_65 {strides = array<i32>} : memref<16xi32, #tpu.memory_space<vmem>>, vector<16xi32>,
          %dma_start3A = arith.constant 0 : i32
          %dma_start3A_67 = arith.constant 0 : i32
          %dma_start3A_68 = tpu.memref_slice %arg21[%dma_start3A, %dma_start3A_67] : memref<10000x128xf32, #tpu.memory_space<vmem_shared>> -> memref<10000x128xf32, #tpu.memory_space<vmem_shared>>
          tpu.enqueue_indirect_dma source(%dma_start3A_68 : memref<10000x128xf32, #tpu.memory_space<vmem_shared>>) target(%arg20 : memref<16x128xf32, #tpu.memory_space<vmem>>) offsets(%arg19 : memref<16xi32, #tpu.memory_space<vmem>>) semaphore(%arg23 : memref<!tpu.dma_semaphore, #tpu.memory_space<semaphore_mem>>)
          %dma_wait3A = arith.constant 0 : i32
          %dma_wait3A_69 = arith.constant 0 : i32
          %dma_wait3A_70 = tpu.memref_slice %arg21[%dma_wait3A, %dma_wait3A_69] : memref<10000x128xf32, #tpu.memory_space<vmem_shared>> -> memref<10000x128xf32, #tpu.memory_space<vmem_shared>>
          tpu.wait_indirect_dma semaphore(%arg23 : memref<!tpu.dma_semaphore, #tpu.memory_space<semaphore_mem>>) src(%dma_wait3A_70 : memref<10000x128xf32, #tpu.memory_space<vmem_shared>>) dst(%arg20 : memref<16x128xf32, #tpu.memory_space<vmem>>)
          %add3A_71 = vector.broadcast %mul3A_63 : i32 to vector<16xi32>
          %add3A_72 = arith.addi %iota3A, %add3A_71 : vector<16xi32>
          %shift_right_logical3A = arith.constant 3 : i32
          %shift_right_logical3A_73 = vector.broadcast %shift_right_logical3A : i32 to vector<16xi32>
          %shift_right_logical3A_74 = arith.shrui %add3A_72, %shift_right_logical3A_73 : vector<16xi32>
          %swap3A_75 = arith.constant 0 : index
          %swap3A_76 = tpu.vector_load %arg19[%swap3A_75] {strides = array<i32>} : memref<16xi32, #tpu.memory_space<vmem>>, vector<16xi32>,
          tpu.vector_store %arg19[%swap3A_75], %shift_right_logical3A_74 {strides = array<i32>} : memref<16xi32, #tpu.memory_space<vmem>>, vector<16xi32>,
          %dma_start3A_77 = arith.constant 0 : i32
          %dma_start3A_78 = arith.constant 0 : i32
          %dma_start3A_79 = tpu.memref_slice %arg15[%dma_start3A_77, %dma_start3A_78] : memref<32x128xf32, #tpu.memory_space<vmem>> -> memref<16x128xf32, #tpu.memory_space<vmem>>
          %dma_start3A_80 = arith.constant 0 : i32
          %dma_start3A_81 = arith.constant 0 : i32
          %dma_start3A_82 = tpu.memref_slice %arg22[%dma_start3A_80, %dma_start3A_81] : memref<1264x128xf32, #tpu.memory_space<vmem_shared>> -> memref<1264x128xf32, #tpu.memory_space<vmem_shared>>
          tpu.enqueue_indirect_dma source(%dma_start3A_82 : memref<1264x128xf32, #tpu.memory_space<vmem_shared>>) target(%dma_start3A_79 : memref<16x128xf32, #tpu.memory_space<vmem>>) offsets(%arg19 : memref<16xi32, #tpu.memory_space<vmem>>) semaphore(%arg23 : memref<!tpu.dma_semaphore, #tpu.memory_space<semaphore_mem>>)
          %dma_wait3A_83 = arith.constant 0 : i32
          %dma_wait3A_84 = arith.constant 0 : i32
          %dma_wait3A_85 = tpu.memref_slice %arg15[%dma_wait3A_83, %dma_wait3A_84] : memref<32x128xf32, #tpu.memory_space<vmem>> -> memref<16x128xf32, #tpu.memory_space<vmem>>
          %dma_wait3A_86 = arith.constant 0 : i32
          %dma_wait3A_87 = arith.constant 0 : i32
          %dma_wait3A_88 = tpu.memref_slice %arg22[%dma_wait3A_86, %dma_wait3A_87] : memref<1264x128xf32, #tpu.memory_space<vmem_shared>> -> memref<1264x128xf32, #tpu.memory_space<vmem_shared>>
          tpu.wait_indirect_dma semaphore(%arg23 : memref<!tpu.dma_semaphore, #tpu.memory_space<semaphore_mem>>) src(%dma_wait3A_88 : memref<1264x128xf32, #tpu.memory_space<vmem_shared>>) dst(%dma_wait3A_85 : memref<16x128xf32, #tpu.memory_space<vmem>>)
          %scan3A_89 = arith.constant 0 : i32
          %scan3A_90 = arith.constant 0 : i32
          %scan3A_91 = arith.constant 16 : i32
          %scan3A_92 = arith.addi %scan3A_90, %scan3A_91 : i32
          %scan3A_93 = arith.constant 1 : i32
          scf.for %scan3A_95 = %scan3A_90 to %scan3A_92 step %scan3A_93  : i32 {
            %and3A = arith.constant 7 : i32
            %and3A_96 = arith.andi %scan3A_95, %and3A : i32
            %mul3A_97 = arith.constant 16 : i32
            %mul3A_98 = arith.muli %and3A_96, %mul3A_97 : i32
            %get3A = arith.index_cast %scan3A_95 : i32 to index
            %get3A_99 = arith.index_cast %mul3A_98 : i32 to index
            %get3A_100 = tpu.vector_load %arg15[%get3A, %get3A_99] {strides = array<i32>} : memref<32x128xf32, #tpu.memory_space<vmem>>, vector<16xf32>,
            %mul3A_101 = arith.mulf %get3A_100, %select_n3A_17 : vector<16xf32>
            %reduce_sum3A = arith.constant true
            %reduce_sum3A_102 = vector.broadcast %reduce_sum3A : i1 to vector<16xi1>
            %reduce_sum3A_103 = tpu.scan <sum>, %mul3A_101 masked %reduce_sum3A_102 : vector<16xf32>, vector<16xi1> -> vector<16xf32>
            %reduce_sum3A_104 = vector.extract %reduce_sum3A_103[15] : f32 from vector<16xf32>
            %broadcast_in_dim3A_105 = vector.broadcast %reduce_sum3A_104 : f32 to vector<16xf32>
            %mul3A_106 = arith.mulf %get3A_100, %select_n3A : vector<16xf32>
            %reduce_sum3A_107 = arith.constant true
            %reduce_sum3A_108 = vector.broadcast %reduce_sum3A_107 : i1 to vector<16xi1>
            %reduce_sum3A_109 = tpu.scan <sum>, %mul3A_106 masked %reduce_sum3A_108 : vector<16xf32>, vector<16xi1> -> vector<16xf32>
            %reduce_sum3A_110 = vector.extract %reduce_sum3A_109[15] : f32 from vector<16xf32>
            %broadcast_in_dim3A_111 = vector.broadcast %reduce_sum3A_110 : f32 to vector<16xf32>
            %gt3A = arith.constant 0.000000e+00 : f32
            %gt3A_112 = vector.broadcast %gt3A : f32 to vector<16xf32>
            %gt3A_113 = arith.cmpf ogt, %broadcast_in_dim3A_105, %gt3A_112 : vector<16xf32>
            %max3A = arith.constant 1.000000e+00 : f32
            %max3A_114 = vector.broadcast %max3A : f32 to vector<16xf32>
            %max3A_115 = arith.maximumf %broadcast_in_dim3A_111, %max3A_114 : vector<16xf32>
            %mul3A_116 = arith.mulf %broadcast_in_dim3A_105, %max3A_115 : vector<16xf32>
            %div3A = arith.constant 1.000000e+00 : f32
            %div3A_117 = vector.broadcast %div3A : f32 to vector<16xf32>
            %div3A_118 = arith.divf %div3A_117, %mul3A_116 : vector<16xf32>
            %jit3A_119 = arith.constant 0.000000e+00 : f32
            %broadcast_in_dim3A_120 = vector.broadcast %jit3A_119 : f32 to vector<16xf32>
            %select_n3A_121 = arith.select %gt3A_113, %div3A_118, %broadcast_in_dim3A_120 : vector<16xi1>, vector<16xf32>
            %get3A_122 = arith.index_cast %scan3A_95 : i32 to index
            %get3A_123 = arith.constant 0 : index
            %get3A_124 = tpu.vector_load %arg20[%get3A_122, %get3A_123] {strides = array<i32>} : memref<16x128xf32, #tpu.memory_space<vmem>>, vector<16xf32>,
            %mul3A_125 = arith.mulf %get3A_124, %select_n3A_121 : vector<16xf32>
            %ge3A = arith.constant 0.000000e+00 : f32
            %ge3A_126 = vector.broadcast %ge3A : f32 to vector<16xf32>
            %ge3A_127 = arith.cmpf oge, %mul3A_125, %ge3A_126 : vector<16xf32>
            %mul3A_128 = arith.constant 5.000000e-02 : f32
            %mul3A_129 = vector.broadcast %mul3A_128 : f32 to vector<16xf32>
            %mul3A_130 = arith.mulf %mul3A_129, %mul3A_125 : vector<16xf32>
            %select_n3A_131 = arith.select %ge3A_127, %mul3A_125, %mul3A_130 : vector<16xi1>, vector<16xf32>
            %swap3A_132 = arith.index_cast %scan3A_95 : i32 to index
            %swap3A_133 = arith.constant 0 : index
            %swap3A_134 = tpu.vector_load %arg20[%swap3A_132, %swap3A_133] {strides = array<i32>} : memref<16x128xf32, #tpu.memory_space<vmem>>, vector<16xf32>,
            tpu.vector_store %arg20[%swap3A_132, %swap3A_133], %select_n3A_131 {strides = array<i32>} : memref<16x128xf32, #tpu.memory_space<vmem>>, vector<16xf32>,
            %get3A_135 = arith.index_cast %scan3A_95 : i32 to index
            %get3A_136 = arith.constant 16 : index
            %get3A_137 = tpu.vector_load %arg20[%get3A_135, %get3A_136] {strides = array<i32>} : memref<16x128xf32, #tpu.memory_space<vmem>>, vector<16xf32>,
            %mul3A_138 = arith.mulf %get3A_137, %select_n3A_121 : vector<16xf32>
            %ge3A_139 = arith.constant 0.000000e+00 : f32
            %ge3A_140 = vector.broadcast %ge3A_139 : f32 to vector<16xf32>
            %ge3A_141 = arith.cmpf oge, %mul3A_138, %ge3A_140 : vector<16xf32>
            %mul3A_142 = arith.constant 5.000000e-02 : f32
            %mul3A_143 = vector.broadcast %mul3A_142 : f32 to vector<16xf32>
            %mul3A_144 = arith.mulf %mul3A_143, %mul3A_138 : vector<16xf32>
            %select_n3A_145 = arith.select %ge3A_141, %mul3A_138, %mul3A_144 : vector<16xi1>, vector<16xf32>
            %swap3A_146 = arith.index_cast %scan3A_95 : i32 to index
            %swap3A_147 = arith.constant 16 : index
            %swap3A_148 = tpu.vector_load %arg20[%swap3A_146, %swap3A_147] {strides = array<i32>} : memref<16x128xf32, #tpu.memory_space<vmem>>, vector<16xf32>,
            tpu.vector_store %arg20[%swap3A_146, %swap3A_147], %select_n3A_145 {strides = array<i32>} : memref<16x128xf32, #tpu.memory_space<vmem>>, vector<16xf32>,
            %get3A_149 = arith.index_cast %scan3A_95 : i32 to index
            %get3A_150 = arith.constant 32 : index
            %get3A_151 = tpu.vector_load %arg20[%get3A_149, %get3A_150] {strides = array<i32>} : memref<16x128xf32, #tpu.memory_space<vmem>>, vector<16xf32>,
            %mul3A_152 = arith.mulf %get3A_151, %select_n3A_121 : vector<16xf32>
            %ge3A_153 = arith.constant 0.000000e+00 : f32
            %ge3A_154 = vector.broadcast %ge3A_153 : f32 to vector<16xf32>
            %ge3A_155 = arith.cmpf oge, %mul3A_152, %ge3A_154 : vector<16xf32>
            %mul3A_156 = arith.constant 5.000000e-02 : f32
            %mul3A_157 = vector.broadcast %mul3A_156 : f32 to vector<16xf32>
            %mul3A_158 = arith.mulf %mul3A_157, %mul3A_152 : vector<16xf32>
            %select_n3A_159 = arith.select %ge3A_155, %mul3A_152, %mul3A_158 : vector<16xi1>, vector<16xf32>
            %swap3A_160 = arith.index_cast %scan3A_95 : i32 to index
            %swap3A_161 = arith.constant 32 : index
            %swap3A_162 = tpu.vector_load %arg20[%swap3A_160, %swap3A_161] {strides = array<i32>} : memref<16x128xf32, #tpu.memory_space<vmem>>, vector<16xf32>,
            tpu.vector_store %arg20[%swap3A_160, %swap3A_161], %select_n3A_159 {strides = array<i32>} : memref<16x128xf32, #tpu.memory_space<vmem>>, vector<16xf32>,
            %get3A_163 = arith.index_cast %scan3A_95 : i32 to index
            %get3A_164 = arith.constant 48 : index
            %get3A_165 = tpu.vector_load %arg20[%get3A_163, %get3A_164] {strides = array<i32>} : memref<16x128xf32, #tpu.memory_space<vmem>>, vector<16xf32>,
            %mul3A_166 = arith.mulf %get3A_165, %select_n3A_121 : vector<16xf32>
            %ge3A_167 = arith.constant 0.000000e+00 : f32
            %ge3A_168 = vector.broadcast %ge3A_167 : f32 to vector<16xf32>
            %ge3A_169 = arith.cmpf oge, %mul3A_166, %ge3A_168 : vector<16xf32>
            %mul3A_170 = arith.constant 5.000000e-02 : f32
            %mul3A_171 = vector.broadcast %mul3A_170 : f32 to vector<16xf32>
            %mul3A_172 = arith.mulf %mul3A_171, %mul3A_166 : vector<16xf32>
            %select_n3A_173 = arith.select %ge3A_169, %mul3A_166, %mul3A_172 : vector<16xi1>, vector<16xf32>
            %swap3A_174 = arith.index_cast %scan3A_95 : i32 to index
            %swap3A_175 = arith.constant 48 : index
            %swap3A_176 = tpu.vector_load %arg20[%swap3A_174, %swap3A_175] {strides = array<i32>} : memref<16x128xf32, #tpu.memory_space<vmem>>, vector<16xf32>,
            tpu.vector_store %arg20[%swap3A_174, %swap3A_175], %select_n3A_173 {strides = array<i32>} : memref<16x128xf32, #tpu.memory_space<vmem>>, vector<16xf32>,
            %get3A_177 = arith.index_cast %scan3A_95 : i32 to index
            %get3A_178 = arith.constant 64 : index
            %get3A_179 = tpu.vector_load %arg20[%get3A_177, %get3A_178] {strides = array<i32>} : memref<16x128xf32, #tpu.memory_space<vmem>>, vector<16xf32>,
            %mul3A_180 = arith.mulf %get3A_179, %select_n3A_121 : vector<16xf32>
            %ge3A_181 = arith.constant 0.000000e+00 : f32
            %ge3A_182 = vector.broadcast %ge3A_181 : f32 to vector<16xf32>
            %ge3A_183 = arith.cmpf oge, %mul3A_180, %ge3A_182 : vector<16xf32>
            %mul3A_184 = arith.constant 5.000000e-02 : f32
            %mul3A_185 = vector.broadcast %mul3A_184 : f32 to vector<16xf32>
            %mul3A_186 = arith.mulf %mul3A_185, %mul3A_180 : vector<16xf32>
            %select_n3A_187 = arith.select %ge3A_183, %mul3A_180, %mul3A_186 : vector<16xi1>, vector<16xf32>
            %swap3A_188 = arith.index_cast %scan3A_95 : i32 to index
            %swap3A_189 = arith.constant 64 : index
            %swap3A_190 = tpu.vector_load %arg20[%swap3A_188, %swap3A_189] {strides = array<i32>} : memref<16x128xf32, #tpu.memory_space<vmem>>, vector<16xf32>,
            tpu.vector_store %arg20[%swap3A_188, %swap3A_189], %select_n3A_187 {strides = array<i32>} : memref<16x128xf32, #tpu.memory_space<vmem>>, vector<16xf32>,
            %get3A_191 = arith.index_cast %scan3A_95 : i32 to index
            %get3A_192 = arith.constant 80 : index
            %get3A_193 = tpu.vector_load %arg20[%get3A_191, %get3A_192] {strides = array<i32>} : memref<16x128xf32, #tpu.memory_space<vmem>>, vector<16xf32>,
            %mul3A_194 = arith.mulf %get3A_193, %select_n3A_121 : vector<16xf32>
            %ge3A_195 = arith.constant 0.000000e+00 : f32
            %ge3A_196 = vector.broadcast %ge3A_195 : f32 to vector<16xf32>
            %ge3A_197 = arith.cmpf oge, %mul3A_194, %ge3A_196 : vector<16xf32>
            %mul3A_198 = arith.constant 5.000000e-02 : f32
            %mul3A_199 = vector.broadcast %mul3A_198 : f32 to vector<16xf32>
            %mul3A_200 = arith.mulf %mul3A_199, %mul3A_194 : vector<16xf32>
            %select_n3A_201 = arith.select %ge3A_197, %mul3A_194, %mul3A_200 : vector<16xi1>, vector<16xf32>
            %swap3A_202 = arith.index_cast %scan3A_95 : i32 to index
            %swap3A_203 = arith.constant 80 : index
            %swap3A_204 = tpu.vector_load %arg20[%swap3A_202, %swap3A_203] {strides = array<i32>} : memref<16x128xf32, #tpu.memory_space<vmem>>, vector<16xf32>,
            tpu.vector_store %arg20[%swap3A_202, %swap3A_203], %select_n3A_201 {strides = array<i32>} : memref<16x128xf32, #tpu.memory_space<vmem>>, vector<16xf32>,
            %get3A_205 = arith.index_cast %scan3A_95 : i32 to index
            %get3A_206 = arith.constant 96 : index
            %get3A_207 = tpu.vector_load %arg20[%get3A_205, %get3A_206] {strides = array<i32>} : memref<16x128xf32, #tpu.memory_space<vmem>>, vector<16xf32>,
            %mul3A_208 = arith.mulf %get3A_207, %select_n3A_121 : vector<16xf32>
            %ge3A_209 = arith.constant 0.000000e+00 : f32
            %ge3A_210 = vector.broadcast %ge3A_209 : f32 to vector<16xf32>
            %ge3A_211 = arith.cmpf oge, %mul3A_208, %ge3A_210 : vector<16xf32>
            %mul3A_212 = arith.constant 5.000000e-02 : f32
            %mul3A_213 = vector.broadcast %mul3A_212 : f32 to vector<16xf32>
            %mul3A_214 = arith.mulf %mul3A_213, %mul3A_208 : vector<16xf32>
            %select_n3A_215 = arith.select %ge3A_211, %mul3A_208, %mul3A_214 : vector<16xi1>, vector<16xf32>
            %swap3A_216 = arith.index_cast %scan3A_95 : i32 to index
            %swap3A_217 = arith.constant 96 : index
            %swap3A_218 = tpu.vector_load %arg20[%swap3A_216, %swap3A_217] {strides = array<i32>} : memref<16x128xf32, #tpu.memory_space<vmem>>, vector<16xf32>,
            tpu.vector_store %arg20[%swap3A_216, %swap3A_217], %select_n3A_215 {strides = array<i32>} : memref<16x128xf32, #tpu.memory_space<vmem>>, vector<16xf32>,
            %get3A_219 = arith.index_cast %scan3A_95 : i32 to index
            %get3A_220 = arith.constant 112 : index
            %get3A_221 = tpu.vector_load %arg20[%get3A_219, %get3A_220] {strides = array<i32>} : memref<16x128xf32, #tpu.memory_space<vmem>>, vector<16xf32>,
            %mul3A_222 = arith.mulf %get3A_221, %select_n3A_121 : vector<16xf32>
            %ge3A_223 = arith.constant 0.000000e+00 : f32
            %ge3A_224 = vector.broadcast %ge3A_223 : f32 to vector<16xf32>
            %ge3A_225 = arith.cmpf oge, %mul3A_222, %ge3A_224 : vector<16xf32>
            %mul3A_226 = arith.constant 5.000000e-02 : f32
            %mul3A_227 = vector.broadcast %mul3A_226 : f32 to vector<16xf32>
            %mul3A_228 = arith.mulf %mul3A_227, %mul3A_222 : vector<16xf32>
            %select_n3A_229 = arith.select %ge3A_225, %mul3A_222, %mul3A_228 : vector<16xi1>, vector<16xf32>
            %swap3A_230 = arith.index_cast %scan3A_95 : i32 to index
            %swap3A_231 = arith.constant 112 : index
            %swap3A_232 = tpu.vector_load %arg20[%swap3A_230, %swap3A_231] {strides = array<i32>} : memref<16x128xf32, #tpu.memory_space<vmem>>, vector<16xf32>,
            tpu.vector_store %arg20[%swap3A_230, %swap3A_231], %select_n3A_229 {strides = array<i32>} : memref<16x128xf32, #tpu.memory_space<vmem>>, vector<16xf32>,
          }
          %scan3A_94 = arith.constant 16 : i32
          "tpu.region"() ({
            %run_scoped3A = tpu.sem_alloc : memref<!tpu.dma_semaphore, #tpu.memory_space<semaphore_mem>>
            %dma_start3A_95 = arith.constant 0 : i32
            %dma_start3A_96 = tpu.memref_slice %arg12[%mul3A_63, %dma_start3A_95] : memref<10000x128xf32, #tpu.memory_space<hbm>> -> memref<16x128xf32, #tpu.memory_space<hbm>>
            %dma_start3A_97 = arith.constant 0 : i32
            %dma_start3A_98 = tpu.memref_slice %arg12[%mul3A_63, %dma_start3A_97] : memref<10000x128xf32, #tpu.memory_space<hbm>> -> memref<16x128xf32, #tpu.memory_space<hbm>>
            tpu.enqueue_dma source(%arg20 : memref<16x128xf32, #tpu.memory_space<vmem>>) target(%dma_start3A_98 : memref<16x128xf32, #tpu.memory_space<hbm>>) target_semaphore(%run_scoped3A : memref<!tpu.dma_semaphore, #tpu.memory_space<semaphore_mem>>)
            %dma_wait3A_99 = arith.constant 0 : i32
            %dma_wait3A_100 = tpu.memref_slice %arg12[%mul3A_63, %dma_wait3A_99] : memref<10000x128xf32, #tpu.memory_space<hbm>> -> memref<16x128xf32, #tpu.memory_space<hbm>>
            %dma_wait3A_101 = arith.constant 0 : i32
            %dma_wait3A_102 = tpu.memref_slice %arg12[%mul3A_63, %dma_wait3A_101] : memref<10000x128xf32, #tpu.memory_space<hbm>> -> memref<16x128xf32, #tpu.memory_space<hbm>>
            tpu.wait_dma2 semaphore(%run_scoped3A : memref<!tpu.dma_semaphore, #tpu.memory_space<semaphore_mem>>) src(%arg20 : memref<16x128xf32, #tpu.memory_space<vmem>>) dst(%dma_wait3A_102 : memref<16x128xf32, #tpu.memory_space<hbm>>)
            tpu.yield
          }) : () -> ()
        } else {
        }
      }
      %scan3A_55 = arith.constant 40 : i32
    } else {
    }
    return
  }
}

module attributes {stable_mosaic.version = 14 : i64} {
  func.func @_h_body(%arg0: i32, %arg1: memref<1000x128xf32, #tpu.memory_space<vmem>>, %arg2: memref<128x128xf32, #tpu.memory_space<vmem>>, %arg3: memref<128x8xf32, #tpu.memory_space<vmem>>, %arg4: memref<1000x128xf32, #tpu.memory_space<vmem>>, %arg5: memref<1000x2xf32, #tpu.memory_space<vmem>>, %arg6: memref<1000x1xf32, #tpu.memory_space<vmem>>) attributes {dimension_semantics = [#tpu.dimension_semantics<arbitrary>], iteration_bounds = array<i64: 10>, scalar_prefetch = 0 : i64, scratch_operands = 0 : i64, tpu.core_type = #tpu.core_type<tc>, window_params = [{transform_indices = @transform_0, window_bounds = array<i64: 1000, 128>}, {pipeline_mode = #tpu.pipeline_mode<synchronous>, transform_indices = @transform_1, window_bounds = array<i64: 128, 128>}, {pipeline_mode = #tpu.pipeline_mode<synchronous>, transform_indices = @transform_2, window_bounds = array<i64: 128, 8>}, {transform_indices = @transform_3, window_bounds = array<i64: 1000, 128>}, {transform_indices = @transform_4, window_bounds = array<i64: 1000, 2>}, {transform_indices = @transform_5, window_bounds = array<i64: 1000, 1>}]} {
    %get3A = arith.constant 0 : index
    %get3A_0 = arith.constant 0 : index
    %get3A_1 = vector.load %arg1[%get3A, %get3A_0] : memref<1000x128xf32, #tpu.memory_space<vmem>>, vector<1000x128xf32>
    %get3A_2 = arith.constant 0 : index
    %get3A_3 = arith.constant 0 : index
    %get3A_4 = vector.load %arg2[%get3A_2, %get3A_3] : memref<128x128xf32, #tpu.memory_space<vmem>>, vector<128x128xf32>
    %dot_general3A = arith.constant dense<0.000000e+00> : vector<1000x128xf32>
    %dot_general3A_5 = tpu.matmul %get3A_1, %get3A_4, %dot_general3A {dimension_numbers = #tpu.dot_dimension_numbers<[1], [0], [0], [1], [0, 0, 1, 1], [], []>, transpose_lhs_hint = false} : vector<1000x128xf32>, vector<128x128xf32>, vector<1000x128xf32> -> vector<1000x128xf32>
    %swap3A = arith.constant 0 : index
    %swap3A_6 = arith.constant 0 : index
    %swap3A_7 = vector.load %arg4[%swap3A, %swap3A_6] : memref<1000x128xf32, #tpu.memory_space<vmem>>, vector<1000x128xf32>
    tpu.vector_store %arg4[%swap3A, %swap3A_6], %dot_general3A_5 {strides = array<i32>} : memref<1000x128xf32, #tpu.memory_space<vmem>>, vector<1000x128xf32>,
    %get3A_8 = arith.constant 0 : index
    %get3A_9 = arith.constant 0 : index
    %get3A_10 = vector.load %arg3[%get3A_8, %get3A_9] : memref<128x8xf32, #tpu.memory_space<vmem>>, vector<128x8xf32>
    %dot_general3A_11 = arith.constant dense<0.000000e+00> : vector<1000x8xf32>
    %dot_general3A_12 = tpu.matmul %dot_general3A_5, %get3A_10, %dot_general3A_11 {dimension_numbers = #tpu.dot_dimension_numbers<[1], [0], [0], [1], [0, 0, 1, 1], [], []>, transpose_lhs_hint = false} : vector<1000x128xf32>, vector<128x8xf32>, vector<1000x8xf32> -> vector<1000x8xf32>
    %slice3A = vector.extract_strided_slice %dot_general3A_12 {offsets = [0, 0], sizes = [1000, 2], strides = [1, 1]} : vector<1000x8xf32> to vector<1000x2xf32>
    %swap3A_13 = arith.constant 0 : index
    %swap3A_14 = arith.constant 0 : index
    %swap3A_15 = vector.load %arg5[%swap3A_13, %swap3A_14] : memref<1000x2xf32, #tpu.memory_space<vmem>>, vector<1000x2xf32>
    tpu.vector_store %arg5[%swap3A_13, %swap3A_14], %slice3A {strides = array<i32>} : memref<1000x2xf32, #tpu.memory_space<vmem>>, vector<1000x2xf32>,
    %slice3A_16 = vector.extract_strided_slice %dot_general3A_12 {offsets = [0, 2], sizes = [1000, 1], strides = [1, 1]} : vector<1000x8xf32> to vector<1000x1xf32>
    %swap3A_17 = arith.constant 0 : index
    %swap3A_18 = arith.constant 0 : index
    %swap3A_19 = vector.load %arg6[%swap3A_17, %swap3A_18] : memref<1000x1xf32, #tpu.memory_space<vmem>>, vector<1000x1xf32>
    tpu.vector_store %arg6[%swap3A_17, %swap3A_18], %slice3A_16 {strides = array<i32>} : memref<1000x1xf32, #tpu.memory_space<vmem>>, vector<1000x1xf32>,
    return
  }
  func.func @transform_0(%arg0: i32) -> (i32, i32) {
    %c0_i32 = arith.constant 0 : i32
    %c0_i32_0 = arith.constant 0 : i32
    return %arg0, %c0_i32 : i32, i32
  }
  func.func @transform_1(%arg0: i32) -> (i32, i32) {
    %c0_i32 = arith.constant 0 : i32
    %c0_i32_0 = arith.constant 0 : i32
    %c0_i32_1 = arith.constant 0 : i32
    return %c0_i32, %c0_i32_0 : i32, i32
  }
  func.func @transform_2(%arg0: i32) -> (i32, i32) {
    %c0_i32 = arith.constant 0 : i32
    %c0_i32_0 = arith.constant 0 : i32
    %c0_i32_1 = arith.constant 0 : i32
    return %c0_i32, %c0_i32_0 : i32, i32
  }
  func.func @transform_3(%arg0: i32) -> (i32, i32) {
    %c0_i32 = arith.constant 0 : i32
    %c0_i32_0 = arith.constant 0 : i32
    return %arg0, %c0_i32 : i32, i32
  }
  func.func @transform_4(%arg0: i32) -> (i32, i32) {
    %c0_i32 = arith.constant 0 : i32
    %c0_i32_0 = arith.constant 0 : i32
    return %arg0, %c0_i32 : i32, i32
  }
  func.func @transform_5(%arg0: i32) -> (i32, i32) {
    %c0_i32 = arith.constant 0 : i32
    %c0_i32_0 = arith.constant 0 : i32
    return %arg0, %c0_i32 : i32, i32
  }
}

module attributes {stable_mosaic.version = 14 : i64} {
  func.func @_g_body(%arg0: i32, %arg1: memref<2000x16xf32, #tpu.memory_space<vmem>>, %arg2: memref<16x128xf32, #tpu.memory_space<vmem>>, %arg3: memref<1x128xf32, #tpu.memory_space<vmem>>, %arg4: memref<2000x128xf32, #tpu.memory_space<vmem>>, %arg5: memref<2000x1xf32, #tpu.memory_space<vmem>>) attributes {dimension_semantics = [#tpu.dimension_semantics<arbitrary>], iteration_bounds = array<i64: 160>, scalar_prefetch = 0 : i64, scratch_operands = 0 : i64, tpu.core_type = #tpu.core_type<tc>, window_params = [{transform_indices = @transform_0, window_bounds = array<i64: 2000, 16>}, {pipeline_mode = #tpu.pipeline_mode<synchronous>, transform_indices = @transform_1, window_bounds = array<i64: 16, 128>}, {pipeline_mode = #tpu.pipeline_mode<synchronous>, transform_indices = @transform_2, window_bounds = array<i64: 1, 128>}, {transform_indices = @transform_3, window_bounds = array<i64: 2000, 128>}, {transform_indices = @transform_4, window_bounds = array<i64: 2000, 1>}]} {
    %get3A = arith.constant 0 : index
    %get3A_0 = arith.constant 0 : index
    %get3A_1 = vector.load %arg1[%get3A, %get3A_0] : memref<2000x16xf32, #tpu.memory_space<vmem>>, vector<2000x16xf32>
    %get3A_2 = arith.constant 0 : index
    %get3A_3 = arith.constant 0 : index
    %get3A_4 = vector.load %arg2[%get3A_2, %get3A_3] : memref<16x128xf32, #tpu.memory_space<vmem>>, vector<16x128xf32>
    %dot_general3A = arith.constant dense<0.000000e+00> : vector<2000x128xf32>
    %dot_general3A_5 = tpu.matmul %get3A_1, %get3A_4, %dot_general3A {dimension_numbers = #tpu.dot_dimension_numbers<[1], [0], [0], [1], [0, 0, 1, 1], [], []>, transpose_lhs_hint = false} : vector<2000x16xf32>, vector<16x128xf32>, vector<2000x128xf32> -> vector<2000x128xf32>
    %swap3A = arith.constant 0 : index
    %swap3A_6 = arith.constant 0 : index
    %swap3A_7 = vector.load %arg4[%swap3A, %swap3A_6] : memref<2000x128xf32, #tpu.memory_space<vmem>>, vector<2000x128xf32>
    tpu.vector_store %arg4[%swap3A, %swap3A_6], %dot_general3A_5 {strides = array<i32>} : memref<2000x128xf32, #tpu.memory_space<vmem>>, vector<2000x128xf32>,
    %get3A_8 = arith.constant 0 : index
    %get3A_9 = arith.constant 0 : index
    %get3A_10 = vector.load %arg3[%get3A_8, %get3A_9] : memref<1x128xf32, #tpu.memory_space<vmem>>, vector<1x128xf32>
    %mul3A = vector.broadcast %get3A_10 : vector<1x128xf32> to vector<2000x128xf32>
    %mul3A_11 = arith.mulf %dot_general3A_5, %mul3A : vector<2000x128xf32>
    %reduce_sum3A = arith.constant dense<0.000000e+00> : vector<2000xf32>
    %reduce_sum3A_12 = vector.multi_reduction <add>, %mul3A_11, %reduce_sum3A [1] : vector<2000x128xf32> to vector<2000xf32>
    %broadcast_in_dim3A = vector.shape_cast %reduce_sum3A_12 : vector<2000xf32> to vector<2000x1xf32>
    %swap3A_13 = arith.constant 0 : index
    %swap3A_14 = arith.constant 0 : index
    %swap3A_15 = vector.load %arg5[%swap3A_13, %swap3A_14] : memref<2000x1xf32, #tpu.memory_space<vmem>>, vector<2000x1xf32>
    tpu.vector_store %arg5[%swap3A_13, %swap3A_14], %broadcast_in_dim3A {strides = array<i32>} : memref<2000x1xf32, #tpu.memory_space<vmem>>, vector<2000x1xf32>,
    return
  }
  func.func @transform_0(%arg0: i32) -> (i32, i32) {
    %c0_i32 = arith.constant 0 : i32
    %c0_i32_0 = arith.constant 0 : i32
    return %arg0, %c0_i32 : i32, i32
  }
  func.func @transform_1(%arg0: i32) -> (i32, i32) {
    %c0_i32 = arith.constant 0 : i32
    %c0_i32_0 = arith.constant 0 : i32
    %c0_i32_1 = arith.constant 0 : i32
    return %c0_i32, %c0_i32_0 : i32, i32
  }
  func.func @transform_2(%arg0: i32) -> (i32, i32) {
    %c0_i32 = arith.constant 0 : i32
    %c0_i32_0 = arith.constant 0 : i32
    %c0_i32_1 = arith.constant 0 : i32
    return %c0_i32, %c0_i32_0 : i32, i32
  }
  func.func @transform_3(%arg0: i32) -> (i32, i32) {
    %c0_i32 = arith.constant 0 : i32
    %c0_i32_0 = arith.constant 0 : i32
    return %arg0, %c0_i32 : i32, i32
  }
  func.func @transform_4(%arg0: i32) -> (i32, i32) {
    %c0_i32 = arith.constant 0 : i32
    %c0_i32_0 = arith.constant 0 : i32
    return %arg0, %c0_i32 : i32, i32
  }
}

</mosaic_0001>

<sc_bundles>
// kernel: kernel.5.cloned.1.call-start
scs
__scs_entry_jumppad:
0x0: {  	(pc) =	sbr.rel $0x88, $3  }
0x1: {  	(tag) =	ssettag $0x0;
	lr =	simm.s32 $0x1  }
0x2: {  	[smem:$0x3F9A] =	sst lr;
	_ =	strace $0xD0000000  }
0x3: {  	_ = 	snop  }
0x4: {  	_ = 	snop  }
0x5: {  	_ = 	snop  }
0x6: {  	_ = 	snop  }
0x7: {  	_ = 	snop  }
__scs_overlays_trampoline_lowered:
0x8: {  	[smem:$0x3FA9] =	sst s0  }
0x9: {  	[smem:$0x3FAA] =	sst s1  }
0xa: {  	[smem:$0x3FAB] =	sst s2  }
0xb: {  	[smem:$0x3FAC] =	sst s3  }
0xc: {  	[smem:$0x3FAD] =	sst s4  }
0xd: {  	[smem:$0x3FAE] =	sst s5  }
0xe: {  	[smem:$0x3FAF] =	sst s6  }
0xf: {  	[smem:$0x3FB0] =	sst s7  }
0x10: {  	[smem:$0x3FB1] =	sst s8  }
0x11: {  	[smem:$0x3FB2] =	sst s9;
	s0 =	simm.s32 @!p0 $0x0  }
0x12: {  	s1 =	sld [smem:$0x3F98];
	s0 =	simm.s32 @p0 $0x1  }
0x13: {  	[smem:$0x3FB3] =	sst s0;
	s0 =	simm.s32 @!p1 $0x0  }
0x14: {  	s2 =	sld [smem:$0x3F97];
	s0 =	simm.s32 @p1 $0x1  }
0x15: {  	[smem:$0x3FB4] =	sst s0;
	s0 =	simm.s32 @!p2 $0x0  }
0x16: {  	s3 =	sld [smem:$0x3FDB];
	s0 =	simm.s32 @p2 $0x1  }
0x17: {  	s4 =	simm.s32 $0x1BF5;
	[smem:$0x3FB6] =	sst s0  }
0x18: {  	s0 =	sld [smem:$0x3F99];
	_ =	swait.ge [sflag:s4], $0x0  }
0x19: {  	s7 =	sld [smem:$0x3F9A]  }
0x1a: {  	s8 =	sadd.s32 $0xFFFFE003, lr  }
0x1b: {  	s9 =	sadd.s32 $0xFFFFFEF7, lr;
	s5 =	simm.s32 $0xFFFFFFFF;
	p2 =	slt.u32 s8, $0xFFFFF086  }
0x1c: {  	p1 =	slt.u32 s9, $0xF7A;
	s5 =	simm.s32 @!p2 $0x0  }
0x1d: {  	s5 =	simm.s32 @p1 $0x1;
	p0 =	seq.s32 s7, s2  }
0x1e: {  	s7 =	smul.u32 @!p0 $0xF7A, s2;
	p2 =	seq.s32 @!p0 s5, $0x0  }
0x1f: {  	s9 =	smul.u32 $0xF7A, s1;
	s8 =	simm.s32 @!p0 $0x1BF5;
	p2 =	por !p2, p0  }
0x20: {  	[sflag:s8] =	ssyncset.s32 @!p0 $0xFFFFF086;
	s6 =	sadd.s32 @!p0 s3, s7;
	s7 =	simm.s32 @!p0 $0x108  }
0x21: {  	s3 =	sadd.s32 s3, s9;
	s6 =	sadd.s32 @!p0 $0x88, s6;
	s7 =	simm.s32 @p2 $0x1082  }
0x22: {  	[simem:s7], [sflag:s8] =	dma.local @!p0 [hbm:s6], $0xF7A  }
0x23: {  	s9 =	sor.u32 $0xD0000000, s2;
	s6 =	simm.s32 $0x108;
	_ =	swait.ge @!p0 [sflag:s8], $0x0  }
0x24: {  	s3 =	sadd.s32 $0x88, s3;
	s6 =	simm.s32 @!p1 $0x1082;
	[sflag:s4] =	ssyncset.s32 $0xFFFFF086  }
0x25: {  	[simem:s6], [sflag:s4] =	dma.local [hbm:s3], $0xF7A  }
0x26: {  	[smem:$0x3F9A] =	sst s1;
	(tag) =	ssettag s2;
	_ =	strace s9  }
0x27: {  	s1 =	sld [smem:$0x3FAA]  }
0x28: {  	s2 =	sld [smem:$0x3FAB]  }
0x29: {  	s4 =	sld [smem:$0x3FAD]  }
0x2a: {  	p0 =	seq.s32 s5, $0x0;
	s5 =	sld [smem:$0x3FAE]  }
0x2b: {  	s6 =	sld [smem:$0x3FAF]  }
0x2c: {  	s7 =	sld [smem:$0x3FB0]  }
0x2d: {  	s3 =	simm.s32 $0x108;
	s8 =	sld [smem:$0x3FB1]  }
0x2e: {  	s3 =	simm.s32 @!p0 $0x1082;
	s9 =	sld [smem:$0x3FB2]  }
0x2f: {  	lr =	sadd.s32 s0, s3;
	s0 =	sld [smem:$0x3FA9]  }
0x30: {  	s3 =	sld [smem:$0x3FAC]  }
0x31: {  	[smem:$0x3FB5] =	sst s10  }
0x32: {  	s10 =	sld [smem:$0x3FB3];
	_ =	sdelay $0x3  }
0x33: {  	p0 =	seq.s32 s10, $0x1;
	s10 =	sld [smem:$0x3FB5];
	_ =	sdelay $0x3  }
0x34: {  	[smem:$0x3FB5] =	sst s10  }
0x35: {  	s10 =	sld [smem:$0x3FB4];
	_ =	sdelay $0x3  }
0x36: {  	p1 =	seq.s32 s10, $0x1;
	s10 =	sld [smem:$0x3FB5];
	_ =	sdelay $0x3  }
0x37: {  	[smem:$0x3FB5] =	sst s10  }
0x38: {  	s10 =	sld [smem:$0x3FB6]  }
0x39: {  	_ = 	snop;
	(pc) =	sbr.ind lr, $3  }
0x3a: {  	_ = 	snop  }
0x3b: {  	_ = 	snop  }
0x3c: {  	p2 =	seq.s32 s10, $0x1;
	s10 =	sld [smem:$0x3FB5]  }
0x3d: {  	_ =	shalt  }
0x3e: {  	_ =	shalt  }
0x3f: {  	_ =	shalt  }
0x40: {  	_ =	shalt  }
0x41: {  	_ =	shalt  }
0x42: {  	_ =	shalt  }
0x43: {  	_ =	shalt  }
0x44: {  	_ =	shalt  }
0x45: {  	_ =	shalt  }
0x46: {  	_ =	shalt  }
0x47: {  	_ =	shalt  }
0x48: {  	_ =	shalt  }
0x49: {  	_ =	shalt  }
0x4a: {  	_ =	shalt  }
0x4b: {  	_ =	shalt  }
0x4c: {  	_ =	shalt  }
0x4d: {  	_ =	shalt  }
0x4e: {  	_ =	shalt  }
0x4f: {  	_ =	shalt  }
0x50: {  	_ =	shalt  }
0x51: {  	_ =	shalt  }
0x52: {  	_ =	shalt  }
0x53: {  	_ =	shalt  }
0x54: {  	_ =	shalt  }
0x55: {  	_ =	shalt  }
0x56: {  	_ =	shalt  }
0x57: {  	_ =	shalt  }
0x58: {  	_ =	shalt  }
0x59: {  	_ =	shalt  }
0x5a: {  	_ =	shalt  }
0x5b: {  	_ =	shalt  }
0x5c: {  	_ =	shalt  }
0x5d: {  	_ =	shalt  }
0x5e: {  	_ =	shalt  }
0x5f: {  	_ =	shalt  }
0x60: {  	_ =	shalt  }
0x61: {  	_ =	shalt  }
0x62: {  	_ =	shalt  }
0x63: {  	_ =	shalt  }
0x64: {  	_ =	shalt  }
0x65: {  	_ =	shalt  }
0x66: {  	_ =	shalt  }
0x67: {  	_ =	shalt  }
0x68: {  	_ =	shalt  }
0x69: {  	_ =	shalt  }
0x6a: {  	_ =	shalt  }
0x6b: {  	_ =	shalt  }
0x6c: {  	_ =	shalt  }
0x6d: {  	_ =	shalt  }
0x6e: {  	_ =	shalt  }
0x6f: {  	_ =	shalt  }
0x70: {  	_ =	shalt  }
0x71: {  	_ =	shalt  }
0x72: {  	_ =	shalt  }
0x73: {  	_ =	shalt  }
0x74: {  	_ =	shalt  }
0x75: {  	_ =	shalt  }
0x76: {  	_ =	shalt  }
0x77: {  	_ =	shalt  }
0x78: {  	_ =	shalt  }
0x79: {  	_ =	shalt  }
0x7a: {  	_ =	shalt  }
0x7b: {  	_ =	shalt  }
0x7c: {  	_ =	shalt  }
0x7d: {  	_ =	shalt  }
0x7e: {  	_ =	shalt  }
0x7f: {  	_ =	shalt  }
0x80: {  	_ =	shalt  }
0x81: {  	_ =	shalt  }
0x82: {  	_ =	shalt  }
0x83: {  	_ =	shalt  }
0x84: {  	_ =	shalt  }
0x85: {  	_ =	shalt  }
0x86: {  	_ =	shalt  }
0x87: {  	_ =	shalt  }
.Lfunc_end0:
.L_simem_size_0:
called_computation_lowered:
.L_overlay_start_0:
0x88: {  	s2 =	sld [smem:$0x3FD9]  }
0x89: {  	s3 =	sld [smem:$0x3FFE];
	_ =	sdelay $0x1  }
0x8a: {  	s1 =	srdreg.scid  }
0x8b: {  	s0 =	sand.u32 $0x1, s1  }
0x8c: {  	s17 =	sshll.u32 s0, $0xA;
	s2 =	sadd.s32 s3, s2  }
0x8d: {  	s2 =	sadd.s32 s2, s17  }
0x8e: {  	[smem:$0x3FC1] =	sst s2  }
0x8f: {  	_ = 	snop  }
0x90: {  	s2 =	sld [smem:$0x3FD0];
	(tm) =	ssettm $0x1  }
0x91: {  	s18 =	sld [smem:$0x3FFB];
	_ =	sdelay $0x3  }
0x92: {  	_ =	strace s18  }
0x93: {  	s3 =	sld [smem:$0x3FFC];
	_ =	sdelay $0x3  }
0x94: {  	_ =	strace s3  }
0x95: {  	s3 =	sld [smem:$0x3FFD];
	_ =	sdelay $0x3  }
0x96: {  	_ =	strace s3  }
0x97: {  	_ =	strace $0x8FFFFFFF  }
0x98: {  	s19 =	sld [smem:$0x3FDB];
	_ =	sdelay $0x1  }
0x99: {  	s4 =	simm.s32 $_scs_section_size  }
0x9a: {  	s5 =	simm.s32 $_size__tile_overlayer_lowered;
	s6 =	simm.s32 $_tile_overlayer_lowered  }
0x9b: {  	s22 =	simm.s32 $0x1BFF;
	s21 =	sshll.u32 s6, $0x1;
	s3 =	sadd.s32 s4, s19  }
0x9c: {  	s7 =	simm.s32 $0x0;
	s20 =	sshll.u32 s5, $0x1;
	s5 =	sadd.s32 s21, s3  }
0x9d: {  	[timem:s7], [sflag:s22] =	dma.local [hbm:s5], s20  }
0x9e: {  	_ =	swait.ge [sflag:s22], s20  }
0x9f: {  	s4 =	ssub.s32 $0x0, s20;
	[sflag:s22] =	ssyncset.done $0x0  }
0xa0: {  	[sflag:s22] =	ssyncadd.s32 s4;
	_ =	sdelay $0x1  }
0xa1: {  	s23 =	simm.s32 $0x1B8B  }
0xa2: {  	_ =	swait.ge [sflag:s23], $0x1  }
0xa3: {  	[sflag:s23] =	ssyncset.done $0x0  }
0xa4: {  	s25 =	simm.s32 $0x1B8E;
	s24 =	sld [smem:$0x3FFE];
	[sflag:s23] =	ssyncadd.s32 $0xFFFFFFFF  }
0xa5: {  	s26 =	simm.s32 $execute0_lowered;
	[smem:$0x3FD2] =	sst s25  }
0xa6: {  	s5 =	sshll.u32 s26, $0x1;
	_ =	strace $0x80000046;
	[dreg:$0x1] =	wrdreg $0xFFFFFFFF  }
0xa7: {  	s28 =	simm.s32 $_size_execute0_lowered;
	s3 =	sadd.s32 s3, s5;
	[dreg:$0x0] =	wrdreg $0x0  }
0xa8: {  	s5 =	sshll.u32 s28, $0x1;
	[dreg:$0x2] =	wrdreg s3  }
0xa9: {  	[dreg:$0x3] =	wrdreg s5  }
0xaa: {  	[dreg:$0x4] =	wrdreg $0xC0  }
0xab: {  	_ =	task [dreg:s7], $0x5FFFF  }
0xac: {  	[dreg:$0x1] =	wrdreg $0xFFFFFFFF  }
0xad: {  	[dreg:$0x0] =	wrdreg $0x60  }
0xae: {  	[dreg:$0x2] =	wrdreg s2  }
0xaf: {  	[dreg:$0x3] =	wrdreg s24  }
0xb0: {  	[dreg:$0x4] =	wrdreg $0x79000  }
0xb1: {  	[dreg:$0x5] =	wrdreg $0x1B1800  }
0xb2: {  	[dreg:$0x6] =	wrdreg $0x9  }
0xb3: {  	_ =	task.clear_ibuf [dreg:s7], $0x7FFFF;
	_ =	strace $0x90000046  }
0xb4: {  	s29 =	simm.s32 $0x9;
	_ =	strace $0x80000048  }
0xb5: {  	_ =	swait.ge [sflag:s29], $0x1  }
0xb6: {  	[sflag:s29] =	ssyncadd.s32 $0xFFFFFFFF  }
0xb7: {  	_ =	strace $0x90000048  }
0xb8: {  	_ =	sfence  }
0xb9: {  	s30 =	sld [smem:$0x0];
	_ =	sdelay $0x2  }
0xba: {  	s31 =	sshll.u32 s1, $0xD;
	s1 =	sshrl.u32 s1, $0x2  }
0xbb: {  	s3 =	sand.u32 $0x4000, s31;
	s1 =	sadd.s32 s1, s30  }
0xbc: {  	s0 =	sor.u32 s3, s0;
	s1 =	sshll.u32 s1, $0x11  }
0xbd: {  	s0 =	sor.u32 s1, s0  }
0xbe: {  	s0 =	sadd.s32 $0x8F2B, s0  }
0xbf: {  	[sflag:s0] =	ssyncadd.remote.s32 $0x1  }
0xc0: {  	_ =	sfence.sel $0xFFFF  }
0xc1: {  	[dreg:$0x0] =	wrdreg $0xFFFFFFFF;
	(pc) =	sbr.abs _section_cstart, $3  }
0xc2: {  	[dreg:$0x1] =	wrdreg $0xFFFFFFFF  }
0xc3: {  	_ =	task.clear_ibuf [dreg:s7], $0x2FFFF;
	_ =	strace $0x9FFFFFFF  }
0xc4: {  	(tm) =	ssettm $0x7FFFFFFF  }
0xc5: {  	_ =	shalt  }
tec
execute0_lowered:
.L_overlay_start_1:
0x0: {  	(tag) =	ssettag $0x1  }
0x1: {  	s29 =	rddreg [dreg:$0x0]  }
0x2: {  	s6 =	rddreg [dreg:$0x1]  }
0x3: {  	s3 =	rddreg [dreg:$0x2]  }
0x4: {  	s4 =	rddreg [dreg:$0x3];
	s5 =	simm.s32 $0x0  }
0x5: {  	s0 =	srdreg.scid;
	s9 =	stileid.u32;
	s17 =	simm.s32 $0x1000  }
0x6: {  	s18 =	simm.s32 $0x2;
	s19 =	simm.s32 $0x6F00;
	s20 =	simm.s32 $0x6F80  }
0x7: {  	s21 =	simm.s32 $0x5F00;
	s22 =	simm.s32 $0x20;
	s23 =	simm.s32 $0x1  }
0x8: {  	s24 =	simm.s32 $0x7000;
	s28 =	simm.s32 $0x7100;
	s30 =	simm.s32 $0x5E20  }
0x9: {  	[smem:$0x7FF] =	sst s5;
	s16 =	sadd.s32 $0x9C5000, s6;
	s1 =	sadd.s32 $0x4E2A00, s6  }
0xa: {  	s8 =	sadd.s32 $0xA00, s6;
	s0 =	sand.u32 $0x1, s0;
	s10 =	sadd.s32 $0x14600, s6  }
0xb: {  	s11 =	sadd.s32 $0xA800, s6;
	s2 =	sadd.s32 $0x1EE00, s6;
	s6 =	sadd.s32 $0x46000, s6  }
0xc: {  	s14 =	sshll.u32 s9, $0x2;
	_ =	strace $0x80000047;
	[dreg:$0x6] =	wrdreg s1  }
.Ltmp0:
0xd: {  	s25 =	ssub.s32 $0x2, s0;
	[dreg:$0x7] =	wrdreg s2;
	(pc) =	sbr.rel .LBB2_1-.Ltmp0, $4  }
0xe: {  	v0 =	vlaneseq.u32;
	v2 =	vimm.f32 $0.0e+00;
	v4 =	vimm.f32 $1.000000000e+00;
	s31 =	sshll.u32 s9, $0x4;
	[dreg:$0x8] =	wrdreg s6;
	s26 =	sshrl.u32 s25, $0x1  }
0xf: {  	vm0 =	vcmask $0x300;
	vm15 =	vcmask $0x704;
	v1 =	vmul.u32 $0x80, v0;
	[dreg:$0xa] =	wrdreg s31;
	p0 =	sne.s32 s0, $0x0;
	s1 =	ssub.s32 s25, s26  }
0x10: {  	v9 =	vimm.s32 $0x0;
	v6 =	vsel vm0, $0x3F800000, v2;
	v8 =	vsel vm15, $0x3F800000, v2;
	[dreg:$0x5] =	wrdreg s16;
	s25 =	simm.s32 $0x10;
	s1 =	smax.u32 s1, $0x1  }
0x11: {  	v3 =	vor.u32 $0x1, v1;
	v5 =	vor.u32 $0x800, v1;
	v7 =	vor.u32 $0x801, v1;
	s26 =	simm.s32 $0x7080;
	[dreg:$0x9] =	wrdreg s1;
	s1 =	simm.s32 $0x0  }
.LBB2_28:
0x12: {  	s1 =	rddreg [dreg:$0xb]  }
0x13: {  	s0 =	rddreg [dreg:$0x9];
	s1 =	sadd.s32 $0x1, s1  }
0x14: {  	p1 =	sne.s32 s1, s0  }
.Ltmp1:
0x15: {  	_ = 	snop;
	(pc) =	sbr.rel @!p1 .LBB2_29-.Ltmp1, $2  }
0x16: {  	_ =	sdelay $0x2  }
0x17: {  	s16 =	rddreg [dreg:$0x5]  }
.LBB2_1:
0x18: {  	[dreg:$0xb] =	wrdreg s1;
	s0 =	simm.s32 $0x0;
	s1 =	simm.s32 $0x200  }
.LBB2_2:
0x19: {  	p1 =	sne.s32 s1, $0x3E00;
	[tilespmem:s0+$0x5F70] =	vst v2  }
0x1a: {  	[tilespmem:s0+$0x0] =	vst v2  }
0x1b: {  	[tilespmem:s0+$0x5F00] =	vst v2  }
0x1c: {  	[tilespmem:s0+$0x10] =	vst v2  }
0x1d: {  	[tilespmem:s0+$0x5F10] =	vst v2  }
0x1e: {  	[tilespmem:s0+$0x20] =	vst v2  }
0x1f: {  	[tilespmem:s0+$0x5F20] =	vst v2  }
0x20: {  	[tilespmem:s0+$0x30] =	vst v2  }
0x21: {  	[tilespmem:s0+$0x5F30] =	vst v2  }
0x22: {  	[tilespmem:s0+$0x40] =	vst v2  }
0x23: {  	[tilespmem:s0+$0x5F40] =	vst v2  }
.Ltmp2:
0x24: {  	[tilespmem:s0+$0x50] =	vst v2;
	(pc) =	sbr.rel @p1 .LBB2_2-.Ltmp2, $4  }
0x25: {  	[tilespmem:s0+$0x5F50] =	vst v2  }
0x26: {  	[tilespmem:s0+$0x60] =	vst v2  }
0x27: {  	[tilespmem:s0+$0x5F60] =	vst v2  }
0x28: {  	[tilespmem:s0+$0x70] =	vst v2;
	s0 =	sshra.s32 s1, $0x2;
	s1 =	sadd.s32 $0x200, s1  }
0x29: {  	[tilespmem:s0+$0x5F70] =	vst v2  }
0x2a: {  	[tilespmem:s0+$0x0] =	vst v2  }
0x2b: {  	[tilespmem:s0+$0x5F00] =	vst v2  }
0x2c: {  	[tilespmem:s0+$0x10] =	vst v2  }
0x2d: {  	[tilespmem:s0+$0x5F10] =	vst v2  }
0x2e: {  	[tilespmem:s0+$0x20] =	vst v2  }
0x2f: {  	[tilespmem:s0+$0x5F20] =	vst v2  }
0x30: {  	[tilespmem:s0+$0x30] =	vst v2  }
0x31: {  	[tilespmem:s0+$0x5F30] =	vst v2  }
0x32: {  	[tilespmem:s0+$0x40] =	vst v2  }
0x33: {  	[tilespmem:s0+$0x5F40] =	vst v2  }
0x34: {  	[tilespmem:s0+$0x50] =	vst v2  }
0x35: {  	[tilespmem:s0+$0x5F50] =	vst v2;
	s1 =	sadd.s32 $0x0, s9  }
0x36: {  	[tilespmem:s0+$0x60] =	vst v2;
	p1 =	slt.u32 s1, $0x271  }
0x37: {  	[tilespmem:s0+$0x5F60] =	vst v2;
	s6 =	rddreg [dreg:$0xa];
	v10 =	vlaneseq.u32 @p1  }
0x38: {  	[tilespmem:s0+$0x70] =	vst v2;
	s0 =	simm.s32 @p1 $0x3;
	v10 =	vor.u32 @p1 s6, v10  }
0x39: {  	s2 =	simm.s32 @p1 $0x10;
	s7 =	simm.s32 @p1 $0x7080;
	s12 =	simm.s32 @p1 $0x0;
	[tilespmem:$0x7080] =	vst @p1 v10  }
0x3a: {  	[spmem:s3] =	stream.indirect.scatter @p1 [tilespmem:s12], [sflag:$0x3], $0x80, s7, s2, $0xb8;
	[tilespmem:$0x1D900] =	vst v63  }
0x3b: {  	p2 =	sgt.u32 @p1 s1, $0x4E;
	_ =	swait.ge @p1 [sflag:s0], $0x800  }
0x3c: {  	p2 =	por p2, !p1;
	[sflag:s0] =	ssyncset.done @p1 $0x0  }
0x3d: {  	s1 =	sadd.s32 $0x10, s9;
	s2 =	simm.s32 @!p2 $0x7080;
	[sflag:s0] =	ssyncadd.s32 @p1 $0xFFFFF800  }
0x3e: {  	s7 =	simm.s32 @!p2 $0x5F00;
	s0 =	simm.s32 @!p2 $0x10;
	p1 =	slt.u32 s1, $0x271;
	[tilespmem:$0x7080] =	vst @!p2 v10  }
0x3f: {  	[spmem:s4] =	stream.indirect.scatter @!p2 [tilespmem:s7], [sflag:$0x2], $0x80, s2, s0, $0xb8;
	[tilespmem:$0x1D900] =	vst v63  }
0x40: {  	p3 =	sgt.u32 @p1 s1, $0x4E;
	s2 =	simm.s32 @!p2 $0x2  }
0x41: {  	v10 =	vlaneseq.u32 @p1;
	s1 =	sadd.s32 $0x100, s6;
	s0 =	simm.s32 $0x20;
	_ =	swait.ge @!p2 [sflag:s2], $0x800  }
.LBB2_4:
0x42: {  	s7 =	simm.s32 @p1 $0x3  }
0x43: {  	v10 =	vor.u32 @p1 s1, v10;
	[sflag:s2] =	ssyncset.done @!p2 $0x0;
	s12 =	smov.u32 s0;
	s0 =	sadd.s32 $0x10, s0  }
0x44: {  	s13 =	simm.s32 @p1 $0x10;
	s15 =	simm.s32 @p1 $0x7080;
	[sflag:s2] =	ssyncadd.s32 @!p2 $0xFFFFF800  }
0x45: {  	p4 =	sne.s32 s0, $0x280;
	s2 =	simm.s32 @p1 $0x0;
	[tilespmem:$0x7080] =	vst @p1 v10  }
0x46: {  	[spmem:s3] =	stream.indirect.scatter @p1 [tilespmem:s2], [sflag:$0x3], $0x80, s15, s13, $0xb8;
	[tilespmem:$0x1D900] =	vst v63  }
0x47: {  	s12 =	sadd.s32 s12, s9;
	_ =	swait.ge @p1 [sflag:s7], $0x800  }
.Ltmp3:
0x48: {  	p2 =	por p3, !p1;
	[sflag:s7] =	ssyncset.done @p1 $0x0;
	(pc) =	sbr.rel @p4 .LBB2_4-.Ltmp3, $4  }
0x49: {  	s13 =	simm.s32 @!p2 $0x7080;
	[sflag:s7] =	ssyncadd.s32 @p1 $0xFFFFF800;
	s7 =	simm.s32 @!p2 $0x10  }
0x4a: {  	s15 =	simm.s32 @!p2 $0x5F00;
	s2 =	simm.s32 @!p2 $0x2;
	p1 =	slt.u32 s12, $0x271;
	[tilespmem:$0x7080] =	vst @!p2 v10  }
0x4b: {  	[spmem:s4] =	stream.indirect.scatter @!p2 [tilespmem:s15], [sflag:$0x2], $0x80, s13, s7, $0xb8;
	[tilespmem:$0x1D900] =	vst v63  }
0x4c: {  	s1 =	sadd.s32 $0x100, s1;
	v10 =	vlaneseq.u32 @p1;
	p3 =	sgt.u32 @p1 s12, $0x4E;
	_ =	swait.ge @!p2 [sflag:s2], $0x800  }
0x4d: {  	[sflag:s2] =	ssyncset.done @!p2 $0x0  }
0x4e: {  	v10 =	vor.u32 @p1 s1, v10;
	s0 =	simm.s32 @p1 $0x3;
	[sflag:s2] =	ssyncadd.s32 @!p2 $0xFFFFF800  }
0x4f: {  	s1 =	simm.s32 @p1 $0x10;
	s7 =	simm.s32 @p1 $0x0;
	s2 =	simm.s32 @p1 $0x7080;
	[tilespmem:$0x7080] =	vst @p1 v10  }
0x50: {  	[spmem:s3] =	stream.indirect.scatter @p1 [tilespmem:s7], [sflag:$0x3], $0x80, s2, s1, $0xb8;
	[tilespmem:$0x1D900] =	vst v63  }
0x51: {  	_ =	swait.ge @p1 [sflag:s0], $0x800  }
0x52: {  	p2 =	por p3, !p1;
	[sflag:s0] =	ssyncset.done @p1 $0x0  }
0x53: {  	s1 =	simm.s32 @!p2 $0x7080;
	[sflag:s0] =	ssyncadd.s32 @p1 $0xFFFFF800  }
0x54: {  	s2 =	simm.s32 @!p2 $0x5F00;
	s7 =	simm.s32 @!p2 $0x2;
	s0 =	simm.s32 @!p2 $0x10;
	[tilespmem:$0x7080] =	vst @!p2 v10  }
0x55: {  	[spmem:s4] =	stream.indirect.scatter @!p2 [tilespmem:s2], [sflag:$0x2], $0x80, s1, s0, $0xb8;
	[tilespmem:$0x1D900] =	vst v63  }
.Ltmp4:
0x56: {  	_ =	swait.ge @!p2 [sflag:s7], $0x800;
	(pc) =	sbr.rel @p0 .LBB2_16-.Ltmp4, $3  }
0x57: {  	[sflag:s7] =	ssyncset.done @!p2 $0x0  }
0x58: {  	[sflag:s7] =	ssyncadd.s32 @!p2 $0xFFFFF800  }
0x59: {  	[bflag:$0x0] =	sbarrier.arrive $0xFFFF;
	_ =	sdelay $0x1  }
0x5a: {  	s0 =	simm.s32 $0x0;
	s1 =	rddreg [dreg:$0x1]  }
0x5b: {  	[tilespmem:s17], [sflag:$0x2] =	stream.linear.gather [hbm4b:s1+s0], $0x4E20, $0x38;
	[tilespmem:$0x1D900] =	vst v63  }
0x5c: {  	_ =	swait.ge [sflag:s18], $0x4E20  }
0x5d: {  	[sflag:s18] =	ssyncset.done $0x0  }
0x5e: {  	s1 =	simm.s32 $0x0;
	[sflag:s18] =	ssyncadd.s32 $0xFFFFB1E0  }
.LBB2_7:
0x5f: {  	s2 =	sshll.u32 s1, $0x6  }
0x60: {  	s2 =	sor.u32 s14, s2  }
0x61: {  	s7 =	sadd.s32 s10, s2  }
0x62: {  	[tilespmem:s19], [sflag:$0x2] =	stream.linear.gather [hbm4b:s7+s0], $0x20, $0x38;
	[tilespmem:$0x1D900] =	vst v63  }
0x63: {  	_ =	swait.ge [sflag:s18], $0x20  }
0x64: {  	[sflag:s18] =	ssyncset.done $0x0  }
0x65: {  	s2 =	sadd.s32 s11, s2;
	[sflag:s18] =	ssyncadd.s32 $0xFFFFFFE0  }
0x66: {  	[tilespmem:s20], [sflag:$0x2] =	stream.linear.gather [hbm4b:s2+s0], $0x20, $0x38;
	[tilespmem:$0x1D900] =	vst v63  }
0x67: {  	_ =	swait.ge [sflag:s18], $0x20  }
0x68: {  	[sflag:s18] =	ssyncset.done $0x0  }
0x69: {  	[sflag:s18] =	ssyncadd.s32 $0xFFFFFFE0  }
0x6a: {  	v10 =	vld [tilespmem:$0x6F00]  }
0x6b: {  	v11 =	vld [tilespmem:$0x6F80];
	_ =	sdelay $0x4  }
0x6c: {  	v12 =	vshll.u32 v10, $0x1;
	v11 =	vshll.u32 v11, $0x1  }
0x6d: {  	v11 =	vor.u32 $0x1, v11;
	_ =	sdelay $0x3  }
0x6e: {  	v12 =	vld.idx.msk [tilespmem:v12+s17+$0x0], $0xffff  }
0x6f: {  	v11 =	vld.idx.msk [tilespmem:v11+s17+$0x0], $0xffff;
	_ =	sdelay $0x4  }
0x70: {  	v11 =	vadd.f32 v11, v12;
	_ =	sdelay $0x1  }
0x71: {  	v12 =	vmul.f32 $5.000000070e-02, v11  }
0x72: {  	vm0 =	vge.f32 v11, $0.0e+00  }
0x73: {  	v11 =	vsel vm0, v11, v12  }
0x74: {  	v11 =	vmul.f32 $1.442695020e+00, v11;
	_ =	sdelay $0x1  }
0x75: {  	(erf) = vpow2.f32 v11;
	_ =	sdelay $0x3  }
0x76: {  	v11 =	vshll.u32 v10, $0x4  }
0x77: {  	v11 =	vand.u32 $0x70, v11  }
0x78: {  	v12 =	vor.u32 v1, v11  }
0x79: {  	v11 =	vor.u32 v3, v11;
	_ =	sdelay $0x1  }
0x7a: {  	v13 =	vpop (erf)  }
0x7b: {  	[tilespmem:$0x5E60] =	vst v13  }
0x7c: {  	[tilespmem:v12+s21+$0x0] =	vst.idx.msk $0xffff, v13  }
0x7d: {  	[tilespmem:v11+s21+$0x0] =	vst.idx.msk $0xffff, v4  }
0x7e: {  	v11 =	vld [tilespmem:$0x6F10]  }
0x7f: {  	v12 =	vld [tilespmem:$0x6F90];
	_ =	sdelay $0x4  }
0x80: {  	v13 =	vshll.u32 v11, $0x1;
	v12 =	vshll.u32 v12, $0x1  }
0x81: {  	v12 =	vor.u32 $0x1, v12;
	_ =	sdelay $0x1  }
0x82: {  	v10 =	vshrl.u32 v10, $0x3  }
0x83: {  	[tilespmem:$0x7000] =	vst v10  }
0x84: {  	v10 =	vld.idx.msk [tilespmem:v13+s17+$0x0], $0xffff  }
0x85: {  	v12 =	vld.idx.msk [tilespmem:v12+s17+$0x0], $0xffff;
	_ =	sdelay $0x4  }
0x86: {  	v10 =	vadd.f32 v12, v10;
	_ =	sdelay $0x1  }
0x87: {  	v12 =	vmul.f32 $5.000000070e-02, v10  }
0x88: {  	vm15 =	vge.f32 v10, $0.0e+00  }
0x89: {  	v10 =	vsel vm15, v10, v12  }
0x8a: {  	v10 =	vmul.f32 $1.442695020e+00, v10;
	_ =	sdelay $0x1  }
0x8b: {  	(erf) = vpow2.f32 v10;
	_ =	sdelay $0x3  }
0x8c: {  	v10 =	vshll.u32 v11, $0x4  }
0x8d: {  	v10 =	vand.u32 $0x70, v10  }
0x8e: {  	v12 =	vor.u32 v5, v10  }
0x8f: {  	v10 =	vor.u32 v7, v10;
	_ =	sdelay $0x1  }
0x90: {  	v13 =	vpop (erf)  }
0x91: {  	[tilespmem:$0x5E70] =	vst v13  }
0x92: {  	[tilespmem:v12+s21+$0x0] =	vst.idx.msk $0xffff, v13  }
0x93: {  	[tilespmem:v10+s21+$0x0] =	vst.idx.msk $0xffff, v4;
	v10 =	vshrl.u32 v11, $0x3  }
0x94: {  	[tilespmem:$0x7010] =	vst v10;
	v10 =	vmov s0  }
0x95: {  	[tilespmem:s0], [sflag:$0x1] =	stream.indirect.gather [hbm4b:s29+s22], $0x80, s20, s22, $0xb8;
	v10 =	vadd.s32 $0x4E60, v10;
	[tilespmem:$0x1D900] =	vst v63  }
0x96: {  	_ =	swait.ge [sflag:s23], $0x1000;
	v10 =	vbroadcast v10, $0x0  }
0x97: {  	[sflag:s23] =	ssyncset.done $0x0  }
0x98: {  	s2 =	simm.s32 $0x40;
	[sflag:s23] =	ssyncadd.s32 $0xFFFFF000  }
0x99: {  	v14 =	vld [tilespmem:s2+$0x30]  }
0x9a: {  	v17 =	vld [tilespmem:s2+$0x10]  }
0x9b: {  	v15 =	vld [tilespmem:s2+$0xFFFFFFC0]  }
0x9c: {  	v11 =	vld.idx.msk [tilespmem:v10+s17+$0x0], $0xffff  }
0x9d: {  	v19 =	vld [tilespmem:s2+$0xFFFFFFE0]  }
0x9e: {  	v12 =	vld [tilespmem:s2+$0x20]  }
0x9f: {  	v13 =	vld [tilespmem:s2+$0xFFFFFFD0]  }
0xa0: {  	v10 =	vld [tilespmem:s2+$0xFFFFFFF0]  }
0xa1: {  	v18 =	vmul.f32 v14, v11;
	v14 =	vld [tilespmem:s2+$0x0]  }
0xa2: {  	v16 =	vmul.f32 v15, v11  }
0xa3: {  	s13 =	simm.s32 $0x1;
	s12 =	simm.s32 $0x2;
	s7 =	simm.s32 $0x40;
	v15 =	vmul.f32 v19, v11;
	v17 =	vmul.f32 v17, v11  }
.LBB2_8:
0xa4: {  	p1 =	sne.s32 s12, $0x1F  }
0xa5: {  	v19 =	vmov s13;
	v13 =	vmul.f32 v13, v11;
	v12 =	vmul.f32 v12, v11;
	[tilespmem:s2+$0x30] =	vst v18;
	s7 =	sadd.s32 $0x80, s7;
	s13 =	smov.u32 s12;
	s12 =	sadd.s32 $0x1, s12  }
0xa6: {  	v18 =	vadd.s32 $0x4E60, v19;
	[tilespmem:s2+$0xFFFFFFC0] =	vst v16;
	v16 =	vmul.f32 v10, v11;
	v11 =	vmul.f32 v14, v11  }
0xa7: {  	v14 =	vbroadcast v18, $0x0;
	[tilespmem:s2+$0x10] =	vst v17  }
0xa8: {  	[tilespmem:s2+$0xFFFFFFE0] =	vst v15  }
0xa9: {  	v10 =	vld [tilespmem:s7+$0xFFFFFFF0];
	[tilespmem:s2+$0xFFFFFFF0] =	vst v16  }
0xaa: {  	v15 =	vld [tilespmem:s7+$0x30];
	[tilespmem:s2+$0x0] =	vst v11  }
0xab: {  	v17 =	vld [tilespmem:s7+$0x10];
	[tilespmem:s2+$0x20] =	vst v12  }
0xac: {  	v16 =	vld [tilespmem:s7+$0xFFFFFFC0];
	[tilespmem:s2+$0xFFFFFFD0] =	vst v13;
	s2 =	smov.u32 s7  }
0xad: {  	v11 =	vld.idx.msk [tilespmem:v14+s17+$0x0], $0xffff  }
0xae: {  	v19 =	vld [tilespmem:s7+$0xFFFFFFE0]  }
0xaf: {  	v12 =	vld [tilespmem:s7+$0x20]  }
.Ltmp5:
0xb0: {  	v13 =	vld [tilespmem:s7+$0xFFFFFFD0];
	(pc) =	sbr.rel @p1 .LBB2_8-.Ltmp5, $3  }
0xb1: {  	v14 =	vld [tilespmem:s7+$0x0];
	_ =	sdelay $0x1  }
0xb2: {  	v16 =	vmul.f32 v16, v11;
	v18 =	vmul.f32 v15, v11  }
0xb3: {  	v17 =	vmul.f32 v17, v11;
	v15 =	vmul.f32 v19, v11  }
0xb4: {  	[tilespmem:s2+$0x30] =	vst v18;
	v55 =	vmov s13  }
0xb5: {  	[tilespmem:s2+$0xFFFFFFC0] =	vst v16;
	v16 =	vadd.s32 $0x4E60, v55  }
0xb6: {  	v10 =	vmul.f32 v10, v11;
	[tilespmem:s2+$0x10] =	vst v17;
	v56 =	vbroadcast v16, $0x0  }
0xb7: {  	s7 =	sadd.s32 $0x80, s7;
	[tilespmem:s2+$0xFFFFFFE0] =	vst v15;
	v14 =	vmul.f32 v14, v11  }
0xb8: {  	v12 =	vmul.f32 v12, v11;
	v11 =	vmul.f32 v13, v11;
	v57 =	vld [tilespmem:s7+$0xFFFFFFF0];
	[tilespmem:s2+$0xFFFFFFF0] =	vst v10  }
0xb9: {  	v10 =	vld [tilespmem:s7+$0x30];
	[tilespmem:s2+$0x0] =	vst v14  }
0xba: {  	v59 =	vld [tilespmem:s7+$0xFFFFFFC0];
	[tilespmem:s2+$0xFFFFFFD0] =	vst v11  }
0xbb: {  	v58 =	vld [tilespmem:s7+$0x10];
	[tilespmem:s2+$0x20] =	vst v12  }
0xbc: {  	v11 =	vld.idx.msk [tilespmem:v56+s17+$0x0], $0xffff;
	_ =	sdelay $0x3  }
0xbd: {  	v14 =	vld [tilespmem:s7+$0xFFFFFFE0]  }
0xbe: {  	v60 =	vld [tilespmem:s7+$0x0];
	v10 =	vmul.f32 v10, v11  }
0xbf: {  	v17 =	vld [tilespmem:s7+$0x20];
	v12 =	vmul.f32 v59, v11  }
0xc0: {  	v61 =	vld [tilespmem:s7+$0xFFFFFFD0];
	v13 =	vmul.f32 v58, v11;
	[tilespmem:s7+$0x30] =	vst v10  }
0xc1: {  	v62 =	vmul.f32 v57, v11;
	[tilespmem:s7+$0xFFFFFFC0] =	vst v12  }
0xc2: {  	v10 =	vmul.f32 v14, v11;
	[tilespmem:s7+$0x10] =	vst v13  }
0xc3: {  	v63 =	vmul.f32 v60, v11;
	[tilespmem:s7+$0xFFFFFFF0] =	vst v62  }
0xc4: {  	[tilespmem:s7+$0xFFFFFFE0] =	vst v10;
	v10 =	vmul.f32 v17, v11  }
0xc5: {  	[tilespmem:s7+$0x0] =	vst v63;
	v11 =	vmul.f32 v61, v11  }
0xc6: {  	[tilespmem:s7+$0x20] =	vst v10  }
0xc7: {  	[tilespmem:s7+$0xFFFFFFD0] =	vst v11  }
0xc8: {  	[spmem:s3] =	stream.indirect.scatter.add.f32 [tilespmem:s5], [sflag:$0x2], $0x80, s19, s22, $0xb8;
	[tilespmem:$0x1D900] =	vst v63  }
0xc9: {  	_ =	swait.ge [sflag:s18], $0x1000  }
0xca: {  	[sflag:s18] =	ssyncset.done $0x0  }
0xcb: {  	[sflag:s18] =	ssyncadd.s32 $0xFFFFF000  }
0xcc: {  	[spmem:s4] =	stream.indirect.scatter.add.f32 [tilespmem:s21], [sflag:$0x2], $0x80, s24, s22, $0xb8;
	[tilespmem:$0x1D900] =	vst v63  }
0xcd: {  	_ =	swait.ge [sflag:s18], $0x1000  }
0xce: {  	[sflag:s18] =	ssyncset.done $0x0  }
0xcf: {  	[sflag:s18] =	ssyncadd.s32 $0xFFFFF000  }
0xd0: {  	v10 =	vld [tilespmem:$0x6F00];
	_ =	sdelay $0x4  }
0xd1: {  	v10 =	vshll.u32 v10, $0x4  }
0xd2: {  	v10 =	vand.u32 $0x70, v10  }
0xd3: {  	v11 =	vor.u32 v1, v10  }
0xd4: {  	v10 =	vor.u32 v3, v10;
	_ =	sdelay $0x3  }
0xd5: {  	[tilespmem:v11+s21+$0x0] =	vst.idx.msk $0xffff, v2  }
0xd6: {  	[tilespmem:v10+s21+$0x0] =	vst.idx.msk $0xffff, v2  }
0xd7: {  	v10 =	vld [tilespmem:$0x6F10];
	_ =	sdelay $0x4  }
0xd8: {  	v10 =	vshll.u32 v10, $0x4  }
0xd9: {  	v10 =	vand.u32 $0x70, v10  }
0xda: {  	s1 =	sadd.s32 $0x1, s1;
	v11 =	vor.u32 v5, v10  }
0xdb: {  	p1 =	seq.s32 s1, $0x271;
	v10 =	vor.u32 v7, v10  }
.Ltmp6:
0xdc: {  	_ = 	snop;
	(pc) =	sbr.rel @!p1 .LBB2_7-.Ltmp6, $3  }
0xdd: {  	_ =	sdelay $0x1  }
0xde: {  	[tilespmem:v11+s21+$0x0] =	vst.idx.msk $0xffff, v2  }
0xdf: {  	[tilespmem:v10+s21+$0x0] =	vst.idx.msk $0xffff, v2  }
.Ltmp7:
0xe0: {  	(pc) =	sbr.rel .LBB2_11-.Ltmp7, $3  }
0xe1: {  	_ =	sdelay $0x1  }
0xe2: {  	[bflag:$0x0] =	sbarrier.arrive $0xFFFF  }
0xe3: {  	s2 =	simm.s32 $0x0;
	s16 =	rddreg [dreg:$0xa]  }
.LBB2_15:
0xe4: {  	s2 =	sadd.s32 $0x1, s2  }
0xe5: {  	p1 =	seq.s32 s2, $0x28  }
.Ltmp8:
0xe6: {  	_ = 	snop;
	(pc) =	sbr.rel @p1 .LBB2_28-.Ltmp8, $2  }
0xe7: {  	_ =	sdelay $0x2  }
0xe8: {  	s16 =	sadd.s32 $0x100, s16  }
.LBB2_11:
0xe9: {  	s0 =	sshll.u32 s2, $0x4  }
0xea: {  	s0 =	sor.u32 s9, s0  }
0xeb: {  	p1 =	sgt.u32 s0, $0x270  }
.Ltmp9:
0xec: {  	_ = 	snop;
	(pc) =	sbr.rel @p1 .LBB2_15-.Ltmp9, $1  }
0xed: {  	_ =	sdelay $0x3  }
0xee: {  	s1 =	sshll.u32 s0, $0x4  }
0xef: {  	v10 =	vor.u32 s1, v0  }
0xf0: {  	[tilespmem:$0x7080] =	vst v10  }
0xf1: {  	[tilespmem:s28], [sflag:$0x1] =	stream.indirect.gather [spmem:s3], $0x80, s26, s25, $0xb8;
	[tilespmem:$0x1D900] =	vst v63  }
0xf2: {  	_ =	swait.ge [sflag:s23], $0x800  }
0xf3: {  	[sflag:s23] =	ssyncset.done $0x0  }
0xf4: {  	v10 =	vshrl.u32 v10, $0x3;
	[sflag:s23] =	ssyncadd.s32 $0xFFFFF800  }
0xf5: {  	s7 =	simm.s32 $0x5F00;
	s13 =	sshll.u32 s16, $0x1;
	[tilespmem:$0x7080] =	vst v10  }
0xf6: {  	[tilespmem:s7], [sflag:$0x1] =	stream.indirect.gather [spmem:s4], $0x80, s26, s25, $0xb8;
	[tilespmem:$0x1D900] =	vst v63  }
0xf7: {  	s15 =	sshll.u32 s0, $0x8;
	s6 =	smov.u32 s29;
	_ =	swait.ge [sflag:s23], $0x800  }
0xf8: {  	s30 =	simm.s32 $0x800;
	s0 =	sadd.s32 s29, s15;
	v10 =	vmov s13;
	[sflag:s23] =	ssyncset.done $0x0  }
0xf9: {  	s29 =	simm.s32 $0x0;
	s1 =	simm.s32 $0x3;
	v11 =	vor.u32 $0x1, v10;
	[sflag:s23] =	ssyncadd.s32 $0xFFFFF800  }
0xfa: {  	[tilespmem:s30], [sflag:$0x3] =	stream.linear.gather [hbm4b:s0+s29], $0x800, $0x38;
	[tilespmem:$0x1D900] =	vst v63  }
0xfb: {  	_ =	swait.ge [sflag:s1], $0x800  }
0xfc: {  	[sflag:s1] =	ssyncset.done $0x0  }
0xfd: {  	s12 =	sand.u32 $0x7, s29;
	[sflag:s1] =	ssyncadd.s32 $0xFFFFF800  }
0xfe: {  	s0 =	sshll.u32 s12, $0x4;
	v11 =	vld.idx.msk [tilespmem:v11+s17+$0x0], $0xffff  }
0xff: {  	s0 =	sadd.s32 $0x5F00, s0;
	v10 =	vld.idx.msk [tilespmem:v10+s17+$0x0], $0xffff  }
0x100: {  	v12 =	vld [tilespmem:s0+$0x0];
	_ =	sdelay $0x3  }
0x101: {  	v10 =	vadd.f32 v11, v10  }
0x102: {  	v11 =	vmul.f32 v8, v12  }
0x103: {  	v12 =	vmul.f32 v6, v12;
	v13 =	vmul.f32 $5.000000070e-02, v10  }
0x104: {  	(xrf2) =	vadd.scan.msk.f32 $0xffff, v11;
	vm0 =	vge.f32 v10, $0.0e+00  }
0x105: {  	(xrf2) =	vadd.scan.msk.f32 $0xffff, v12;
	v10 =	vsel vm0, v10, v13  }
0x106: {  	v10 =	vmul.f32 $1.442695020e+00, v10;
	_ =	sdelay $0x1  }
0x107: {  	(erf) = vpow2.f32 v10;
	_ =	sdelay $0x5  }
0x108: {  	v10, _, _ =	vpop (xrf2)  }
0x109: {  	v10 =	vadd.f32 $1.000000000e+00, v10;
	v11, _, _ =	vpop (xrf2)  }
0x10a: {  	v11 =	vbroadcast v11, $0xF  }
0x10b: {  	v10 =	vmax.f32 v10, $1.000000000e+00;
	v12 =	vpop (erf)  }
0x10c: {  	v10 =	vbroadcast v10, $0xF;
	v11 =	vadd.f32 v12, v11;
	_ =	sdelay $0x1  }
0x10d: {  	v10 =	vmul.f32 v11, v10;
	_ =	sdelay $0x1  }
0x10e: {  	(erf) = vrcp.f32 v10  }
0x10f: {  	s13 =	simm.s32 $0x870  }
0x110: {  	v10 =	vld [tilespmem:s13+$0xFFFFFF90]  }
0x111: {  	s0 =	simm.s32 $0x7140  }
0x112: {  	v13 =	vld [tilespmem:s0+$0xFFFFFFC0];
	_ =	sdelay $0x2  }
0x113: {  	v10 =	vmul.f32 v12, v10;
	_ =	sdelay $0x1  }
0x114: {  	vm0 =	vgt.f32 v11, $0.0e+00;
	v10 =	vadd.f32 v10, v13;
	v11 =	vpop (erf)  }
0x115: {  	v11 =	vnsel vm0, $0x0, v11  }
0x116: {  	v10 =	vmul.f32 v11, v10;
	_ =	sdelay $0x1  }
0x117: {  	v13 =	vmul.f32 $5.000000070e-02, v10  }
0x118: {  	vm0 =	vge.f32 v10, $0.0e+00  }
0x119: {  	v10 =	vsel vm0, v10, v13  }
0x11a: {  	[tilespmem:s0+$0xFFFFFFC0] =	vst v10  }
0x11b: {  	v10 =	vld [tilespmem:s13+$0xFFFFFFA0];
	_ =	sdelay $0x1  }
0x11c: {  	v13 =	vld [tilespmem:s0+$0xFFFFFFD0];
	_ =	sdelay $0x2  }
0x11d: {  	v10 =	vmul.f32 v10, v12;
	_ =	sdelay $0x1  }
0x11e: {  	v10 =	vadd.f32 v10, v13;
	_ =	sdelay $0x1  }
0x11f: {  	v10 =	vmul.f32 v11, v10;
	_ =	sdelay $0x1  }
0x120: {  	v13 =	vmul.f32 $5.000000070e-02, v10  }
0x121: {  	vm0 =	vge.f32 v10, $0.0e+00  }
0x122: {  	v10 =	vsel vm0, v10, v13  }
0x123: {  	[tilespmem:s0+$0xFFFFFFD0] =	vst v10  }
0x124: {  	v10 =	vld [tilespmem:s13+$0xFFFFFFB0];
	_ =	sdelay $0x1  }
0x125: {  	v13 =	vld [tilespmem:s0+$0xFFFFFFE0];
	_ =	sdelay $0x2  }
0x126: {  	v10 =	vmul.f32 v10, v12;
	_ =	sdelay $0x1  }
0x127: {  	v10 =	vadd.f32 v10, v13;
	_ =	sdelay $0x1  }
0x128: {  	v10 =	vmul.f32 v10, v11;
	_ =	sdelay $0x1  }
0x129: {  	v13 =	vmul.f32 $5.000000070e-02, v10  }
0x12a: {  	vm0 =	vge.f32 v10, $0.0e+00  }
0x12b: {  	v10 =	vsel vm0, v10, v13  }
0x12c: {  	[tilespmem:s0+$0xFFFFFFE0] =	vst v10  }
0x12d: {  	v10 =	vld [tilespmem:s13+$0xFFFFFFC0];
	_ =	sdelay $0x1  }
0x12e: {  	v13 =	vld [tilespmem:s0+$0xFFFFFFF0];
	_ =	sdelay $0x2  }
0x12f: {  	v10 =	vmul.f32 v10, v12;
	_ =	sdelay $0x1  }
0x130: {  	v10 =	vadd.f32 v10, v13;
	_ =	sdelay $0x1  }
0x131: {  	v10 =	vmul.f32 v10, v11;
	_ =	sdelay $0x1  }
0x132: {  	v13 =	vmul.f32 $5.000000070e-02, v10  }
0x133: {  	vm0 =	vge.f32 v10, $0.0e+00  }
0x134: {  	v10 =	vsel vm0, v10, v13  }
0x135: {  	[tilespmem:s0+$0xFFFFFFF0] =	vst v10  }
0x136: {  	v10 =	vld [tilespmem:s13+$0xFFFFFFD0];
	_ =	sdelay $0x1  }
0x137: {  	v13 =	vld [tilespmem:s0+$0x0];
	_ =	sdelay $0x2  }
0x138: {  	v10 =	vmul.f32 v10, v12;
	_ =	sdelay $0x1  }
0x139: {  	v10 =	vadd.f32 v10, v13;
	_ =	sdelay $0x1  }
0x13a: {  	v10 =	vmul.f32 v10, v11;
	_ =	sdelay $0x1  }
0x13b: {  	v13 =	vmul.f32 $5.000000070e-02, v10  }
0x13c: {  	vm0 =	vge.f32 v10, $0.0e+00  }
0x13d: {  	v10 =	vsel vm0, v10, v13  }
0x13e: {  	[tilespmem:s0+$0x0] =	vst v10  }
0x13f: {  	v10 =	vld [tilespmem:s13+$0xFFFFFFE0];
	_ =	sdelay $0x1  }
0x140: {  	v13 =	vld [tilespmem:s0+$0x10];
	_ =	sdelay $0x2  }
0x141: {  	v10 =	vmul.f32 v10, v12;
	_ =	sdelay $0x1  }
0x142: {  	v10 =	vadd.f32 v10, v13;
	_ =	sdelay $0x1  }
0x143: {  	v10 =	vmul.f32 v10, v11;
	_ =	sdelay $0x1  }
0x144: {  	v13 =	vmul.f32 $5.000000070e-02, v10  }
0x145: {  	vm0 =	vge.f32 v10, $0.0e+00  }
0x146: {  	v10 =	vsel vm0, v10, v13  }
0x147: {  	[tilespmem:s0+$0x10] =	vst v10  }
0x148: {  	v10 =	vld [tilespmem:s13+$0xFFFFFFF0];
	_ =	sdelay $0x1  }
0x149: {  	v13 =	vld [tilespmem:s0+$0x20];
	_ =	sdelay $0x2  }
0x14a: {  	v10 =	vmul.f32 v10, v12;
	_ =	sdelay $0x1  }
0x14b: {  	v10 =	vadd.f32 v10, v13;
	_ =	sdelay $0x1  }
0x14c: {  	v10 =	vmul.f32 v10, v11;
	_ =	sdelay $0x1  }
0x14d: {  	v13 =	vmul.f32 $5.000000070e-02, v10  }
0x14e: {  	vm0 =	vge.f32 v10, $0.0e+00  }
0x14f: {  	v10 =	vsel vm0, v10, v13  }
0x150: {  	[tilespmem:s0+$0x20] =	vst v10  }
0x151: {  	v10 =	vld [tilespmem:s13+$0x0];
	_ =	sdelay $0x1  }
0x152: {  	v13 =	vld [tilespmem:s0+$0x30];
	_ =	sdelay $0x2  }
0x153: {  	v10 =	vmul.f32 v10, v12;
	_ =	sdelay $0x1  }
0x154: {  	s13 =	sadd.s32 $0x1, s16;
	v10 =	vadd.f32 v10, v13  }
0x155: {  	s30 =	sshll.u32 s13, $0x1  }
0x156: {  	v12 =	vmul.f32 v10, v11;
	v10 =	vmov s30  }
0x157: {  	v11 =	vor.u32 $0x1, v10  }
0x158: {  	s31 =	simm.s32 $0x20;
	s12 =	simm.s32 $0x8F0;
	s1 =	simm.s32 $0x7140;
	vm0 =	vge.f32 v12, $0.0e+00;
	v13 =	vmul.f32 $5.000000070e-02, v12  }
.LBB2_13:
0x159: {  	s0 =	sadd.s32 $0x80, s0;
	s7 =	sadd.s32 $0x80, s7;
	s29 =	sadd.s32 $0x1, s29  }
0x15a: {  	p1 =	sne.s32 s31, $0xF0;
	s31 =	sadd.s32 $0x10, s31;
	v12 =	vsel vm0, v12, v13  }
0x15b: {  	s30 =	sand.u32 $0x7, s29;
	[tilespmem:s1+$0x30] =	vst v12;
	s1 =	smov.u32 s0  }
0x15c: {  	s30 =	sshll.u32 s30, $0x4;
	v11 =	vld.idx.msk [tilespmem:v11+s17+$0x0], $0xffff  }
0x15d: {  	s30 =	sadd.s32 s30, s7;
	v10 =	vld.idx.msk [tilespmem:v10+s17+$0x0], $0xffff  }
0x15e: {  	v12 =	vld [tilespmem:s30+$0x0];
	_ =	sdelay $0x4  }
0x15f: {  	v10 =	vadd.f32 v11, v10;
	v13 =	vmul.f32 v6, v12;
	v12 =	vmul.f32 v8, v12;
	_ =	sdelay $0x1  }
0x160: {  	v11 =	vmul.f32 $5.000000070e-02, v10;
	(xrf2) =	vadd.scan.msk.f32 $0xffff, v12  }
0x161: {  	vm0 =	vge.f32 v10, $0.0e+00  }
0x162: {  	v10 =	vsel vm0, v10, v11  }
0x163: {  	v10 =	vmul.f32 $1.442695020e+00, v10;
	(xrf2) =	vadd.scan.msk.f32 $0xffff, v13;
	_ =	sdelay $0x2  }
0x164: {  	(erf) = vpow2.f32 v10;
	_ =	sdelay $0x3  }
0x165: {  	v10, _, _ =	vpop (xrf2)  }
0x166: {  	v13 =	vadd.f32 $1.000000000e+00, v10;
	v11 =	vld [tilespmem:s12+$0xFFFFFF90];
	_ =	sdelay $0x1  }
0x167: {  	v12 =	vmax.f32 v13, $1.000000000e+00;
	v10, _, _ =	vpop (xrf2)  }
0x168: {  	v13 =	vbroadcast v10, $0xF  }
0x169: {  	v10 =	vpop (erf)  }
0x16a: {  	v12 =	vbroadcast v12, $0xF;
	v13 =	vadd.f32 v10, v13;
	v11 =	vmul.f32 v10, v11;
	_ =	sdelay $0x1  }
0x16b: {  	v12 =	vmul.f32 v13, v12;
	_ =	sdelay $0x1  }
0x16c: {  	(erf) = vrcp.f32 v12;
	_ =	sdelay $0x3  }
0x16d: {  	v12 =	vld [tilespmem:s0+$0xFFFFFFC0];
	_ =	sdelay $0x4  }
0x16e: {  	vm0 =	vgt.f32 v13, $0.0e+00;
	v12 =	vadd.f32 v11, v12;
	v11 =	vpop (erf)  }
0x16f: {  	v11 =	vnsel vm0, $0x0, v11  }
0x170: {  	v12 =	vmul.f32 v11, v12;
	_ =	sdelay $0x1  }
0x171: {  	v13 =	vmul.f32 $5.000000070e-02, v12  }
0x172: {  	vm0 =	vge.f32 v12, $0.0e+00  }
0x173: {  	v12 =	vsel vm0, v12, v13  }
0x174: {  	[tilespmem:s0+$0xFFFFFFC0] =	vst v12  }
0x175: {  	v12 =	vld [tilespmem:s12+$0xFFFFFFA0];
	_ =	sdelay $0x1  }
0x176: {  	v13 =	vld [tilespmem:s0+$0xFFFFFFD0];
	_ =	sdelay $0x2  }
0x177: {  	v12 =	vmul.f32 v12, v10;
	_ =	sdelay $0x1  }
0x178: {  	v12 =	vadd.f32 v12, v13;
	_ =	sdelay $0x1  }
0x179: {  	v12 =	vmul.f32 v11, v12;
	_ =	sdelay $0x1  }
0x17a: {  	v13 =	vmul.f32 $5.000000070e-02, v12  }
0x17b: {  	vm0 =	vge.f32 v12, $0.0e+00  }
0x17c: {  	v12 =	vsel vm0, v12, v13  }
0x17d: {  	[tilespmem:s0+$0xFFFFFFD0] =	vst v12  }
0x17e: {  	v12 =	vld [tilespmem:s12+$0xFFFFFFB0];
	_ =	sdelay $0x1  }
0x17f: {  	v13 =	vld [tilespmem:s0+$0xFFFFFFE0];
	_ =	sdelay $0x2  }
0x180: {  	v12 =	vmul.f32 v12, v10;
	_ =	sdelay $0x1  }
0x181: {  	v12 =	vadd.f32 v12, v13;
	_ =	sdelay $0x1  }
0x182: {  	v12 =	vmul.f32 v12, v11;
	_ =	sdelay $0x1  }
0x183: {  	v13 =	vmul.f32 $5.000000070e-02, v12  }
0x184: {  	vm0 =	vge.f32 v12, $0.0e+00  }
0x185: {  	v12 =	vsel vm0, v12, v13  }
0x186: {  	[tilespmem:s0+$0xFFFFFFE0] =	vst v12  }
0x187: {  	v12 =	vld [tilespmem:s12+$0xFFFFFFC0];
	_ =	sdelay $0x1  }
0x188: {  	v13 =	vld [tilespmem:s0+$0xFFFFFFF0];
	_ =	sdelay $0x2  }
0x189: {  	v12 =	vmul.f32 v12, v10;
	_ =	sdelay $0x1  }
0x18a: {  	v12 =	vadd.f32 v12, v13;
	_ =	sdelay $0x1  }
0x18b: {  	v12 =	vmul.f32 v12, v11;
	_ =	sdelay $0x1  }
0x18c: {  	v13 =	vmul.f32 $5.000000070e-02, v12  }
0x18d: {  	vm0 =	vge.f32 v12, $0.0e+00  }
0x18e: {  	v12 =	vsel vm0, v12, v13  }
0x18f: {  	[tilespmem:s0+$0xFFFFFFF0] =	vst v12  }
0x190: {  	v12 =	vld [tilespmem:s12+$0xFFFFFFD0];
	_ =	sdelay $0x1  }
0x191: {  	v13 =	vld [tilespmem:s0+$0x0];
	_ =	sdelay $0x2  }
0x192: {  	v12 =	vmul.f32 v12, v10;
	_ =	sdelay $0x1  }
0x193: {  	v12 =	vadd.f32 v12, v13;
	_ =	sdelay $0x1  }
0x194: {  	v12 =	vmul.f32 v12, v11;
	_ =	sdelay $0x1  }
0x195: {  	v13 =	vmul.f32 $5.000000070e-02, v12  }
0x196: {  	vm0 =	vge.f32 v12, $0.0e+00  }
0x197: {  	v12 =	vsel vm0, v12, v13  }
0x198: {  	[tilespmem:s0+$0x0] =	vst v12  }
0x199: {  	v12 =	vld [tilespmem:s12+$0xFFFFFFE0];
	_ =	sdelay $0x1  }
0x19a: {  	v13 =	vld [tilespmem:s0+$0x10];
	_ =	sdelay $0x2  }
0x19b: {  	v12 =	vmul.f32 v12, v10;
	_ =	sdelay $0x1  }
0x19c: {  	v12 =	vadd.f32 v12, v13;
	_ =	sdelay $0x1  }
0x19d: {  	v12 =	vmul.f32 v12, v11;
	_ =	sdelay $0x1  }
0x19e: {  	v13 =	vmul.f32 $5.000000070e-02, v12  }
0x19f: {  	vm0 =	vge.f32 v12, $0.0e+00  }
0x1a0: {  	v12 =	vsel vm0, v12, v13  }
0x1a1: {  	[tilespmem:s0+$0x10] =	vst v12  }
0x1a2: {  	v12 =	vld [tilespmem:s12+$0xFFFFFFF0];
	_ =	sdelay $0x1  }
0x1a3: {  	v13 =	vld [tilespmem:s0+$0x20];
	_ =	sdelay $0x2  }
0x1a4: {  	v12 =	vmul.f32 v12, v10;
	_ =	sdelay $0x1  }
0x1a5: {  	v12 =	vadd.f32 v12, v13;
	_ =	sdelay $0x1  }
0x1a6: {  	v12 =	vmul.f32 v12, v11;
	_ =	sdelay $0x1  }
0x1a7: {  	v13 =	vmul.f32 $5.000000070e-02, v12  }
0x1a8: {  	vm0 =	vge.f32 v12, $0.0e+00  }
0x1a9: {  	v12 =	vsel vm0, v12, v13  }
0x1aa: {  	[tilespmem:s0+$0x20] =	vst v12  }
0x1ab: {  	v12 =	vld [tilespmem:s12+$0x0];
	_ =	sdelay $0x1  }
0x1ac: {  	v13 =	vld [tilespmem:s0+$0x30];
	_ =	sdelay $0x2  }
0x1ad: {  	v10 =	vmul.f32 v12, v10;
	_ =	sdelay $0x1  }
.Ltmp10:
0x1ae: {  	s13 =	sadd.s32 $0x1, s13;
	v12 =	vadd.f32 v10, v13;
	(pc) =	sbr.rel @p1 .LBB2_13-.Ltmp10, $4  }
0x1af: {  	s30 =	sshll.u32 s13, $0x1  }
0x1b0: {  	v10 =	vmov s30;
	v12 =	vmul.f32 v12, v11  }
0x1b1: {  	v11 =	vor.u32 $0x1, v10  }
0x1b2: {  	s12 =	sadd.s32 $0x80, s12;
	vm0 =	vge.f32 v12, $0.0e+00;
	v13 =	vmul.f32 $5.000000070e-02, v12  }
0x1b3: {  	_ =	sdelay $0x1  }
0x1b4: {  	s13 =	sadd.s32 $0x1, s29;
	v12 =	vsel vm0, v12, v13  }
0x1b5: {  	s13 =	sand.u32 $0x7, s13;
	[tilespmem:s1+$0x30] =	vst v12  }
0x1b6: {  	s7 =	sadd.s32 $0x80, s7;
	s13 =	sshll.u32 s13, $0x4;
	v11 =	vld.idx.msk [tilespmem:v11+s17+$0x0], $0xffff  }
0x1b7: {  	s1 =	sadd.s32 s13, s7;
	v10 =	vld.idx.msk [tilespmem:v10+s17+$0x0], $0xffff  }
0x1b8: {  	v12 =	vld [tilespmem:s1+$0x0];
	_ =	sdelay $0x3  }
0x1b9: {  	v10 =	vadd.f32 v11, v10  }
0x1ba: {  	v11 =	vmul.f32 v8, v12  }
0x1bb: {  	v12 =	vmul.f32 v6, v12;
	v47 =	vmul.f32 $5.000000070e-02, v10  }
0x1bc: {  	vm6 =	vge.f32 v10, $0.0e+00;
	(xrf2) =	vadd.scan.msk.f32 $0xffff, v11  }
0x1bd: {  	v10 =	vsel vm6, v10, v47;
	(xrf2) =	vadd.scan.msk.f32 $0xffff, v12  }
0x1be: {  	v10 =	vmul.f32 $1.442695020e+00, v10;
	_ =	sdelay $0x1  }
0x1bf: {  	(erf) = vpow2.f32 v10;
	_ =	sdelay $0x5  }
0x1c0: {  	v10, _, _ =	vpop (xrf2)  }
0x1c1: {  	v10 =	vadd.f32 $1.000000000e+00, v10;
	v11, _, _ =	vpop (xrf2)  }
0x1c2: {  	v11 =	vbroadcast v11, $0xF  }
0x1c3: {  	v10 =	vmax.f32 v10, $1.000000000e+00;
	v48 =	vpop (erf)  }
0x1c4: {  	v11 =	vadd.f32 v48, v11;
	v10 =	vbroadcast v10, $0xF;
	_ =	sdelay $0x1  }
0x1c5: {  	v10 =	vmul.f32 v11, v10;
	_ =	sdelay $0x1  }
0x1c6: {  	(erf) = vrcp.f32 v10;
	_ =	sdelay $0x1  }
0x1c7: {  	v10 =	vld [tilespmem:s12+$0xFFFFFF90]  }
0x1c8: {  	s0 =	sadd.s32 $0x80, s0  }
0x1c9: {  	v49 =	vld [tilespmem:s0+$0xFFFFFFC0];
	_ =	sdelay $0x2  }
0x1ca: {  	v10 =	vmul.f32 v48, v10;
	_ =	sdelay $0x1  }
0x1cb: {  	vm7 =	vgt.f32 v11, $0.0e+00;
	v10 =	vadd.f32 v10, v49;
	v11 =	vpop (erf)  }
0x1cc: {  	v11 =	vnsel vm7, $0x0, v11  }
0x1cd: {  	v10 =	vmul.f32 v11, v10;
	_ =	sdelay $0x1  }
0x1ce: {  	v50 =	vmul.f32 $5.000000070e-02, v10  }
0x1cf: {  	vm8 =	vge.f32 v10, $0.0e+00  }
0x1d0: {  	v10 =	vsel vm8, v10, v50  }
0x1d1: {  	[tilespmem:s0+$0xFFFFFFC0] =	vst v10  }
0x1d2: {  	v10 =	vld [tilespmem:s12+$0xFFFFFFA0];
	_ =	sdelay $0x1  }
0x1d3: {  	v51 =	vld [tilespmem:s0+$0xFFFFFFD0];
	_ =	sdelay $0x2  }
0x1d4: {  	v10 =	vmul.f32 v10, v48;
	_ =	sdelay $0x1  }
0x1d5: {  	v10 =	vadd.f32 v10, v51;
	_ =	sdelay $0x1  }
0x1d6: {  	v10 =	vmul.f32 v11, v10;
	_ =	sdelay $0x1  }
0x1d7: {  	v52 =	vmul.f32 $5.000000070e-02, v10  }
0x1d8: {  	vm9 =	vge.f32 v10, $0.0e+00  }
0x1d9: {  	v10 =	vsel vm9, v10, v52  }
0x1da: {  	[tilespmem:s0+$0xFFFFFFD0] =	vst v10  }
0x1db: {  	v10 =	vld [tilespmem:s12+$0xFFFFFFB0];
	_ =	sdelay $0x1  }
0x1dc: {  	v53 =	vld [tilespmem:s0+$0xFFFFFFE0];
	_ =	sdelay $0x2  }
0x1dd: {  	v10 =	vmul.f32 v10, v48;
	_ =	sdelay $0x1  }
0x1de: {  	v10 =	vadd.f32 v10, v53;
	_ =	sdelay $0x1  }
0x1df: {  	v10 =	vmul.f32 v10, v11;
	_ =	sdelay $0x1  }
0x1e0: {  	v54 =	vmul.f32 $5.000000070e-02, v10  }
0x1e1: {  	vm10 =	vge.f32 v10, $0.0e+00  }
0x1e2: {  	v10 =	vsel vm10, v10, v54  }
0x1e3: {  	[tilespmem:s0+$0xFFFFFFE0] =	vst v10  }
0x1e4: {  	v10 =	vld [tilespmem:s12+$0xFFFFFFC0];
	_ =	sdelay $0x1  }
0x1e5: {  	v55 =	vld [tilespmem:s0+$0xFFFFFFF0];
	_ =	sdelay $0x2  }
0x1e6: {  	v10 =	vmul.f32 v10, v48;
	_ =	sdelay $0x1  }
0x1e7: {  	v10 =	vadd.f32 v10, v55;
	_ =	sdelay $0x1  }
0x1e8: {  	v10 =	vmul.f32 v10, v11;
	_ =	sdelay $0x1  }
0x1e9: {  	v56 =	vmul.f32 $5.000000070e-02, v10  }
0x1ea: {  	vm11 =	vge.f32 v10, $0.0e+00  }
0x1eb: {  	v10 =	vsel vm11, v10, v56  }
0x1ec: {  	[tilespmem:s0+$0xFFFFFFF0] =	vst v10  }
0x1ed: {  	v10 =	vld [tilespmem:s12+$0xFFFFFFD0];
	_ =	sdelay $0x1  }
0x1ee: {  	v57 =	vld [tilespmem:s0+$0x0];
	_ =	sdelay $0x2  }
0x1ef: {  	v10 =	vmul.f32 v10, v48;
	_ =	sdelay $0x1  }
0x1f0: {  	v10 =	vadd.f32 v10, v57;
	_ =	sdelay $0x1  }
0x1f1: {  	v10 =	vmul.f32 v10, v11;
	_ =	sdelay $0x1  }
0x1f2: {  	v58 =	vmul.f32 $5.000000070e-02, v10  }
0x1f3: {  	vm12 =	vge.f32 v10, $0.0e+00  }
0x1f4: {  	v10 =	vsel vm12, v10, v58  }
0x1f5: {  	[tilespmem:s0+$0x0] =	vst v10  }
0x1f6: {  	v10 =	vld [tilespmem:s12+$0xFFFFFFE0];
	_ =	sdelay $0x1  }
0x1f7: {  	v59 =	vld [tilespmem:s0+$0x10];
	_ =	sdelay $0x2  }
0x1f8: {  	v10 =	vmul.f32 v10, v48;
	_ =	sdelay $0x1  }
0x1f9: {  	v10 =	vadd.f32 v10, v59;
	_ =	sdelay $0x1  }
0x1fa: {  	v10 =	vmul.f32 v10, v11;
	_ =	sdelay $0x1  }
0x1fb: {  	v60 =	vmul.f32 $5.000000070e-02, v10  }
0x1fc: {  	vm13 =	vge.f32 v10, $0.0e+00  }
0x1fd: {  	v10 =	vsel vm13, v10, v60  }
0x1fe: {  	[tilespmem:s0+$0x10] =	vst v10  }
0x1ff: {  	v10 =	vld [tilespmem:s12+$0xFFFFFFF0];
	_ =	sdelay $0x1  }
0x200: {  	v61 =	vld [tilespmem:s0+$0x20];
	_ =	sdelay $0x2  }
0x201: {  	v10 =	vmul.f32 v10, v48;
	_ =	sdelay $0x1  }
0x202: {  	v10 =	vadd.f32 v10, v61;
	_ =	sdelay $0x1  }
0x203: {  	v10 =	vmul.f32 v10, v11;
	_ =	sdelay $0x1  }
0x204: {  	v62 =	vmul.f32 $5.000000070e-02, v10  }
0x205: {  	vm14 =	vge.f32 v10, $0.0e+00  }
0x206: {  	v10 =	vsel vm14, v10, v62  }
0x207: {  	[tilespmem:s0+$0x20] =	vst v10  }
0x208: {  	v10 =	vld [tilespmem:s12+$0x0];
	_ =	sdelay $0x1  }
0x209: {  	v63 =	vld [tilespmem:s0+$0x30];
	_ =	sdelay $0x2  }
0x20a: {  	v10 =	vmul.f32 v10, v48;
	_ =	sdelay $0x1  }
0x20b: {  	v10 =	vadd.f32 v10, v63;
	_ =	sdelay $0x1  }
0x20c: {  	v10 =	vmul.f32 v10, v11;
	_ =	sdelay $0x1  }
0x20d: {  	v11 =	vmul.f32 $5.000000070e-02, v10  }
0x20e: {  	vm15 =	vge.f32 v10, $0.0e+00  }
0x20f: {  	s31 =	rddreg [dreg:$0x7];
	v10 =	vsel vm15, v10, v11  }
.Ltmp11:
0x210: {  	[tilespmem:s0+$0x30] =	vst v10;
	s0 =	sadd.s32 s31, s15;
	(pc) =	sbr.rel .LBB2_15-.Ltmp11, $4  }
0x211: {  	[hbm4b:s0+s5] =	stream.linear.scatter [tilespmem:s28], [sflag:$0x2], $0x800, $0x38;
	[tilespmem:$0x1D900] =	vst v63  }
0x212: {  	_ =	swait.ge [sflag:s18], $0x800  }
0x213: {  	[sflag:s18] =	ssyncset.done $0x0  }
0x214: {  	s29 =	smov.u32 s6;
	s30 =	simm.s32 $0x5E20;
	[sflag:s18] =	ssyncadd.s32 $0xFFFFF800  }
.LBB2_16:
0x215: {  	s2 =	simm.s32 $0x0;
	s0 =	rddreg [dreg:$0x6]  }
0x216: {  	[tilespmem:s17], [sflag:$0x2] =	stream.linear.gather [hbm4b:s0+s2], $0x2710, $0x38;
	[tilespmem:$0x1D900] =	vst v63  }
0x217: {  	_ =	swait.ge [sflag:s18], $0x2710  }
0x218: {  	[sflag:s18] =	ssyncset.done $0x0  }
0x219: {  	s7 =	simm.s32 $0x0;
	[sflag:s18] =	ssyncadd.s32 $0xFFFFD8F0  }
.LBB2_17:
0x21a: {  	s0 =	sshll.u32 s7, $0x4  }
0x21b: {  	s0 =	sor.u32 s9, s0  }
0x21c: {  	s1 =	sshll.u32 s0, $0x2  }
0x21d: {  	s12 =	sadd.s32 s10, s1  }
0x21e: {  	[tilespmem:s19], [sflag:$0x2] =	stream.linear.gather [hbm4b:s12+s2], $0x20, $0x38;
	[tilespmem:$0x1D900] =	vst v63  }
0x21f: {  	_ =	swait.ge [sflag:s18], $0x20  }
0x220: {  	[sflag:s18] =	ssyncset.done $0x0  }
0x221: {  	s31 =	sadd.s32 s11, s1;
	[sflag:s18] =	ssyncadd.s32 $0xFFFFFFE0  }
0x222: {  	[tilespmem:s20], [sflag:$0x2] =	stream.linear.gather [hbm4b:s31+s2], $0x20, $0x38;
	[tilespmem:$0x1D900] =	vst v63  }
0x223: {  	_ =	swait.ge [sflag:s18], $0x20  }
0x224: {  	[sflag:s18] =	ssyncset.done $0x0  }
0x225: {  	s1 =	sadd.s32 s8, s1;
	[sflag:s18] =	ssyncadd.s32 $0xFFFFFFE0  }
0x226: {  	[tilespmem:s30], [sflag:$0x2] =	stream.linear.gather [hbm4b:s1+s2], $0x20, $0x38;
	[tilespmem:$0x1D900] =	vst v63  }
0x227: {  	_ =	swait.ge [sflag:s18], $0x20  }
0x228: {  	s0 =	sshll.u32 s0, $0x9;
	[sflag:s18] =	ssyncset.done $0x0  }
0x229: {  	s0 =	sadd.s32 s16, s0;
	[sflag:s18] =	ssyncadd.s32 $0xFFFFFFE0  }
0x22a: {  	[tilespmem:s2], [sflag:$0x2] =	stream.linear.gather [hbm4b:s0+s2], $0x1000, $0x38;
	[tilespmem:$0x1D900] =	vst v63  }
0x22b: {  	_ =	swait.ge [sflag:s18], $0x1000  }
0x22c: {  	[sflag:s18] =	ssyncset.done $0x0  }
0x22d: {  	[sflag:s18] =	ssyncadd.s32 $0xFFFFF000  }
0x22e: {  	v10 =	vld [tilespmem:$0x6F00]  }
0x22f: {  	v11 =	vld [tilespmem:$0x6F80];
	_ =	sdelay $0x5  }
0x230: {  	v13 =	vld [tilespmem:$0x5E20]  }
0x231: {  	v12 =	vld.idx.msk [tilespmem:v10+s17+$0x0], $0xffff  }
0x232: {  	v11 =	vld.idx.msk [tilespmem:v11+s17+$0x0], $0xffff;
	_ =	sdelay $0x4  }
0x233: {  	v12 =	vadd.f32 v13, v12;
	v11 =	vadd.f32 v13, v11;
	_ =	sdelay $0x1  }
0x234: {  	v13 =	vmul.f32 $5.000000070e-02, v12;
	v14 =	vmul.f32 $5.000000070e-02, v11  }
0x235: {  	vm0 =	vge.f32 v12, $0.0e+00;
	vm1 =	vge.f32 v11, $0.0e+00  }
0x236: {  	v12 =	vsel vm0, v12, v13;
	v11 =	vsel vm1, v11, v14  }
0x237: {  	v11 =	vsub.f32 v11, v12  }
0x238: {  	v12 =	vmul.f32 $1.442695020e+00, v12  }
0x239: {  	v11 =	vmul.f32 $1.442695020e+00, v11  }
0x23a: {  	(erf) = vpow2.f32 v12  }
0x23b: {  	(erf) = vpow2.f32 v11;
	_ =	sdelay $0x3  }
0x23c: {  	v11 =	vshll.u32 v10, $0x4  }
0x23d: {  	v11 =	vand.u32 $0x70, v11  }
0x23e: {  	v12 =	vor.u32 v1, v11  }
0x23f: {  	v11 =	vor.u32 v3, v11  }
0x240: {  	v13 =	vpop (erf)  }
0x241: {  	[tilespmem:$0x5E60] =	vst v13;
	v14 =	vpop (erf)  }
0x242: {  	[tilespmem:$0x5EA0] =	vst v14  }
0x243: {  	[tilespmem:v12+s21+$0x0] =	vst.idx.msk $0xffff, v13  }
0x244: {  	[tilespmem:v11+s21+$0x0] =	vst.idx.msk $0xffff, v4  }
0x245: {  	v11 =	vld [tilespmem:$0x6F10]  }
0x246: {  	v12 =	vld [tilespmem:$0x6F90];
	_ =	sdelay $0x4  }
0x247: {  	v10 =	vshrl.u32 v10, $0x3  }
0x248: {  	[tilespmem:$0x7000] =	vst v10;
	v13 =	vld [tilespmem:$0x5E30]  }
0x249: {  	v10 =	vld.idx.msk [tilespmem:v11+s17+$0x0], $0xffff  }
0x24a: {  	v12 =	vld.idx.msk [tilespmem:v12+s17+$0x0], $0xffff;
	_ =	sdelay $0x4  }
0x24b: {  	v10 =	vadd.f32 v13, v10;
	v12 =	vadd.f32 v13, v12;
	_ =	sdelay $0x1  }
0x24c: {  	v13 =	vmul.f32 $5.000000070e-02, v10;
	v14 =	vmul.f32 $5.000000070e-02, v12  }
0x24d: {  	vm14 =	vge.f32 v10, $0.0e+00;
	vm15 =	vge.f32 v12, $0.0e+00  }
0x24e: {  	v10 =	vsel vm14, v10, v13;
	v12 =	vsel vm15, v12, v14  }
0x24f: {  	v12 =	vsub.f32 v12, v10  }
0x250: {  	v10 =	vmul.f32 $1.442695020e+00, v10  }
0x251: {  	v12 =	vmul.f32 $1.442695020e+00, v12  }
0x252: {  	(erf) = vpow2.f32 v10  }
0x253: {  	(erf) = vpow2.f32 v12;
	_ =	sdelay $0x3  }
0x254: {  	v10 =	vshll.u32 v11, $0x4  }
0x255: {  	v10 =	vand.u32 $0x70, v10  }
0x256: {  	v12 =	vor.u32 v5, v10  }
0x257: {  	v10 =	vor.u32 v7, v10  }
0x258: {  	v13 =	vpop (erf)  }
0x259: {  	v15 =	vmov s2;
	[tilespmem:$0x5E70] =	vst v13;
	v14 =	vpop (erf)  }
0x25a: {  	[tilespmem:$0x5EB0] =	vst v14;
	v14 =	vadd.s32 $0x4E60, v15  }
0x25b: {  	[tilespmem:v12+s21+$0x0] =	vst.idx.msk $0xffff, v13;
	v12 =	vbroadcast v14, $0x0  }
0x25c: {  	[tilespmem:v10+s21+$0x0] =	vst.idx.msk $0xffff, v4;
	v10 =	vshrl.u32 v11, $0x3  }
0x25d: {  	s0 =	simm.s32 $0x40;
	[tilespmem:$0x7010] =	vst v10  }
0x25e: {  	v14 =	vld [tilespmem:s0+$0x30]  }
0x25f: {  	v17 =	vld [tilespmem:s0+$0x10]  }
0x260: {  	v15 =	vld [tilespmem:s0+$0xFFFFFFC0]  }
0x261: {  	v11 =	vld.idx.msk [tilespmem:v12+s17+$0x0], $0xffff  }
0x262: {  	v19 =	vld [tilespmem:s0+$0xFFFFFFE0]  }
0x263: {  	v10 =	vld [tilespmem:s0+$0xFFFFFFF0]  }
0x264: {  	v13 =	vld [tilespmem:s0+$0xFFFFFFD0]  }
0x265: {  	v12 =	vld [tilespmem:s0+$0x20]  }
0x266: {  	v18 =	vmul.f32 v14, v11;
	v14 =	vld [tilespmem:s0+$0x0]  }
0x267: {  	v16 =	vmul.f32 v15, v11  }
0x268: {  	s13 =	simm.s32 $0x1;
	s12 =	simm.s32 $0x2;
	s1 =	simm.s32 $0x40;
	v15 =	vmul.f32 v19, v11;
	v17 =	vmul.f32 v17, v11  }
.LBB2_18:
0x269: {  	p1 =	sne.s32 s12, $0x1F  }
0x26a: {  	v19 =	vmov s13;
	v13 =	vmul.f32 v13, v11;
	v12 =	vmul.f32 v12, v11;
	[tilespmem:s0+$0x30] =	vst v18;
	s1 =	sadd.s32 $0x80, s1;
	s13 =	smov.u32 s12;
	s12 =	sadd.s32 $0x1, s12  }
0x26b: {  	v18 =	vadd.s32 $0x4E60, v19;
	[tilespmem:s0+$0xFFFFFFC0] =	vst v16;
	v16 =	vmul.f32 v10, v11;
	v11 =	vmul.f32 v14, v11  }
0x26c: {  	v14 =	vbroadcast v18, $0x0;
	[tilespmem:s0+$0x10] =	vst v17  }
0x26d: {  	[tilespmem:s0+$0xFFFFFFE0] =	vst v15  }
0x26e: {  	v10 =	vld [tilespmem:s1+$0xFFFFFFF0];
	[tilespmem:s0+$0xFFFFFFF0] =	vst v16  }
0x26f: {  	v15 =	vld [tilespmem:s1+$0x30];
	[tilespmem:s0+$0x0] =	vst v11  }
0x270: {  	v17 =	vld [tilespmem:s1+$0x10];
	[tilespmem:s0+$0x20] =	vst v12  }
0x271: {  	v16 =	vld [tilespmem:s1+$0xFFFFFFC0];
	[tilespmem:s0+$0xFFFFFFD0] =	vst v13;
	s0 =	smov.u32 s1  }
0x272: {  	v11 =	vld.idx.msk [tilespmem:v14+s17+$0x0], $0xffff  }
0x273: {  	v19 =	vld [tilespmem:s1+$0xFFFFFFE0]  }
0x274: {  	v12 =	vld [tilespmem:s1+$0x20]  }
.Ltmp12:
0x275: {  	v13 =	vld [tilespmem:s1+$0xFFFFFFD0];
	(pc) =	sbr.rel @p1 .LBB2_18-.Ltmp12, $3  }
0x276: {  	v14 =	vld [tilespmem:s1+$0x0];
	_ =	sdelay $0x1  }
0x277: {  	v16 =	vmul.f32 v16, v11;
	v18 =	vmul.f32 v15, v11  }
0x278: {  	v17 =	vmul.f32 v17, v11;
	v15 =	vmul.f32 v19, v11  }
0x279: {  	[tilespmem:s0+$0xFFFFFFC0] =	vst v16;
	v16 =	vmov s13  }
0x27a: {  	[tilespmem:s0+$0x30] =	vst v18;
	v16 =	vadd.s32 $0x4E60, v16  }
0x27b: {  	v10 =	vmul.f32 v10, v11;
	[tilespmem:s0+$0xFFFFFFE0] =	vst v15;
	v15 =	vbroadcast v16, $0x0  }
0x27c: {  	s1 =	sadd.s32 $0x80, s1;
	[tilespmem:s0+$0x10] =	vst v17;
	v14 =	vmul.f32 v14, v11  }
0x27d: {  	v12 =	vmul.f32 v12, v11;
	v16 =	vld [tilespmem:s1+$0xFFFFFFF0];
	[tilespmem:s0+$0xFFFFFFF0] =	vst v10  }
0x27e: {  	v11 =	vmul.f32 v13, v11;
	v10 =	vld [tilespmem:s1+$0x30];
	[tilespmem:s0+$0x0] =	vst v14  }
0x27f: {  	v13 =	vld [tilespmem:s1+$0x10];
	[tilespmem:s0+$0x20] =	vst v12  }
0x280: {  	v12 =	vld [tilespmem:s1+$0xFFFFFFC0];
	[tilespmem:s0+$0xFFFFFFD0] =	vst v11  }
0x281: {  	v11 =	vld.idx.msk [tilespmem:v15+s17+$0x0], $0xffff;
	_ =	sdelay $0x2  }
0x282: {  	v14 =	vld [tilespmem:s1+$0xFFFFFFE0];
	_ =	sdelay $0x1  }
0x283: {  	v15 =	vld [tilespmem:s1+$0x0];
	v10 =	vmul.f32 v10, v11  }
0x284: {  	v17 =	vld [tilespmem:s1+$0x20];
	v12 =	vmul.f32 v12, v11  }
0x285: {  	v18 =	vld [tilespmem:s1+$0xFFFFFFD0];
	v13 =	vmul.f32 v13, v11;
	[tilespmem:s1+$0x30] =	vst v10  }
0x286: {  	v10 =	vmul.f32 v14, v11;
	[tilespmem:s1+$0xFFFFFFC0] =	vst v12  }
0x287: {  	v12 =	vmul.f32 v16, v11;
	[tilespmem:s1+$0x10] =	vst v13  }
0x288: {  	v13 =	vmul.f32 v15, v11;
	[tilespmem:s1+$0xFFFFFFE0] =	vst v10  }
0x289: {  	v10 =	vmul.f32 v17, v11;
	[tilespmem:s1+$0xFFFFFFF0] =	vst v12  }
0x28a: {  	v11 =	vmul.f32 v18, v11;
	[tilespmem:s1+$0x0] =	vst v13  }
0x28b: {  	[tilespmem:s1+$0x20] =	vst v10  }
0x28c: {  	s31 =	simm.s32 $0x0;
	[tilespmem:s1+$0xFFFFFFD0] =	vst v11  }
0x28d: {  	[spmem:s3] =	stream.indirect.scatter.add.f32 [tilespmem:s31], [sflag:$0x2], $0x80, s19, s22, $0xb8;
	[tilespmem:$0x1D900] =	vst v63  }
0x28e: {  	_ =	swait.ge [sflag:s18], $0x1000  }
0x28f: {  	[sflag:s18] =	ssyncset.done $0x0  }
0x290: {  	[sflag:s18] =	ssyncadd.s32 $0xFFFFF000  }
0x291: {  	[spmem:s4] =	stream.indirect.scatter.add.f32 [tilespmem:s21], [sflag:$0x2], $0x80, s24, s22, $0xb8;
	[tilespmem:$0x1D900] =	vst v63  }
0x292: {  	_ =	swait.ge [sflag:s18], $0x1000  }
0x293: {  	[sflag:s18] =	ssyncset.done $0x0  }
0x294: {  	[sflag:s18] =	ssyncadd.s32 $0xFFFFF000  }
0x295: {  	v10 =	vld [tilespmem:$0x6F00];
	_ =	sdelay $0x4  }
0x296: {  	v10 =	vshll.u32 v10, $0x4  }
0x297: {  	v10 =	vand.u32 $0x70, v10  }
0x298: {  	v11 =	vor.u32 v1, v10  }
0x299: {  	v10 =	vor.u32 v3, v10;
	_ =	sdelay $0x1  }
0x29a: {  	v12 =	vld [tilespmem:$0x6F80];
	_ =	sdelay $0x1  }
0x29b: {  	[tilespmem:v11+s21+$0x0] =	vst.idx.msk $0xffff, v2  }
0x29c: {  	[tilespmem:v10+s21+$0x0] =	vst.idx.msk $0xffff, v2  }
0x29d: {  	v10 =	vld [tilespmem:$0x5E60]  }
0x29e: {  	v13 =	vshll.u32 v12, $0x4;
	v11 =	vld [tilespmem:$0x5EA0]  }
0x29f: {  	v13 =	vand.u32 $0x70, v13  }
0x2a0: {  	v14 =	vor.u32 v1, v13  }
0x2a1: {  	v13 =	vor.u32 v3, v13;
	_ =	sdelay $0x1  }
0x2a2: {  	v10 =	vmul.f32 v11, v10;
	_ =	sdelay $0x1  }
0x2a3: {  	[tilespmem:v14+s21+$0x0] =	vst.idx.msk $0xffff, v10  }
0x2a4: {  	[tilespmem:v13+s21+$0x0] =	vst.idx.msk $0xffff, v4  }
0x2a5: {  	v10 =	vld [tilespmem:$0x6F10];
	_ =	sdelay $0x4  }
0x2a6: {  	v10 =	vshll.u32 v10, $0x4  }
0x2a7: {  	v10 =	vand.u32 $0x70, v10  }
0x2a8: {  	v11 =	vor.u32 v5, v10  }
0x2a9: {  	v10 =	vor.u32 v7, v10;
	_ =	sdelay $0x1  }
0x2aa: {  	v12 =	vshrl.u32 v12, $0x3;
	v13 =	vld [tilespmem:$0x6F90]  }
0x2ab: {  	[tilespmem:$0x7000] =	vst v12  }
0x2ac: {  	[tilespmem:v11+s21+$0x0] =	vst.idx.msk $0xffff, v2  }
0x2ad: {  	[tilespmem:v10+s21+$0x0] =	vst.idx.msk $0xffff, v2  }
0x2ae: {  	v10 =	vld [tilespmem:$0x5E70]  }
0x2af: {  	v12 =	vshll.u32 v13, $0x4;
	v11 =	vld [tilespmem:$0x5EB0]  }
0x2b0: {  	v12 =	vand.u32 $0x70, v12  }
0x2b1: {  	v14 =	vor.u32 v5, v12  }
0x2b2: {  	v12 =	vor.u32 v7, v12;
	_ =	sdelay $0x1  }
0x2b3: {  	v10 =	vmul.f32 v11, v10;
	v11 =	vmov s31  }
0x2b4: {  	v11 =	vadd.s32 $0x4EA0, v11  }
0x2b5: {  	[tilespmem:v14+s21+$0x0] =	vst.idx.msk $0xffff, v10;
	v10 =	vbroadcast v11, $0x0  }
0x2b6: {  	v11 =	vshrl.u32 v13, $0x3;
	[tilespmem:v12+s21+$0x0] =	vst.idx.msk $0xffff, v4  }
0x2b7: {  	s0 =	simm.s32 $0x40;
	[tilespmem:$0x7010] =	vst v11  }
0x2b8: {  	v14 =	vld [tilespmem:s0+$0x30]  }
0x2b9: {  	v17 =	vld [tilespmem:s0+$0x10]  }
0x2ba: {  	v15 =	vld [tilespmem:s0+$0xFFFFFFC0]  }
0x2bb: {  	v11 =	vld.idx.msk [tilespmem:v10+s17+$0x0], $0xffff  }
0x2bc: {  	v19 =	vld [tilespmem:s0+$0xFFFFFFE0]  }
0x2bd: {  	v12 =	vld [tilespmem:s0+$0x20]  }
0x2be: {  	v13 =	vld [tilespmem:s0+$0xFFFFFFD0]  }
0x2bf: {  	v10 =	vld [tilespmem:s0+$0xFFFFFFF0]  }
0x2c0: {  	v18 =	vmul.f32 v14, v11;
	v14 =	vld [tilespmem:s0+$0x0]  }
0x2c1: {  	v16 =	vmul.f32 v15, v11  }
0x2c2: {  	s13 =	simm.s32 $0x1;
	s12 =	simm.s32 $0x2;
	s1 =	simm.s32 $0x40;
	v15 =	vmul.f32 v19, v11;
	v17 =	vmul.f32 v17, v11  }
.LBB2_20:
0x2c3: {  	p1 =	sne.s32 s12, $0x1F  }
0x2c4: {  	v19 =	vmov s13;
	v13 =	vmul.f32 v13, v11;
	v12 =	vmul.f32 v12, v11;
	[tilespmem:s0+$0x30] =	vst v18;
	s1 =	sadd.s32 $0x80, s1;
	s13 =	smov.u32 s12;
	s12 =	sadd.s32 $0x1, s12  }
0x2c5: {  	v18 =	vadd.s32 $0x4EA0, v19;
	[tilespmem:s0+$0xFFFFFFC0] =	vst v16;
	v16 =	vmul.f32 v10, v11;
	v11 =	vmul.f32 v14, v11  }
0x2c6: {  	v14 =	vbroadcast v18, $0x0;
	[tilespmem:s0+$0x10] =	vst v17  }
0x2c7: {  	[tilespmem:s0+$0xFFFFFFE0] =	vst v15  }
0x2c8: {  	v10 =	vld [tilespmem:s1+$0xFFFFFFF0];
	[tilespmem:s0+$0xFFFFFFF0] =	vst v16  }
0x2c9: {  	v15 =	vld [tilespmem:s1+$0x30];
	[tilespmem:s0+$0x0] =	vst v11  }
0x2ca: {  	v17 =	vld [tilespmem:s1+$0x10];
	[tilespmem:s0+$0x20] =	vst v12  }
0x2cb: {  	v16 =	vld [tilespmem:s1+$0xFFFFFFC0];
	[tilespmem:s0+$0xFFFFFFD0] =	vst v13;
	s0 =	smov.u32 s1  }
0x2cc: {  	v11 =	vld.idx.msk [tilespmem:v14+s17+$0x0], $0xffff  }
0x2cd: {  	v19 =	vld [tilespmem:s1+$0xFFFFFFE0]  }
0x2ce: {  	v12 =	vld [tilespmem:s1+$0x20]  }
.Ltmp13:
0x2cf: {  	v13 =	vld [tilespmem:s1+$0xFFFFFFD0];
	(pc) =	sbr.rel @p1 .LBB2_20-.Ltmp13, $3  }
0x2d0: {  	v14 =	vld [tilespmem:s1+$0x0];
	_ =	sdelay $0x1  }
0x2d1: {  	v16 =	vmul.f32 v16, v11;
	v18 =	vmul.f32 v15, v11  }
0x2d2: {  	v17 =	vmul.f32 v17, v11;
	v15 =	vmul.f32 v19, v11  }
0x2d3: {  	[tilespmem:s0+$0x30] =	vst v18;
	v55 =	vmov s13  }
0x2d4: {  	[tilespmem:s0+$0xFFFFFFC0] =	vst v16;
	v16 =	vadd.s32 $0x4EA0, v55  }
0x2d5: {  	v10 =	vmul.f32 v10, v11;
	[tilespmem:s0+$0x10] =	vst v17;
	v56 =	vbroadcast v16, $0x0  }
0x2d6: {  	s1 =	sadd.s32 $0x80, s1;
	[tilespmem:s0+$0xFFFFFFE0] =	vst v15;
	v14 =	vmul.f32 v14, v11  }
0x2d7: {  	v12 =	vmul.f32 v12, v11;
	v11 =	vmul.f32 v13, v11;
	v57 =	vld [tilespmem:s1+$0xFFFFFFF0];
	[tilespmem:s0+$0xFFFFFFF0] =	vst v10  }
0x2d8: {  	v10 =	vld [tilespmem:s1+$0x30];
	[tilespmem:s0+$0x0] =	vst v14  }
0x2d9: {  	v59 =	vld [tilespmem:s1+$0xFFFFFFC0];
	[tilespmem:s0+$0xFFFFFFD0] =	vst v11  }
0x2da: {  	v58 =	vld [tilespmem:s1+$0x10];
	[tilespmem:s0+$0x20] =	vst v12  }
0x2db: {  	v11 =	vld.idx.msk [tilespmem:v56+s17+$0x0], $0xffff;
	_ =	sdelay $0x3  }
0x2dc: {  	v14 =	vld [tilespmem:s1+$0xFFFFFFE0]  }
0x2dd: {  	v60 =	vld [tilespmem:s1+$0x0];
	v10 =	vmul.f32 v10, v11  }
0x2de: {  	v17 =	vld [tilespmem:s1+$0x20];
	v12 =	vmul.f32 v59, v11  }
0x2df: {  	v61 =	vld [tilespmem:s1+$0xFFFFFFD0];
	v13 =	vmul.f32 v58, v11;
	[tilespmem:s1+$0x30] =	vst v10  }
0x2e0: {  	v62 =	vmul.f32 v57, v11;
	[tilespmem:s1+$0xFFFFFFC0] =	vst v12  }
0x2e1: {  	v10 =	vmul.f32 v14, v11;
	[tilespmem:s1+$0x10] =	vst v13  }
0x2e2: {  	v63 =	vmul.f32 v60, v11;
	[tilespmem:s1+$0xFFFFFFF0] =	vst v62  }
0x2e3: {  	[tilespmem:s1+$0xFFFFFFE0] =	vst v10;
	v10 =	vmul.f32 v17, v11  }
0x2e4: {  	[tilespmem:s1+$0x0] =	vst v63;
	v11 =	vmul.f32 v61, v11  }
0x2e5: {  	[tilespmem:s1+$0x20] =	vst v10  }
0x2e6: {  	[tilespmem:s1+$0xFFFFFFD0] =	vst v11  }
0x2e7: {  	[spmem:s3] =	stream.indirect.scatter.add.f32 [tilespmem:s5], [sflag:$0x2], $0x80, s20, s22, $0xb8;
	[tilespmem:$0x1D900] =	vst v63  }
0x2e8: {  	_ =	swait.ge [sflag:s18], $0x1000  }
0x2e9: {  	[sflag:s18] =	ssyncset.done $0x0  }
0x2ea: {  	[sflag:s18] =	ssyncadd.s32 $0xFFFFF000  }
0x2eb: {  	[spmem:s4] =	stream.indirect.scatter.add.f32 [tilespmem:s21], [sflag:$0x2], $0x80, s24, s22, $0xb8;
	[tilespmem:$0x1D900] =	vst v63  }
0x2ec: {  	_ =	swait.ge [sflag:s18], $0x1000  }
0x2ed: {  	[sflag:s18] =	ssyncset.done $0x0  }
0x2ee: {  	[sflag:s18] =	ssyncadd.s32 $0xFFFFF000  }
0x2ef: {  	v10 =	vld [tilespmem:$0x6F80];
	_ =	sdelay $0x4  }
0x2f0: {  	v10 =	vshll.u32 v10, $0x4  }
0x2f1: {  	v10 =	vand.u32 $0x70, v10  }
0x2f2: {  	v11 =	vor.u32 v1, v10  }
0x2f3: {  	v10 =	vor.u32 v3, v10;
	_ =	sdelay $0x3  }
0x2f4: {  	[tilespmem:v11+s21+$0x0] =	vst.idx.msk $0xffff, v2  }
0x2f5: {  	[tilespmem:v10+s21+$0x0] =	vst.idx.msk $0xffff, v2  }
0x2f6: {  	v10 =	vld [tilespmem:$0x6F90];
	_ =	sdelay $0x4  }
0x2f7: {  	v10 =	vshll.u32 v10, $0x4  }
0x2f8: {  	v10 =	vand.u32 $0x70, v10  }
0x2f9: {  	s7 =	sadd.s32 $0x1, s7;
	v11 =	vor.u32 v5, v10  }
0x2fa: {  	p1 =	seq.s32 s7, $0x271;
	v10 =	vor.u32 v7, v10  }
.Ltmp14:
0x2fb: {  	_ = 	snop;
	(pc) =	sbr.rel @!p1 .LBB2_17-.Ltmp14, $3  }
0x2fc: {  	_ =	sdelay $0x1  }
0x2fd: {  	[tilespmem:v11+s21+$0x0] =	vst.idx.msk $0xffff, v2  }
0x2fe: {  	[tilespmem:v10+s21+$0x0] =	vst.idx.msk $0xffff, v2  }
.Ltmp15:
0x2ff: {  	(pc) =	sbr.rel .LBB2_23-.Ltmp15, $3  }
0x300: {  	_ =	sdelay $0x1  }
0x301: {  	[bflag:$0x0] =	sbarrier.arrive $0xFFFF  }
0x302: {  	s0 =	simm.s32 $0x0  }
.LBB2_26:
0x303: {  	v16 =	vnsel vm0, $0x0, v16  }
0x304: {  	v13 =	vmul.f32 v13, v16;
	v14 =	vmul.f32 v14, v16  }
0x305: {  	v11 =	vmul.f32 v11, v16;
	v15 =	vmul.f32 v16, v15  }
0x306: {  	v17 =	vld [tilespmem:s2+$0xFFFFFFD0];
	v12 =	vmul.f32 v12, v16;
	v10 =	vmul.f32 v16, v10  }
0x307: {  	v19 =	vld [tilespmem:s2+$0xFFFFFFF0];
	v18 =	vmul.f32 $5.000000070e-02, v14;
	v20 =	vmul.f32 $5.000000070e-02, v11  }
0x308: {  	vm1 =	vge.f32 v14, $0.0e+00;
	vm2 =	vge.f32 v11, $0.0e+00;
	v21 =	vmul.f32 $5.000000070e-02, v12  }
0x309: {  	v22 =	vmul.f32 $5.000000070e-02, v13;
	v59 =	vmul.f32 $5.000000070e-02, v10;
	v11 =	vsel vm2, v11, v20  }
0x30a: {  	vm11 =	vge.f32 v12, $0.0e+00;
	vm12 =	vge.f32 v10, $0.0e+00;
	v14 =	vsel vm1, v14, v18;
	[tilespmem:s2+$0x30] =	vst v11  }
0x30b: {  	v60 =	vmul.f32 $5.000000070e-02, v15;
	v12 =	vsel vm11, v12, v21;
	v11 =	vmul.f32 v16, v17;
	[tilespmem:s2+$0x20] =	vst v14  }
0x30c: {  	vm13 =	vge.f32 v15, $0.0e+00;
	v10 =	vsel vm12, v10, v59;
	v16 =	vmul.f32 v16, v19;
	[tilespmem:s2+$0x0] =	vst v12  }
0x30d: {  	vm10 =	vge.f32 v13, $0.0e+00;
	v62 =	vsel vm13, v15, v60;
	[tilespmem:s2+$0xFFFFFFE0] =	vst v10;
	v61 =	vmul.f32 $5.000000070e-02, v11  }
0x30e: {  	v10 =	vsel vm10, v13, v22;
	[tilespmem:s2+$0xFFFFFFC0] =	vst v62;
	vm14 =	vge.f32 v11, $0.0e+00;
	v63 =	vmul.f32 $5.000000070e-02, v16  }
0x30f: {  	[tilespmem:s2+$0x10] =	vst v10;
	vm15 =	vge.f32 v16, $0.0e+00;
	v10 =	vsel vm14, v11, v61  }
0x310: {  	s1 =	sshll.u32 s1, $0x8;
	s31 =	rddreg [dreg:$0x8];
	[tilespmem:s2+$0xFFFFFFD0] =	vst v10;
	v10 =	vsel vm15, v16, v63  }
0x311: {  	s1 =	sadd.s32 s31, s1;
	[tilespmem:s2+$0xFFFFFFF0] =	vst v10  }
0x312: {  	[hbm4b:s1+s5] =	stream.linear.scatter [tilespmem:s28], [sflag:$0x2], $0x800, $0x38;
	[tilespmem:$0x1D900] =	vst v63  }
0x313: {  	_ =	swait.ge [sflag:s18], $0x800  }
0x314: {  	[sflag:s18] =	ssyncset.done $0x0  }
0x315: {  	[sflag:s18] =	ssyncadd.s32 $0xFFFFF800  }
.LBB2_27:
0x316: {  	s0 =	sadd.s32 $0x1, s0  }
0x317: {  	p1 =	sne.s32 s0, $0x28  }
.Ltmp16:
0x318: {  	_ = 	snop;
	(pc) =	sbr.rel @!p1 .LBB2_28-.Ltmp16, $1  }
0x319: {  	_ =	sdelay $0x3  }
.LBB2_23:
0x31a: {  	s1 =	sshll.u32 s0, $0x4  }
0x31b: {  	s1 =	sor.u32 s9, s1  }
0x31c: {  	p1 =	sgt.u32 s1, $0x270  }
.Ltmp17:
0x31d: {  	_ = 	snop;
	(pc) =	sbr.rel @p1 .LBB2_27-.Ltmp17, $1  }
0x31e: {  	_ =	sdelay $0x3  }
0x31f: {  	s2 =	sshll.u32 s1, $0x4  }
0x320: {  	v10 =	vor.u32 s2, v0  }
0x321: {  	[tilespmem:$0x7080] =	vst v10  }
0x322: {  	[tilespmem:s28], [sflag:$0x1] =	stream.indirect.gather [spmem:s3], $0x80, s26, s25, $0xb8;
	[tilespmem:$0x1D900] =	vst v63  }
0x323: {  	_ =	swait.ge [sflag:s23], $0x800  }
0x324: {  	[sflag:s23] =	ssyncset.done $0x0  }
0x325: {  	v10 =	vshrl.u32 v10, $0x3;
	[sflag:s23] =	ssyncadd.s32 $0xFFFFF800  }
0x326: {  	s7 =	simm.s32 $0x5F00;
	s12 =	simm.s32 $0x0;
	[tilespmem:$0x7080] =	vst v10  }
0x327: {  	[tilespmem:s7], [sflag:$0x1] =	stream.indirect.gather [spmem:s4], $0x80, s26, s25, $0xb8;
	[tilespmem:$0x1D900] =	vst v63  }
0x328: {  	s31 =	sand.u32 $0x7, s12;
	_ =	swait.ge [sflag:s23], $0x800  }
0x329: {  	s2 =	sshll.u32 s31, $0x4;
	[sflag:s23] =	ssyncset.done $0x0  }
0x32a: {  	s2 =	sadd.s32 $0x5F00, s2;
	[sflag:s23] =	ssyncadd.s32 $0xFFFFF800  }
0x32b: {  	v10 =	vld [tilespmem:s2+$0x0];
	_ =	sdelay $0x4  }
0x32c: {  	v11 =	vmul.f32 v8, v10  }
0x32d: {  	v10 =	vmul.f32 v6, v10  }
0x32e: {  	(xrf2) =	vadd.scan.msk.f32 $0xffff, v11  }
0x32f: {  	(xrf2) =	vadd.scan.msk.f32 $0xffff, v10;
	_ =	sdelay $0x8  }
0x330: {  	v10, _, _ =	vpop (xrf2)  }
0x331: {  	v10 =	vmax.f32 v10, $1.000000000e+00;
	v11, _, _ =	vpop (xrf2)  }
0x332: {  	v10 =	vmul.f32 v10, v11;
	_ =	sdelay $0x1  }
0x333: {  	v10 =	vbroadcast v10, $0xF;
	_ =	sdelay $0x1  }
0x334: {  	(erf) = vrcp.f32 v10;
	_ =	sdelay $0x1  }
0x335: {  	vm0 =	vgt.f32 v11, $0.0e+00  }
0x336: {  	s13 =	simm.s32 $0x7140;
	v12 =	vsel vm0, $0x1, v9  }
0x337: {  	v13 =	vld [tilespmem:s13+$0x10];
	v12 =	vbroadcast v12, $0xF  }
0x338: {  	v14 =	vld [tilespmem:s13+$0x20]  }
0x339: {  	v15 =	vld [tilespmem:s13+$0xFFFFFFC0];
	v16 =	vand.u32 $0x1, v12  }
0x33a: {  	v11 =	vld [tilespmem:s13+$0x30]  }
0x33b: {  	v12 =	vld [tilespmem:s13+$0x0]  }
0x33c: {  	s15 =	simm.s32 $0x10;
	s2 =	simm.s32 $0x7140;
	v10 =	vld [tilespmem:s13+$0xFFFFFFE0];
	vm0 =	veq.s32 v16, $0x1;
	v16 =	vpop (erf)  }
.LBB2_25:
0x33d: {  	v16 =	vnsel vm0, $0x0, v16;
	s7 =	sadd.s32 $0x80, s7;
	s12 =	sadd.s32 $0x1, s12;
	s13 =	sadd.s32 $0x80, s13  }
0x33e: {  	p1 =	sne.s32 s15, $0xF0;
	s15 =	sadd.s32 $0x10, s15;
	v13 =	vmul.f32 v13, v16;
	v14 =	vmul.f32 v14, v16  }
0x33f: {  	v15 =	vmul.f32 v16, v15;
	v11 =	vmul.f32 v11, v16;
	v17 =	vld [tilespmem:s2+$0xFFFFFFD0]  }
0x340: {  	v12 =	vmul.f32 v12, v16;
	vm0 =	vge.f32 v13, $0.0e+00;
	v18 =	vmul.f32 $5.000000070e-02, v14  }
0x341: {  	v19 =	vmul.f32 $5.000000070e-02, v15;
	vm1 =	vge.f32 v14, $0.0e+00;
	v21 =	vmul.f32 $5.000000070e-02, v11;
	v20 =	vld [tilespmem:s2+$0xFFFFFFF0]  }
0x342: {  	v10 =	vmul.f32 v16, v10;
	v22 =	vmul.f32 $5.000000070e-02, v12;
	vm2 =	vge.f32 v11, $0.0e+00  }
0x343: {  	v23 =	vmul.f32 $5.000000070e-02, v13;
	v14 =	vsel vm1, v14, v18;
	v11 =	vsel vm2, v11, v21  }
0x344: {  	v18 =	vmul.f32 $5.000000070e-02, v10;
	vm1 =	vge.f32 v12, $0.0e+00;
	v17 =	vmul.f32 v16, v17;
	[tilespmem:s2+$0x30] =	vst v11  }
0x345: {  	s16 =	sand.u32 $0x7, s12;
	vm3 =	vge.f32 v10, $0.0e+00;
	vm2 =	vge.f32 v15, $0.0e+00;
	v11 =	vsel vm1, v12, v22;
	[tilespmem:s2+$0x20] =	vst v14  }
0x346: {  	s16 =	sshll.u32 s16, $0x4;
	v10 =	vsel vm3, v10, v18;
	v12 =	vmul.f32 $5.000000070e-02, v17;
	v14 =	vmul.f32 v16, v20;
	[tilespmem:s2+$0x0] =	vst v11  }
0x347: {  	s16 =	sadd.s32 s16, s7;
	v11 =	vsel vm2, v15, v19;
	vm1 =	vge.f32 v17, $0.0e+00;
	[tilespmem:s2+$0xFFFFFFE0] =	vst v10;
	v10 =	vsel vm0, v13, v23  }
0x348: {  	v12 =	vsel vm1, v17, v12;
	v13 =	vmul.f32 $5.000000070e-02, v14;
	[tilespmem:s2+$0x10] =	vst v10  }
0x349: {  	vm0 =	vge.f32 v14, $0.0e+00;
	[tilespmem:s2+$0xFFFFFFC0] =	vst v11  }
0x34a: {  	[tilespmem:s2+$0xFFFFFFD0] =	vst v12;
	v11 =	vsel vm0, v14, v13  }
0x34b: {  	v10 =	vld [tilespmem:s13+$0xFFFFFFE0];
	[tilespmem:s2+$0xFFFFFFF0] =	vst v11;
	s2 =	smov.u32 s13  }
0x34c: {  	v11 =	vld [tilespmem:s16+$0x0];
	_ =	sdelay $0x4  }
0x34d: {  	v12 =	vmul.f32 v6, v11;
	v11 =	vmul.f32 v8, v11;
	_ =	sdelay $0x1  }
0x34e: {  	(xrf2) =	vadd.scan.msk.f32 $0xffff, v11;
	_ =	sdelay $0x2  }
0x34f: {  	(xrf2) =	vadd.scan.msk.f32 $0xffff, v12;
	_ =	sdelay $0x6  }
0x350: {  	v11, _, _ =	vpop (xrf2);
	_ =	sdelay $0x2  }
0x351: {  	v11 =	vmax.f32 v11, $1.000000000e+00;
	v12, _, _ =	vpop (xrf2)  }
0x352: {  	vm0 =	vgt.f32 v12, $0.0e+00;
	v11 =	vmul.f32 v11, v12  }
0x353: {  	v12 =	vsel vm0, $0x1, v9  }
0x354: {  	v12 =	vbroadcast v12, $0xF;
	v11 =	vbroadcast v11, $0xF;
	_ =	sdelay $0x1  }
0x355: {  	v16 =	vand.u32 $0x1, v12;
	(erf) = vrcp.f32 v11;
	_ =	sdelay $0x3  }
0x356: {  	v11 =	vld [tilespmem:s13+$0x30]  }
.Ltmp18:
0x357: {  	v13 =	vld [tilespmem:s13+$0x10];
	(pc) =	sbr.rel @p1 .LBB2_25-.Ltmp18, $4  }
0x358: {  	v14 =	vld [tilespmem:s13+$0x20]  }
0x359: {  	v15 =	vld [tilespmem:s13+$0xFFFFFFC0]  }
0x35a: {  	v12 =	vld [tilespmem:s13+$0x0]  }
0x35b: {  	vm0 =	veq.s32 v16, $0x1;
	v16 =	vpop (erf)  }
.Ltmp19:
0x35c: {  	_ = 	snop;
	(pc) =	sbr.rel .LBB2_26-.Ltmp19, $1  }
0x35d: {  	_ =	sdelay $0x3  }
.LBB2_29:
0x35e: {  	_ =	sfence.sel $0x180000  }
0x35f: {  	[bflag:$0x0] =	sbarrier.arrive $0xFFFF  }
0x360: {  	_ =	strace $0x90000047  }
0x361: {  	[bflag:$0x2] =	sbarrier.arrive $0xFFFF  }
0x362: {  	p0 =	sne.s32 s9, $0x0;
	s0 =	rddreg [dreg:$0x4]  }
0x363: {  	s0 =	sadd.s32 @!p0 $0x100000, s0  }
0x364: {  	[sflag:s0] =	ssyncadd.tile.s32 @!p0 $0x1;
	_ =	shalt  }
.Lfunc_end2:
_tile_overlayer_lowered:
.L_overlay_start_2:
0x365: {  	(tag) =	ssettag $0x2  }
0x366: {  	s0 =	rddreg [dreg:$0x0];
	s2 =	stileid.u32  }
0x367: {  	s1 =	rddreg [dreg:$0x1];
	p0 =	sne.s32 s2, $0x0  }
0x368: {  	s3 =	rddreg [dreg:$0x2];
	[bflag:$0x3] =	sbarrier.arrive $0xFFFF;
	s2 =	simm.s32 @!p0 $0x1C02  }
0x369: {  	[timem:s3], [sflag:s2] =	dma.local @!p0 [hbm:s0], s1  }
0x36a: {  	s0 =	simm.s32 @!p0 $0x2  }
0x36b: {  	_ =	swait.ge @!p0 [sflag:s0], s1  }
0x36c: {  	s1 =	ssub.s32 @!p0 $0x0, s1;
	[sflag:s0] =	ssyncset.done @!p0 $0x0  }
0x36d: {  	[sflag:s0] =	ssyncadd.s32 @!p0 s1  }
0x36e: {  	[bflag:$0x3] =	sbarrier.arrive $0xFFFF  }
0x36f: {  	_ =	shalt  }

</sc_bundles>
